<compile_context>
chip_gen: v7x
topology: tpu7x:2x2x1
jax: 0.10.2.dev20260603
libtpu: 0.0.44.dev20260713+nightly
codegen_flags: <defaults>
</compile_context>

<pallas_src>
import functools

import jax
import jax.numpy as jnp
from jax import lax
from jax.experimental import pallas as pl
from jax.experimental.pallas import tpu as pltpu
from jax.experimental.pallas import tpu_sc as plsc

_N_NODES = 100_000
_DIM = 256
_BLOCK = 4
_M = _N_NODES * _DIM // _BLOCK

_NW = 32
_CROWS = 128
_CHUNK = _CROWS * _DIM // _BLOCK
_NCHUNKS = _N_NODES // _CROWS
_TAIL_W = _NCHUNKS % _NW
_TAIL_ROWS = _N_NODES - _NCHUNKS * _CROWS
_TAIL_CHUNK = _TAIL_ROWS * _DIM // _BLOCK
_MAX_ORD = 26
_NBUF = 2


def _epq_body(table_hbm, idx_hbm, out_hbm, table_v, idx_v0, idx_v1,
              out_v0, out_v1, sem_in0, sem_in1, sem_out0, sem_out1):
    idx_v = (idx_v0, idx_v1)
    out_v = (out_v0, out_v1)
    sem_in = (sem_in0, sem_in1)
    sem_out = (sem_out0, sem_out1)
    info = plsc.get_sparse_core_info()
    nc = info.num_cores
    wid = lax.axis_index("s") * nc + lax.axis_index("c")

    pltpu.sync_copy(table_hbm, table_v)

    iota = lax.iota(jnp.int32, 16)
    col = [[iota * 4 + (64 * r + c) for c in range(4)] for r in range(4)]

    def start_in(j, b):
        pltpu.async_copy(idx_hbm.at[pl.ds(j * _CHUNK, _CHUNK)],
                         idx_v[b], sem_in[b])

    def start_out(j, b):
        pltpu.async_copy(out_v[b], out_hbm.at[pl.ds(j * _CROWS, _CROWS)],
                         sem_out[b])

    def wait_in(b):
        pltpu.make_async_copy(idx_hbm.at[pl.ds(0, _CHUNK)],
                              idx_v[b], sem_in[b]).wait()

    def wait_out(b):
        pltpu.make_async_copy(out_v[b], out_hbm.at[pl.ds(0, _CROWS)],
                              sem_out[b]).wait()

    def compute(b, quads):
        idx_ref = idx_v[b]
        out_ref = out_v[b]

        @plsc.parallel_loop(0, quads, unroll=4)
        def _quad(q):
            row = jnp.full((16,), q, dtype=jnp.int32)
            for r in range(4):
                a = idx_ref[pl.ds((q * 4 + r) * 16, 16)]
                f = a * 4
                for c in range(4):
                    v = plsc.load_gather(table_v, [f + c])
                    plsc.store_scatter(out_ref, [row, col[r][c]], v)

    @pl.when(wid == _TAIL_W)
    def _():
        pltpu.sync_copy(idx_hbm.at[pl.ds(_NCHUNKS * _CHUNK, _TAIL_CHUNK)],
                        idx_v0.at[pl.ds(0, _TAIL_CHUNK)])
        compute(0, _TAIL_ROWS)
        pltpu.sync_copy(out_v0.at[pl.ds(0, _TAIL_ROWS)],
                        out_hbm.at[pl.ds(_NCHUNKS * _CROWS, _TAIL_ROWS)])

    start_in(wid, 0)
    start_in(wid + _NW, 1)

    @pl.loop(0, _MAX_ORD, step=_NBUF)
    def _outer(k0):
        for b in range(_NBUF):
            k = k0 + b
            j = wid + k * _NW

            @pl.when(j < _NCHUNKS)
            def _():
                wait_in(b)

                @pl.when(k >= _NBUF)
                def _():
                    wait_out(b)

                compute(b, _CROWS)
                start_out(j, b)

                @pl.when(j + _NBUF * _NW < _NCHUNKS)
                def _():
                    start_in(j + _NBUF * _NW, b)

    wait_out(0)
    wait_out(1)


_epq = functools.partial(
    pl.kernel,
    out_type=jax.ShapeDtypeStruct((_N_NODES, _DIM), jnp.float32),
    mesh=plsc.VectorSubcoreMesh(core_axis_name="c", subcore_axis_name="s"),
    scratch_types=[
        pltpu.VMEM((1024,), jnp.float32),
        pltpu.VMEM((_CHUNK,), jnp.int32),
        pltpu.VMEM((_CHUNK,), jnp.int32),
        pltpu.VMEM((_CROWS, _DIM), jnp.float32),
        pltpu.VMEM((_CROWS, _DIM), jnp.float32),
        pltpu.SemaphoreType.DMA,
        pltpu.SemaphoreType.DMA,
        pltpu.SemaphoreType.DMA,
        pltpu.SemaphoreType.DMA,
    ],
    compiler_params=pltpu.CompilerParams(needs_layout_passes=False),
)(_epq_body)


@jax.jit
def kernel(centroids, assignments):
    table = centroids.reshape(-1)
    return _epq(table, assignments)

# --- scband reference (transcript-rebuilt; emitter-appended) ---
"""Pipeline reference for scband-epq-71305047048304 (READ-ONLY COPY).

The authoritative reference and input builder live on the scoring server;
editing this copy changes nothing except your own understanding.
"""

import jax, jax.numpy as jnp
import numpy as np

N_NODES = 100000
DIM = 256
BLOCK = 4
K = 256


def setup_inputs(seed: int = 0) -> dict:
    key = jax.random.key(seed)
    k1, k2 = jax.random.split(key)
    centroids = jax.random.normal(k1, (K, BLOCK), dtype=jnp.float32)
    assignments = jax.random.randint(k2, (N_NODES * DIM // BLOCK,), 0, K, dtype=jnp.int32)
    return {"centroids": centroids, "assignments": assignments}


def reference(centroids, assignments):
    # Faithful translation of EPQ.dequant():
    #   x = self.centroids[self.assignments].reshape(n_nodes, -1, block_size).flatten(1, 2)
    #   return x[:, :dimension]
    gathered = jnp.take(centroids, assignments, axis=0)          # [N*D/B, B] gather (SparseCore-friendly)
    x = gathered.reshape(N_NODES, -1, BLOCK)                      # [N, D/B, B]
    x = x.reshape(N_NODES, -1)                                    # flatten(1, 2) -> [N, D]
    return x[:, :DIM]

if __name__ == "__main__":
    import jax
    _d = setup_inputs()
    print(jax.jit(kernel)(*tuple(_d.values())))

</pallas_src>

<mosaic_0001>
#map = affine_map<(d0, d1) -> (0)>
#map1 = affine_map<(d0, d1) -> (0, 0)>
module attributes {stable_mosaic.version = 14 : i64} {
  func.func @_epq_body(%arg0: i32, %arg1: i32, %arg2: memref<1024xf32, #tpu.memory_space<hbm>>, %arg3: memref<6400000xi32, #tpu.memory_space<hbm>>, %arg4: memref<100000x256xf32, #tpu.memory_space<hbm>>, %arg5: memref<1024xf32, #tpu.memory_space<vmem>>, %arg6: memref<8192xi32, #tpu.memory_space<vmem>>, %arg7: memref<8192xi32, #tpu.memory_space<vmem>>, %arg8: memref<128x256xf32, #tpu.memory_space<vmem>>, %arg9: memref<128x256xf32, #tpu.memory_space<vmem>>, %arg10: memref<!tpu.dma_semaphore, #tpu.memory_space<semaphore_mem>>, %arg11: memref<!tpu.dma_semaphore, #tpu.memory_space<semaphore_mem>>, %arg12: memref<!tpu.dma_semaphore, #tpu.memory_space<semaphore_mem>>, %arg13: memref<!tpu.dma_semaphore, #tpu.memory_space<semaphore_mem>>) attributes {dimension_semantics = [#tpu.dimension_semantics<core_parallel>, #tpu.dimension_semantics<subcore_parallel>], iteration_bounds = array<i64: 2, 16>, scalar_prefetch = 0 : i64, scratch_operands = 9 : i64, tpu.core_type = #tpu.core_type<sc_vector_subcore>, window_params = [{transform_indices = #map}, {transform_indices = #map}, {transform_indices = #map1}]} {
    %mul3A = arith.constant 2 : i32
    %mul3A_0 = arith.muli %arg1, %mul3A : i32
    %add3A = arith.addi %mul3A_0, %arg0 : i32
    "tpu.region"() ({
      %run_scoped3A = tpu.sem_alloc : memref<!tpu.dma_semaphore, #tpu.memory_space<semaphore_mem>>
      tpu.enqueue_dma source(%arg2 : memref<1024xf32, #tpu.memory_space<hbm>>) target(%arg5 : memref<1024xf32, #tpu.memory_space<vmem>>) target_semaphore(%run_scoped3A : memref<!tpu.dma_semaphore, #tpu.memory_space<semaphore_mem>>)
      tpu.wait_dma2 semaphore(%run_scoped3A : memref<!tpu.dma_semaphore, #tpu.memory_space<semaphore_mem>>) src(%arg2 : memref<1024xf32, #tpu.memory_space<hbm>>) dst(%arg5 : memref<1024xf32, #tpu.memory_space<vmem>>)
      tpu.yield
    }) : () -> ()
    %iota3A = tpu.iota {dimensions = array<i32: 0>} : vector<16xi32>
    %mul3A_1 = arith.constant 4 : i32
    %mul3A_2 = vector.broadcast %mul3A_1 : i32 to vector<16xi32>
    %mul3A_3 = arith.muli %iota3A, %mul3A_2 : vector<16xi32>
    %add3A_4 = arith.constant 0 : i32
    %add3A_5 = vector.broadcast %add3A_4 : i32 to vector<16xi32>
    %add3A_6 = arith.addi %mul3A_3, %add3A_5 : vector<16xi32>
    %mul3A_7 = arith.constant 4 : i32
    %mul3A_8 = vector.broadcast %mul3A_7 : i32 to vector<16xi32>
    %mul3A_9 = arith.muli %iota3A, %mul3A_8 : vector<16xi32>
    %add3A_10 = arith.constant 1 : i32
    %add3A_11 = vector.broadcast %add3A_10 : i32 to vector<16xi32>
    %add3A_12 = arith.addi %mul3A_9, %add3A_11 : vector<16xi32>
    %mul3A_13 = arith.constant 4 : i32
    %mul3A_14 = vector.broadcast %mul3A_13 : i32 to vector<16xi32>
    %mul3A_15 = arith.muli %iota3A, %mul3A_14 : vector<16xi32>
    %add3A_16 = arith.constant 2 : i32
    %add3A_17 = vector.broadcast %add3A_16 : i32 to vector<16xi32>
    %add3A_18 = arith.addi %mul3A_15, %add3A_17 : vector<16xi32>
    %mul3A_19 = arith.constant 4 : i32
    %mul3A_20 = vector.broadcast %mul3A_19 : i32 to vector<16xi32>
    %mul3A_21 = arith.muli %iota3A, %mul3A_20 : vector<16xi32>
    %add3A_22 = arith.constant 3 : i32
    %add3A_23 = vector.broadcast %add3A_22 : i32 to vector<16xi32>
    %add3A_24 = arith.addi %mul3A_21, %add3A_23 : vector<16xi32>
    %mul3A_25 = arith.constant 4 : i32
    %mul3A_26 = vector.broadcast %mul3A_25 : i32 to vector<16xi32>
    %mul3A_27 = arith.muli %iota3A, %mul3A_26 : vector<16xi32>
    %add3A_28 = arith.constant 64 : i32
    %add3A_29 = vector.broadcast %add3A_28 : i32 to vector<16xi32>
    %add3A_30 = arith.addi %mul3A_27, %add3A_29 : vector<16xi32>
    %mul3A_31 = arith.constant 4 : i32
    %mul3A_32 = vector.broadcast %mul3A_31 : i32 to vector<16xi32>
    %mul3A_33 = arith.muli %iota3A, %mul3A_32 : vector<16xi32>
    %add3A_34 = arith.constant 65 : i32
    %add3A_35 = vector.broadcast %add3A_34 : i32 to vector<16xi32>
    %add3A_36 = arith.addi %mul3A_33, %add3A_35 : vector<16xi32>
    %mul3A_37 = arith.constant 4 : i32
    %mul3A_38 = vector.broadcast %mul3A_37 : i32 to vector<16xi32>
    %mul3A_39 = arith.muli %iota3A, %mul3A_38 : vector<16xi32>
    %add3A_40 = arith.constant 66 : i32
    %add3A_41 = vector.broadcast %add3A_40 : i32 to vector<16xi32>
    %add3A_42 = arith.addi %mul3A_39, %add3A_41 : vector<16xi32>
    %mul3A_43 = arith.constant 4 : i32
    %mul3A_44 = vector.broadcast %mul3A_43 : i32 to vector<16xi32>
    %mul3A_45 = arith.muli %iota3A, %mul3A_44 : vector<16xi32>
    %add3A_46 = arith.constant 67 : i32
    %add3A_47 = vector.broadcast %add3A_46 : i32 to vector<16xi32>
    %add3A_48 = arith.addi %mul3A_45, %add3A_47 : vector<16xi32>
    %mul3A_49 = arith.constant 4 : i32
    %mul3A_50 = vector.broadcast %mul3A_49 : i32 to vector<16xi32>
    %mul3A_51 = arith.muli %iota3A, %mul3A_50 : vector<16xi32>
    %add3A_52 = arith.constant 128 : i32
    %add3A_53 = vector.broadcast %add3A_52 : i32 to vector<16xi32>
    %add3A_54 = arith.addi %mul3A_51, %add3A_53 : vector<16xi32>
    %mul3A_55 = arith.constant 4 : i32
    %mul3A_56 = vector.broadcast %mul3A_55 : i32 to vector<16xi32>
    %mul3A_57 = arith.muli %iota3A, %mul3A_56 : vector<16xi32>
    %add3A_58 = arith.constant 129 : i32
    %add3A_59 = vector.broadcast %add3A_58 : i32 to vector<16xi32>
    %add3A_60 = arith.addi %mul3A_57, %add3A_59 : vector<16xi32>
    %mul3A_61 = arith.constant 4 : i32
    %mul3A_62 = vector.broadcast %mul3A_61 : i32 to vector<16xi32>
    %mul3A_63 = arith.muli %iota3A, %mul3A_62 : vector<16xi32>
    %add3A_64 = arith.constant 130 : i32
    %add3A_65 = vector.broadcast %add3A_64 : i32 to vector<16xi32>
    %add3A_66 = arith.addi %mul3A_63, %add3A_65 : vector<16xi32>
    %mul3A_67 = arith.constant 4 : i32
    %mul3A_68 = vector.broadcast %mul3A_67 : i32 to vector<16xi32>
    %mul3A_69 = arith.muli %iota3A, %mul3A_68 : vector<16xi32>
    %add3A_70 = arith.constant 131 : i32
    %add3A_71 = vector.broadcast %add3A_70 : i32 to vector<16xi32>
    %add3A_72 = arith.addi %mul3A_69, %add3A_71 : vector<16xi32>
    %mul3A_73 = arith.constant 4 : i32
    %mul3A_74 = vector.broadcast %mul3A_73 : i32 to vector<16xi32>
    %mul3A_75 = arith.muli %iota3A, %mul3A_74 : vector<16xi32>
    %add3A_76 = arith.constant 192 : i32
    %add3A_77 = vector.broadcast %add3A_76 : i32 to vector<16xi32>
    %add3A_78 = arith.addi %mul3A_75, %add3A_77 : vector<16xi32>
    %mul3A_79 = arith.constant 4 : i32
    %mul3A_80 = vector.broadcast %mul3A_79 : i32 to vector<16xi32>
    %mul3A_81 = arith.muli %iota3A, %mul3A_80 : vector<16xi32>
    %add3A_82 = arith.constant 193 : i32
    %add3A_83 = vector.broadcast %add3A_82 : i32 to vector<16xi32>
    %add3A_84 = arith.addi %mul3A_81, %add3A_83 : vector<16xi32>
    %mul3A_85 = arith.constant 4 : i32
    %mul3A_86 = vector.broadcast %mul3A_85 : i32 to vector<16xi32>
    %mul3A_87 = arith.muli %iota3A, %mul3A_86 : vector<16xi32>
    %add3A_88 = arith.constant 194 : i32
    %add3A_89 = vector.broadcast %add3A_88 : i32 to vector<16xi32>
    %add3A_90 = arith.addi %mul3A_87, %add3A_89 : vector<16xi32>
    %mul3A_91 = arith.constant 4 : i32
    %mul3A_92 = vector.broadcast %mul3A_91 : i32 to vector<16xi32>
    %mul3A_93 = arith.muli %iota3A, %mul3A_92 : vector<16xi32>
    %add3A_94 = arith.constant 195 : i32
    %add3A_95 = vector.broadcast %add3A_94 : i32 to vector<16xi32>
    %add3A_96 = arith.addi %mul3A_93, %add3A_95 : vector<16xi32>
    %eq3A = arith.constant 13 : i32
    %eq3A_97 = arith.cmpi eq, %add3A, %eq3A : i32
    %convert_element_type3A = arith.extui %eq3A_97 : i1 to i32
    %cond3A = arith.constant 0 : i32
    %cond3A_98 = arith.cmpi ne, %convert_element_type3A, %cond3A : i32
    scf.if %cond3A_98 {
      "tpu.region"() ({
        %run_scoped3A = tpu.sem_alloc : memref<!tpu.dma_semaphore, #tpu.memory_space<semaphore_mem>>
        %dma_start3A_125 = arith.constant 0 : i32
        %dma_start3A_126 = tpu.memref_slice %arg6[%dma_start3A_125] : memref<8192xi32, #tpu.memory_space<vmem>> -> memref<2048xi32, #tpu.memory_space<vmem>>
        %dma_start3A_127 = arith.constant 6397952 : i32
        %dma_start3A_128 = tpu.memref_slice %arg3[%dma_start3A_127] : memref<6400000xi32, #tpu.memory_space<hbm>> -> memref<2048xi32, #tpu.memory_space<hbm>>
        %dma_start3A_129 = arith.constant 0 : i32
        %dma_start3A_130 = tpu.memref_slice %arg6[%dma_start3A_129] : memref<8192xi32, #tpu.memory_space<vmem>> -> memref<2048xi32, #tpu.memory_space<vmem>>
        %dma_start3A_131 = arith.constant 6397952 : i32
        %dma_start3A_132 = tpu.memref_slice %arg3[%dma_start3A_131] : memref<6400000xi32, #tpu.memory_space<hbm>> -> memref<2048xi32, #tpu.memory_space<hbm>>
        tpu.enqueue_dma source(%dma_start3A_132 : memref<2048xi32, #tpu.memory_space<hbm>>) target(%dma_start3A_130 : memref<2048xi32, #tpu.memory_space<vmem>>) target_semaphore(%run_scoped3A : memref<!tpu.dma_semaphore, #tpu.memory_space<semaphore_mem>>)
        %dma_wait3A_133 = arith.constant 0 : i32
        %dma_wait3A_134 = tpu.memref_slice %arg6[%dma_wait3A_133] : memref<8192xi32, #tpu.memory_space<vmem>> -> memref<2048xi32, #tpu.memory_space<vmem>>
        %dma_wait3A_135 = arith.constant 6397952 : i32
        %dma_wait3A_136 = tpu.memref_slice %arg3[%dma_wait3A_135] : memref<6400000xi32, #tpu.memory_space<hbm>> -> memref<2048xi32, #tpu.memory_space<hbm>>
        %dma_wait3A_137 = arith.constant 0 : i32
        %dma_wait3A_138 = tpu.memref_slice %arg6[%dma_wait3A_137] : memref<8192xi32, #tpu.memory_space<vmem>> -> memref<2048xi32, #tpu.memory_space<vmem>>
        %dma_wait3A_139 = arith.constant 6397952 : i32
        %dma_wait3A_140 = tpu.memref_slice %arg3[%dma_wait3A_139] : memref<6400000xi32, #tpu.memory_space<hbm>> -> memref<2048xi32, #tpu.memory_space<hbm>>
        tpu.wait_dma2 semaphore(%run_scoped3A : memref<!tpu.dma_semaphore, #tpu.memory_space<semaphore_mem>>) src(%dma_wait3A_140 : memref<2048xi32, #tpu.memory_space<hbm>>) dst(%dma_wait3A_138 : memref<2048xi32, #tpu.memory_space<vmem>>)
        tpu.yield
      }) : () -> ()
      %parallel_loop3A = arith.constant 0 : i32
      %parallel_loop3A_123 = arith.constant 32 : i32
      %parallel_loop3A_124 = arith.constant 1 : i32
      scf.for %parallel_loop3A_125 = %parallel_loop3A to %parallel_loop3A_123 step %parallel_loop3A_124  : i32 {
        %parallel_loop3A_126 = vector.broadcast %parallel_loop3A_125 : i32 to vector<16xi32>
        %parallel_loop3A_127 = arith.constant 4 : i32
        %parallel_loop3A_128 = arith.muli %parallel_loop3A_125, %parallel_loop3A_127 : i32
        %parallel_loop3A_129 = arith.constant 0 : i32
        %parallel_loop3A_130 = arith.addi %parallel_loop3A_128, %parallel_loop3A_129 : i32
        %parallel_loop3A_131 = arith.constant 16 : i32
        %parallel_loop3A_132 = arith.muli %parallel_loop3A_130, %parallel_loop3A_131 : i32
        %parallel_loop3A_133 = arith.index_cast %parallel_loop3A_132 : i32 to index
        %parallel_loop3A_134 = tpu.vector_load %arg6[%parallel_loop3A_133] {strides = array<i32>} : memref<8192xi32, #tpu.memory_space<vmem>>, vector<16xi32>,
        %parallel_loop3A_135 = arith.constant 4 : i32
        %parallel_loop3A_136 = vector.broadcast %parallel_loop3A_135 : i32 to vector<16xi32>
        %parallel_loop3A_137 = arith.muli %parallel_loop3A_134, %parallel_loop3A_136 : vector<16xi32>
        %parallel_loop3A_138 = arith.constant 0 : i32
        %parallel_loop3A_139 = vector.broadcast %parallel_loop3A_138 : i32 to vector<16xi32>
        %parallel_loop3A_140 = arith.addi %parallel_loop3A_137, %parallel_loop3A_139 : vector<16xi32>
        %parallel_loop3A_141 = tpu.vector_load_idx %arg5[%parallel_loop3A_140] : memref<1024xf32, #tpu.memory_space<vmem>>[vector<16xi32>], vector<16xf32>,
        tpu.vector_store_idx %arg8[%parallel_loop3A_126, %add3A_6], %parallel_loop3A_141 : memref<128x256xf32, #tpu.memory_space<vmem>>[vector<16xi32>, vector<16xi32>], vector<16xf32>,
        %parallel_loop3A_142 = arith.constant 1 : i32
        %parallel_loop3A_143 = vector.broadcast %parallel_loop3A_142 : i32 to vector<16xi32>
        %parallel_loop3A_144 = arith.addi %parallel_loop3A_137, %parallel_loop3A_143 : vector<16xi32>
        %parallel_loop3A_145 = tpu.vector_load_idx %arg5[%parallel_loop3A_144] : memref<1024xf32, #tpu.memory_space<vmem>>[vector<16xi32>], vector<16xf32>,
        tpu.vector_store_idx %arg8[%parallel_loop3A_126, %add3A_12], %parallel_loop3A_145 : memref<128x256xf32, #tpu.memory_space<vmem>>[vector<16xi32>, vector<16xi32>], vector<16xf32>,
        %parallel_loop3A_146 = arith.constant 2 : i32
        %parallel_loop3A_147 = vector.broadcast %parallel_loop3A_146 : i32 to vector<16xi32>
        %parallel_loop3A_148 = arith.addi %parallel_loop3A_137, %parallel_loop3A_147 : vector<16xi32>
        %parallel_loop3A_149 = tpu.vector_load_idx %arg5[%parallel_loop3A_148] : memref<1024xf32, #tpu.memory_space<vmem>>[vector<16xi32>], vector<16xf32>,
        tpu.vector_store_idx %arg8[%parallel_loop3A_126, %add3A_18], %parallel_loop3A_149 : memref<128x256xf32, #tpu.memory_space<vmem>>[vector<16xi32>, vector<16xi32>], vector<16xf32>,
        %parallel_loop3A_150 = arith.constant 3 : i32
        %parallel_loop3A_151 = vector.broadcast %parallel_loop3A_150 : i32 to vector<16xi32>
        %parallel_loop3A_152 = arith.addi %parallel_loop3A_137, %parallel_loop3A_151 : vector<16xi32>
        %parallel_loop3A_153 = tpu.vector_load_idx %arg5[%parallel_loop3A_152] : memref<1024xf32, #tpu.memory_space<vmem>>[vector<16xi32>], vector<16xf32>,
        tpu.vector_store_idx %arg8[%parallel_loop3A_126, %add3A_24], %parallel_loop3A_153 : memref<128x256xf32, #tpu.memory_space<vmem>>[vector<16xi32>, vector<16xi32>], vector<16xf32>,
        %parallel_loop3A_154 = arith.constant 4 : i32
        %parallel_loop3A_155 = arith.muli %parallel_loop3A_125, %parallel_loop3A_154 : i32
        %parallel_loop3A_156 = arith.constant 1 : i32
        %parallel_loop3A_157 = arith.addi %parallel_loop3A_155, %parallel_loop3A_156 : i32
        %parallel_loop3A_158 = arith.constant 16 : i32
        %parallel_loop3A_159 = arith.muli %parallel_loop3A_157, %parallel_loop3A_158 : i32
        %parallel_loop3A_160 = arith.index_cast %parallel_loop3A_159 : i32 to index
        %parallel_loop3A_161 = tpu.vector_load %arg6[%parallel_loop3A_160] {strides = array<i32>} : memref<8192xi32, #tpu.memory_space<vmem>>, vector<16xi32>,
        %parallel_loop3A_162 = arith.constant 4 : i32
        %parallel_loop3A_163 = vector.broadcast %parallel_loop3A_162 : i32 to vector<16xi32>
        %parallel_loop3A_164 = arith.muli %parallel_loop3A_161, %parallel_loop3A_163 : vector<16xi32>
        %parallel_loop3A_165 = arith.constant 0 : i32
        %parallel_loop3A_166 = vector.broadcast %parallel_loop3A_165 : i32 to vector<16xi32>
        %parallel_loop3A_167 = arith.addi %parallel_loop3A_164, %parallel_loop3A_166 : vector<16xi32>
        %parallel_loop3A_168 = tpu.vector_load_idx %arg5[%parallel_loop3A_167] : memref<1024xf32, #tpu.memory_space<vmem>>[vector<16xi32>], vector<16xf32>,
        tpu.vector_store_idx %arg8[%parallel_loop3A_126, %add3A_30], %parallel_loop3A_168 : memref<128x256xf32, #tpu.memory_space<vmem>>[vector<16xi32>, vector<16xi32>], vector<16xf32>,
        %parallel_loop3A_169 = arith.constant 1 : i32
        %parallel_loop3A_170 = vector.broadcast %parallel_loop3A_169 : i32 to vector<16xi32>
        %parallel_loop3A_171 = arith.addi %parallel_loop3A_164, %parallel_loop3A_170 : vector<16xi32>
        %parallel_loop3A_172 = tpu.vector_load_idx %arg5[%parallel_loop3A_171] : memref<1024xf32, #tpu.memory_space<vmem>>[vector<16xi32>], vector<16xf32>,
        tpu.vector_store_idx %arg8[%parallel_loop3A_126, %add3A_36], %parallel_loop3A_172 : memref<128x256xf32, #tpu.memory_space<vmem>>[vector<16xi32>, vector<16xi32>], vector<16xf32>,
        %parallel_loop3A_173 = arith.constant 2 : i32
        %parallel_loop3A_174 = vector.broadcast %parallel_loop3A_173 : i32 to vector<16xi32>
        %parallel_loop3A_175 = arith.addi %parallel_loop3A_164, %parallel_loop3A_174 : vector<16xi32>
        %parallel_loop3A_176 = tpu.vector_load_idx %arg5[%parallel_loop3A_175] : memref<1024xf32, #tpu.memory_space<vmem>>[vector<16xi32>], vector<16xf32>,
        tpu.vector_store_idx %arg8[%parallel_loop3A_126, %add3A_42], %parallel_loop3A_176 : memref<128x256xf32, #tpu.memory_space<vmem>>[vector<16xi32>, vector<16xi32>], vector<16xf32>,
        %parallel_loop3A_177 = arith.constant 3 : i32
        %parallel_loop3A_178 = vector.broadcast %parallel_loop3A_177 : i32 to vector<16xi32>
        %parallel_loop3A_179 = arith.addi %parallel_loop3A_164, %parallel_loop3A_178 : vector<16xi32>
        %parallel_loop3A_180 = tpu.vector_load_idx %arg5[%parallel_loop3A_179] : memref<1024xf32, #tpu.memory_space<vmem>>[vector<16xi32>], vector<16xf32>,
        tpu.vector_store_idx %arg8[%parallel_loop3A_126, %add3A_48], %parallel_loop3A_180 : memref<128x256xf32, #tpu.memory_space<vmem>>[vector<16xi32>, vector<16xi32>], vector<16xf32>,
        %parallel_loop3A_181 = arith.constant 4 : i32
        %parallel_loop3A_182 = arith.muli %parallel_loop3A_125, %parallel_loop3A_181 : i32
        %parallel_loop3A_183 = arith.constant 2 : i32
        %parallel_loop3A_184 = arith.addi %parallel_loop3A_182, %parallel_loop3A_183 : i32
        %parallel_loop3A_185 = arith.constant 16 : i32
        %parallel_loop3A_186 = arith.muli %parallel_loop3A_184, %parallel_loop3A_185 : i32
        %parallel_loop3A_187 = arith.index_cast %parallel_loop3A_186 : i32 to index
        %parallel_loop3A_188 = tpu.vector_load %arg6[%parallel_loop3A_187] {strides = array<i32>} : memref<8192xi32, #tpu.memory_space<vmem>>, vector<16xi32>,
        %parallel_loop3A_189 = arith.constant 4 : i32
        %parallel_loop3A_190 = vector.broadcast %parallel_loop3A_189 : i32 to vector<16xi32>
        %parallel_loop3A_191 = arith.muli %parallel_loop3A_188, %parallel_loop3A_190 : vector<16xi32>
        %parallel_loop3A_192 = arith.constant 0 : i32
        %parallel_loop3A_193 = vector.broadcast %parallel_loop3A_192 : i32 to vector<16xi32>
        %parallel_loop3A_194 = arith.addi %parallel_loop3A_191, %parallel_loop3A_193 : vector<16xi32>
        %parallel_loop3A_195 = tpu.vector_load_idx %arg5[%parallel_loop3A_194] : memref<1024xf32, #tpu.memory_space<vmem>>[vector<16xi32>], vector<16xf32>,
        tpu.vector_store_idx %arg8[%parallel_loop3A_126, %add3A_54], %parallel_loop3A_195 : memref<128x256xf32, #tpu.memory_space<vmem>>[vector<16xi32>, vector<16xi32>], vector<16xf32>,
        %parallel_loop3A_196 = arith.constant 1 : i32
        %parallel_loop3A_197 = vector.broadcast %parallel_loop3A_196 : i32 to vector<16xi32>
        %parallel_loop3A_198 = arith.addi %parallel_loop3A_191, %parallel_loop3A_197 : vector<16xi32>
        %parallel_loop3A_199 = tpu.vector_load_idx %arg5[%parallel_loop3A_198] : memref<1024xf32, #tpu.memory_space<vmem>>[vector<16xi32>], vector<16xf32>,
        tpu.vector_store_idx %arg8[%parallel_loop3A_126, %add3A_60], %parallel_loop3A_199 : memref<128x256xf32, #tpu.memory_space<vmem>>[vector<16xi32>, vector<16xi32>], vector<16xf32>,
        %parallel_loop3A_200 = arith.constant 2 : i32
        %parallel_loop3A_201 = vector.broadcast %parallel_loop3A_200 : i32 to vector<16xi32>
        %parallel_loop3A_202 = arith.addi %parallel_loop3A_191, %parallel_loop3A_201 : vector<16xi32>
        %parallel_loop3A_203 = tpu.vector_load_idx %arg5[%parallel_loop3A_202] : memref<1024xf32, #tpu.memory_space<vmem>>[vector<16xi32>], vector<16xf32>,
        tpu.vector_store_idx %arg8[%parallel_loop3A_126, %add3A_66], %parallel_loop3A_203 : memref<128x256xf32, #tpu.memory_space<vmem>>[vector<16xi32>, vector<16xi32>], vector<16xf32>,
        %parallel_loop3A_204 = arith.constant 3 : i32
        %parallel_loop3A_205 = vector.broadcast %parallel_loop3A_204 : i32 to vector<16xi32>
        %parallel_loop3A_206 = arith.addi %parallel_loop3A_191, %parallel_loop3A_205 : vector<16xi32>
        %parallel_loop3A_207 = tpu.vector_load_idx %arg5[%parallel_loop3A_206] : memref<1024xf32, #tpu.memory_space<vmem>>[vector<16xi32>], vector<16xf32>,
        tpu.vector_store_idx %arg8[%parallel_loop3A_126, %add3A_72], %parallel_loop3A_207 : memref<128x256xf32, #tpu.memory_space<vmem>>[vector<16xi32>, vector<16xi32>], vector<16xf32>,
        %parallel_loop3A_208 = arith.constant 4 : i32
        %parallel_loop3A_209 = arith.muli %parallel_loop3A_125, %parallel_loop3A_208 : i32
        %parallel_loop3A_210 = arith.constant 3 : i32
        %parallel_loop3A_211 = arith.addi %parallel_loop3A_209, %parallel_loop3A_210 : i32
        %parallel_loop3A_212 = arith.constant 16 : i32
        %parallel_loop3A_213 = arith.muli %parallel_loop3A_211, %parallel_loop3A_212 : i32
        %parallel_loop3A_214 = arith.index_cast %parallel_loop3A_213 : i32 to index
        %parallel_loop3A_215 = tpu.vector_load %arg6[%parallel_loop3A_214] {strides = array<i32>} : memref<8192xi32, #tpu.memory_space<vmem>>, vector<16xi32>,
        %parallel_loop3A_216 = arith.constant 4 : i32
        %parallel_loop3A_217 = vector.broadcast %parallel_loop3A_216 : i32 to vector<16xi32>
        %parallel_loop3A_218 = arith.muli %parallel_loop3A_215, %parallel_loop3A_217 : vector<16xi32>
        %parallel_loop3A_219 = arith.constant 0 : i32
        %parallel_loop3A_220 = vector.broadcast %parallel_loop3A_219 : i32 to vector<16xi32>
        %parallel_loop3A_221 = arith.addi %parallel_loop3A_218, %parallel_loop3A_220 : vector<16xi32>
        %parallel_loop3A_222 = tpu.vector_load_idx %arg5[%parallel_loop3A_221] : memref<1024xf32, #tpu.memory_space<vmem>>[vector<16xi32>], vector<16xf32>,
        tpu.vector_store_idx %arg8[%parallel_loop3A_126, %add3A_78], %parallel_loop3A_222 : memref<128x256xf32, #tpu.memory_space<vmem>>[vector<16xi32>, vector<16xi32>], vector<16xf32>,
        %parallel_loop3A_223 = arith.constant 1 : i32
        %parallel_loop3A_224 = vector.broadcast %parallel_loop3A_223 : i32 to vector<16xi32>
        %parallel_loop3A_225 = arith.addi %parallel_loop3A_218, %parallel_loop3A_224 : vector<16xi32>
        %parallel_loop3A_226 = tpu.vector_load_idx %arg5[%parallel_loop3A_225] : memref<1024xf32, #tpu.memory_space<vmem>>[vector<16xi32>], vector<16xf32>,
        tpu.vector_store_idx %arg8[%parallel_loop3A_126, %add3A_84], %parallel_loop3A_226 : memref<128x256xf32, #tpu.memory_space<vmem>>[vector<16xi32>, vector<16xi32>], vector<16xf32>,
        %parallel_loop3A_227 = arith.constant 2 : i32
        %parallel_loop3A_228 = vector.broadcast %parallel_loop3A_227 : i32 to vector<16xi32>
        %parallel_loop3A_229 = arith.addi %parallel_loop3A_218, %parallel_loop3A_228 : vector<16xi32>
        %parallel_loop3A_230 = tpu.vector_load_idx %arg5[%parallel_loop3A_229] : memref<1024xf32, #tpu.memory_space<vmem>>[vector<16xi32>], vector<16xf32>,
        tpu.vector_store_idx %arg8[%parallel_loop3A_126, %add3A_90], %parallel_loop3A_230 : memref<128x256xf32, #tpu.memory_space<vmem>>[vector<16xi32>, vector<16xi32>], vector<16xf32>,
        %parallel_loop3A_231 = arith.constant 3 : i32
        %parallel_loop3A_232 = vector.broadcast %parallel_loop3A_231 : i32 to vector<16xi32>
        %parallel_loop3A_233 = arith.addi %parallel_loop3A_218, %parallel_loop3A_232 : vector<16xi32>
        %parallel_loop3A_234 = tpu.vector_load_idx %arg5[%parallel_loop3A_233] : memref<1024xf32, #tpu.memory_space<vmem>>[vector<16xi32>], vector<16xf32>,
        tpu.vector_store_idx %arg8[%parallel_loop3A_126, %add3A_96], %parallel_loop3A_234 : memref<128x256xf32, #tpu.memory_space<vmem>>[vector<16xi32>, vector<16xi32>], vector<16xf32>,
      } {sc.loop_unroll_factor = 4 : i64, sc.parallel_access}
      "tpu.region"() ({
        %run_scoped3A = tpu.sem_alloc : memref<!tpu.dma_semaphore, #tpu.memory_space<semaphore_mem>>
        %dma_start3A_125 = arith.constant 0 : i32
        %dma_start3A_126 = arith.constant 0 : i32
        %dma_start3A_127 = tpu.memref_slice %arg8[%dma_start3A_125, %dma_start3A_126] : memref<128x256xf32, #tpu.memory_space<vmem>> -> memref<32x256xf32, #tpu.memory_space<vmem>>
        %dma_start3A_128 = arith.constant 99968 : i32
        %dma_start3A_129 = arith.constant 0 : i32
        %dma_start3A_130 = tpu.memref_slice %arg4[%dma_start3A_128, %dma_start3A_129] : memref<100000x256xf32, #tpu.memory_space<hbm>> -> memref<32x256xf32, #tpu.memory_space<hbm>>
        %dma_start3A_131 = arith.constant 99968 : i32
        %dma_start3A_132 = arith.constant 0 : i32
        %dma_start3A_133 = tpu.memref_slice %arg4[%dma_start3A_131, %dma_start3A_132] : memref<100000x256xf32, #tpu.memory_space<hbm>> -> memref<32x256xf32, #tpu.memory_space<hbm>>
        %dma_start3A_134 = arith.constant 0 : i32
        %dma_start3A_135 = arith.constant 0 : i32
        %dma_start3A_136 = tpu.memref_slice %arg8[%dma_start3A_134, %dma_start3A_135] : memref<128x256xf32, #tpu.memory_space<vmem>> -> memref<32x256xf32, #tpu.memory_space<vmem>>
        tpu.enqueue_dma source(%dma_start3A_136 : memref<32x256xf32, #tpu.memory_space<vmem>>) target(%dma_start3A_133 : memref<32x256xf32, #tpu.memory_space<hbm>>) target_semaphore(%run_scoped3A : memref<!tpu.dma_semaphore, #tpu.memory_space<semaphore_mem>>)
        %dma_wait3A_137 = arith.constant 0 : i32
        %dma_wait3A_138 = arith.constant 0 : i32
        %dma_wait3A_139 = tpu.memref_slice %arg8[%dma_wait3A_137, %dma_wait3A_138] : memref<128x256xf32, #tpu.memory_space<vmem>> -> memref<32x256xf32, #tpu.memory_space<vmem>>
        %dma_wait3A_140 = arith.constant 99968 : i32
        %dma_wait3A_141 = arith.constant 0 : i32
        %dma_wait3A_142 = tpu.memref_slice %arg4[%dma_wait3A_140, %dma_wait3A_141] : memref<100000x256xf32, #tpu.memory_space<hbm>> -> memref<32x256xf32, #tpu.memory_space<hbm>>
        %dma_wait3A_143 = arith.constant 99968 : i32
        %dma_wait3A_144 = arith.constant 0 : i32
        %dma_wait3A_145 = tpu.memref_slice %arg4[%dma_wait3A_143, %dma_wait3A_144] : memref<100000x256xf32, #tpu.memory_space<hbm>> -> memref<32x256xf32, #tpu.memory_space<hbm>>
        %dma_wait3A_146 = arith.constant 0 : i32
        %dma_wait3A_147 = arith.constant 0 : i32
        %dma_wait3A_148 = tpu.memref_slice %arg8[%dma_wait3A_146, %dma_wait3A_147] : memref<128x256xf32, #tpu.memory_space<vmem>> -> memref<32x256xf32, #tpu.memory_space<vmem>>
        tpu.wait_dma2 semaphore(%run_scoped3A : memref<!tpu.dma_semaphore, #tpu.memory_space<semaphore_mem>>) src(%dma_wait3A_148 : memref<32x256xf32, #tpu.memory_space<vmem>>) dst(%dma_wait3A_145 : memref<32x256xf32, #tpu.memory_space<hbm>>)
        tpu.yield
      }) : () -> ()
    } else {
    }
    %mul3A_99 = arith.constant 8192 : i32
    %mul3A_100 = arith.muli %add3A, %mul3A_99 : i32
    %dma_start3A = tpu.memref_slice %arg3[%mul3A_100] : memref<6400000xi32, #tpu.memory_space<hbm>> -> memref<8192xi32, #tpu.memory_space<hbm>>
    %dma_start3A_101 = tpu.memref_slice %arg3[%mul3A_100] : memref<6400000xi32, #tpu.memory_space<hbm>> -> memref<8192xi32, #tpu.memory_space<hbm>>
    tpu.enqueue_dma source(%dma_start3A_101 : memref<8192xi32, #tpu.memory_space<hbm>>) target(%arg6 : memref<8192xi32, #tpu.memory_space<vmem>>) target_semaphore(%arg10 : memref<!tpu.dma_semaphore, #tpu.memory_space<semaphore_mem>>)
    %add3A_102 = arith.constant 32 : i32
    %add3A_103 = arith.addi %add3A, %add3A_102 : i32
    %mul3A_104 = arith.constant 8192 : i32
    %mul3A_105 = arith.muli %add3A_103, %mul3A_104 : i32
    %dma_start3A_106 = tpu.memref_slice %arg3[%mul3A_105] : memref<6400000xi32, #tpu.memory_space<hbm>> -> memref<8192xi32, #tpu.memory_space<hbm>>
    %dma_start3A_107 = tpu.memref_slice %arg3[%mul3A_105] : memref<6400000xi32, #tpu.memory_space<hbm>> -> memref<8192xi32, #tpu.memory_space<hbm>>
    tpu.enqueue_dma source(%dma_start3A_107 : memref<8192xi32, #tpu.memory_space<hbm>>) target(%arg7 : memref<8192xi32, #tpu.memory_space<vmem>>) target_semaphore(%arg11 : memref<!tpu.dma_semaphore, #tpu.memory_space<semaphore_mem>>)
    %scan3A = arith.constant 0 : i32
    %scan3A_108 = arith.constant 13 : i32
    %scan3A_109 = arith.addi %scan3A, %scan3A_108 : i32
    %scan3A_110 = arith.constant 1 : i32
    scf.for %scan3A_123 = %scan3A to %scan3A_109 step %scan3A_110  : i32 {
      %mul3A_124 = arith.constant 2 : i32
      %mul3A_125 = arith.muli %scan3A_123, %mul3A_124 : i32
      %add3A_126 = arith.constant 0 : i32
      %add3A_127 = arith.addi %add3A_126, %mul3A_125 : i32
      %add3A_128 = arith.constant 0 : i32
      %add3A_129 = arith.addi %add3A_127, %add3A_128 : i32
      %mul3A_130 = arith.constant 32 : i32
      %mul3A_131 = arith.muli %add3A_129, %mul3A_130 : i32
      %add3A_132 = arith.addi %add3A, %mul3A_131 : i32
      %lt3A = arith.constant 781 : i32
      %lt3A_133 = arith.cmpi slt, %add3A_132, %lt3A : i32
      %convert_element_type3A_134 = arith.extui %lt3A_133 : i1 to i32
      %cond3A_135 = arith.constant 0 : i32
      %cond3A_136 = arith.cmpi ne, %convert_element_type3A_134, %cond3A_135 : i32
      scf.if %cond3A_136 {
        %dma_wait3A_147 = arith.constant 0 : i32
        %dma_wait3A_148 = tpu.memref_slice %arg3[%dma_wait3A_147] : memref<6400000xi32, #tpu.memory_space<hbm>> -> memref<8192xi32, #tpu.memory_space<hbm>>
        %dma_wait3A_149 = arith.constant 0 : i32
        %dma_wait3A_150 = tpu.memref_slice %arg3[%dma_wait3A_149] : memref<6400000xi32, #tpu.memory_space<hbm>> -> memref<8192xi32, #tpu.memory_space<hbm>>
        tpu.wait_dma2 semaphore(%arg10 : memref<!tpu.dma_semaphore, #tpu.memory_space<semaphore_mem>>) src(%dma_wait3A_150 : memref<8192xi32, #tpu.memory_space<hbm>>) dst(%arg6 : memref<8192xi32, #tpu.memory_space<vmem>>)
        %ge3A = arith.constant 2 : i32
        %ge3A_151 = arith.cmpi sge, %add3A_129, %ge3A : i32
        %convert_element_type3A_152 = arith.extui %ge3A_151 : i1 to i32
        %cond3A_153 = arith.constant 0 : i32
        %cond3A_154 = arith.cmpi ne, %convert_element_type3A_152, %cond3A_153 : i32
        scf.if %cond3A_154 {
          %dma_wait3A_170 = arith.constant 0 : i32
          %dma_wait3A_171 = arith.constant 0 : i32
          %dma_wait3A_172 = tpu.memref_slice %arg4[%dma_wait3A_170, %dma_wait3A_171] : memref<100000x256xf32, #tpu.memory_space<hbm>> -> memref<128x256xf32, #tpu.memory_space<hbm>>
          %dma_wait3A_173 = arith.constant 0 : i32
          %dma_wait3A_174 = arith.constant 0 : i32
          %dma_wait3A_175 = tpu.memref_slice %arg4[%dma_wait3A_173, %dma_wait3A_174] : memref<100000x256xf32, #tpu.memory_space<hbm>> -> memref<128x256xf32, #tpu.memory_space<hbm>>
          tpu.wait_dma2 semaphore(%arg12 : memref<!tpu.dma_semaphore, #tpu.memory_space<semaphore_mem>>) src(%arg8 : memref<128x256xf32, #tpu.memory_space<vmem>>) dst(%dma_wait3A_175 : memref<128x256xf32, #tpu.memory_space<hbm>>)
        } else {
        }
        %parallel_loop3A = arith.constant 0 : i32
        %parallel_loop3A_155 = arith.constant 128 : i32
        %parallel_loop3A_156 = arith.constant 1 : i32
        scf.for %parallel_loop3A_170 = %parallel_loop3A to %parallel_loop3A_155 step %parallel_loop3A_156  : i32 {
          %parallel_loop3A_171 = vector.broadcast %parallel_loop3A_170 : i32 to vector<16xi32>
          %parallel_loop3A_172 = arith.constant 4 : i32
          %parallel_loop3A_173 = arith.muli %parallel_loop3A_170, %parallel_loop3A_172 : i32
          %parallel_loop3A_174 = arith.constant 0 : i32
          %parallel_loop3A_175 = arith.addi %parallel_loop3A_173, %parallel_loop3A_174 : i32
          %parallel_loop3A_176 = arith.constant 16 : i32
          %parallel_loop3A_177 = arith.muli %parallel_loop3A_175, %parallel_loop3A_176 : i32
          %parallel_loop3A_178 = arith.index_cast %parallel_loop3A_177 : i32 to index
          %parallel_loop3A_179 = tpu.vector_load %arg6[%parallel_loop3A_178] {strides = array<i32>} : memref<8192xi32, #tpu.memory_space<vmem>>, vector<16xi32>,
          %parallel_loop3A_180 = arith.constant 4 : i32
          %parallel_loop3A_181 = vector.broadcast %parallel_loop3A_180 : i32 to vector<16xi32>
          %parallel_loop3A_182 = arith.muli %parallel_loop3A_179, %parallel_loop3A_181 : vector<16xi32>
          %parallel_loop3A_183 = arith.constant 0 : i32
          %parallel_loop3A_184 = vector.broadcast %parallel_loop3A_183 : i32 to vector<16xi32>
          %parallel_loop3A_185 = arith.addi %parallel_loop3A_182, %parallel_loop3A_184 : vector<16xi32>
          %parallel_loop3A_186 = tpu.vector_load_idx %arg5[%parallel_loop3A_185] : memref<1024xf32, #tpu.memory_space<vmem>>[vector<16xi32>], vector<16xf32>,
          tpu.vector_store_idx %arg8[%parallel_loop3A_171, %add3A_6], %parallel_loop3A_186 : memref<128x256xf32, #tpu.memory_space<vmem>>[vector<16xi32>, vector<16xi32>], vector<16xf32>,
          %parallel_loop3A_187 = arith.constant 1 : i32
          %parallel_loop3A_188 = vector.broadcast %parallel_loop3A_187 : i32 to vector<16xi32>
          %parallel_loop3A_189 = arith.addi %parallel_loop3A_182, %parallel_loop3A_188 : vector<16xi32>
          %parallel_loop3A_190 = tpu.vector_load_idx %arg5[%parallel_loop3A_189] : memref<1024xf32, #tpu.memory_space<vmem>>[vector<16xi32>], vector<16xf32>,
          tpu.vector_store_idx %arg8[%parallel_loop3A_171, %add3A_12], %parallel_loop3A_190 : memref<128x256xf32, #tpu.memory_space<vmem>>[vector<16xi32>, vector<16xi32>], vector<16xf32>,
          %parallel_loop3A_191 = arith.constant 2 : i32
          %parallel_loop3A_192 = vector.broadcast %parallel_loop3A_191 : i32 to vector<16xi32>
          %parallel_loop3A_193 = arith.addi %parallel_loop3A_182, %parallel_loop3A_192 : vector<16xi32>
          %parallel_loop3A_194 = tpu.vector_load_idx %arg5[%parallel_loop3A_193] : memref<1024xf32, #tpu.memory_space<vmem>>[vector<16xi32>], vector<16xf32>,
          tpu.vector_store_idx %arg8[%parallel_loop3A_171, %add3A_18], %parallel_loop3A_194 : memref<128x256xf32, #tpu.memory_space<vmem>>[vector<16xi32>, vector<16xi32>], vector<16xf32>,
          %parallel_loop3A_195 = arith.constant 3 : i32
          %parallel_loop3A_196 = vector.broadcast %parallel_loop3A_195 : i32 to vector<16xi32>
          %parallel_loop3A_197 = arith.addi %parallel_loop3A_182, %parallel_loop3A_196 : vector<16xi32>
          %parallel_loop3A_198 = tpu.vector_load_idx %arg5[%parallel_loop3A_197] : memref<1024xf32, #tpu.memory_space<vmem>>[vector<16xi32>], vector<16xf32>,
          tpu.vector_store_idx %arg8[%parallel_loop3A_171, %add3A_24], %parallel_loop3A_198 : memref<128x256xf32, #tpu.memory_space<vmem>>[vector<16xi32>, vector<16xi32>], vector<16xf32>,
          %parallel_loop3A_199 = arith.constant 4 : i32
          %parallel_loop3A_200 = arith.muli %parallel_loop3A_170, %parallel_loop3A_199 : i32
          %parallel_loop3A_201 = arith.constant 1 : i32
          %parallel_loop3A_202 = arith.addi %parallel_loop3A_200, %parallel_loop3A_201 : i32
          %parallel_loop3A_203 = arith.constant 16 : i32
          %parallel_loop3A_204 = arith.muli %parallel_loop3A_202, %parallel_loop3A_203 : i32
          %parallel_loop3A_205 = arith.index_cast %parallel_loop3A_204 : i32 to index
          %parallel_loop3A_206 = tpu.vector_load %arg6[%parallel_loop3A_205] {strides = array<i32>} : memref<8192xi32, #tpu.memory_space<vmem>>, vector<16xi32>,
          %parallel_loop3A_207 = arith.constant 4 : i32
          %parallel_loop3A_208 = vector.broadcast %parallel_loop3A_207 : i32 to vector<16xi32>
          %parallel_loop3A_209 = arith.muli %parallel_loop3A_206, %parallel_loop3A_208 : vector<16xi32>
          %parallel_loop3A_210 = arith.constant 0 : i32
          %parallel_loop3A_211 = vector.broadcast %parallel_loop3A_210 : i32 to vector<16xi32>
          %parallel_loop3A_212 = arith.addi %parallel_loop3A_209, %parallel_loop3A_211 : vector<16xi32>
          %parallel_loop3A_213 = tpu.vector_load_idx %arg5[%parallel_loop3A_212] : memref<1024xf32, #tpu.memory_space<vmem>>[vector<16xi32>], vector<16xf32>,
          tpu.vector_store_idx %arg8[%parallel_loop3A_171, %add3A_30], %parallel_loop3A_213 : memref<128x256xf32, #tpu.memory_space<vmem>>[vector<16xi32>, vector<16xi32>], vector<16xf32>,
          %parallel_loop3A_214 = arith.constant 1 : i32
          %parallel_loop3A_215 = vector.broadcast %parallel_loop3A_214 : i32 to vector<16xi32>
          %parallel_loop3A_216 = arith.addi %parallel_loop3A_209, %parallel_loop3A_215 : vector<16xi32>
          %parallel_loop3A_217 = tpu.vector_load_idx %arg5[%parallel_loop3A_216] : memref<1024xf32, #tpu.memory_space<vmem>>[vector<16xi32>], vector<16xf32>,
          tpu.vector_store_idx %arg8[%parallel_loop3A_171, %add3A_36], %parallel_loop3A_217 : memref<128x256xf32, #tpu.memory_space<vmem>>[vector<16xi32>, vector<16xi32>], vector<16xf32>,
          %parallel_loop3A_218 = arith.constant 2 : i32
          %parallel_loop3A_219 = vector.broadcast %parallel_loop3A_218 : i32 to vector<16xi32>
          %parallel_loop3A_220 = arith.addi %parallel_loop3A_209, %parallel_loop3A_219 : vector<16xi32>
          %parallel_loop3A_221 = tpu.vector_load_idx %arg5[%parallel_loop3A_220] : memref<1024xf32, #tpu.memory_space<vmem>>[vector<16xi32>], vector<16xf32>,
          tpu.vector_store_idx %arg8[%parallel_loop3A_171, %add3A_42], %parallel_loop3A_221 : memref<128x256xf32, #tpu.memory_space<vmem>>[vector<16xi32>, vector<16xi32>], vector<16xf32>,
          %parallel_loop3A_222 = arith.constant 3 : i32
          %parallel_loop3A_223 = vector.broadcast %parallel_loop3A_222 : i32 to vector<16xi32>
          %parallel_loop3A_224 = arith.addi %parallel_loop3A_209, %parallel_loop3A_223 : vector<16xi32>
          %parallel_loop3A_225 = tpu.vector_load_idx %arg5[%parallel_loop3A_224] : memref<1024xf32, #tpu.memory_space<vmem>>[vector<16xi32>], vector<16xf32>,
          tpu.vector_store_idx %arg8[%parallel_loop3A_171, %add3A_48], %parallel_loop3A_225 : memref<128x256xf32, #tpu.memory_space<vmem>>[vector<16xi32>, vector<16xi32>], vector<16xf32>,
          %parallel_loop3A_226 = arith.constant 4 : i32
          %parallel_loop3A_227 = arith.muli %parallel_loop3A_170, %parallel_loop3A_226 : i32
          %parallel_loop3A_228 = arith.constant 2 : i32
          %parallel_loop3A_229 = arith.addi %parallel_loop3A_227, %parallel_loop3A_228 : i32
          %parallel_loop3A_230 = arith.constant 16 : i32
          %parallel_loop3A_231 = arith.muli %parallel_loop3A_229, %parallel_loop3A_230 : i32
          %parallel_loop3A_232 = arith.index_cast %parallel_loop3A_231 : i32 to index
          %parallel_loop3A_233 = tpu.vector_load %arg6[%parallel_loop3A_232] {strides = array<i32>} : memref<8192xi32, #tpu.memory_space<vmem>>, vector<16xi32>,
          %parallel_loop3A_234 = arith.constant 4 : i32
          %parallel_loop3A_235 = vector.broadcast %parallel_loop3A_234 : i32 to vector<16xi32>
          %parallel_loop3A_236 = arith.muli %parallel_loop3A_233, %parallel_loop3A_235 : vector<16xi32>
          %parallel_loop3A_237 = arith.constant 0 : i32
          %parallel_loop3A_238 = vector.broadcast %parallel_loop3A_237 : i32 to vector<16xi32>
          %parallel_loop3A_239 = arith.addi %parallel_loop3A_236, %parallel_loop3A_238 : vector<16xi32>
          %parallel_loop3A_240 = tpu.vector_load_idx %arg5[%parallel_loop3A_239] : memref<1024xf32, #tpu.memory_space<vmem>>[vector<16xi32>], vector<16xf32>,
          tpu.vector_store_idx %arg8[%parallel_loop3A_171, %add3A_54], %parallel_loop3A_240 : memref<128x256xf32, #tpu.memory_space<vmem>>[vector<16xi32>, vector<16xi32>], vector<16xf32>,
          %parallel_loop3A_241 = arith.constant 1 : i32
          %parallel_loop3A_242 = vector.broadcast %parallel_loop3A_241 : i32 to vector<16xi32>
          %parallel_loop3A_243 = arith.addi %parallel_loop3A_236, %parallel_loop3A_242 : vector<16xi32>
          %parallel_loop3A_244 = tpu.vector_load_idx %arg5[%parallel_loop3A_243] : memref<1024xf32, #tpu.memory_space<vmem>>[vector<16xi32>], vector<16xf32>,
          tpu.vector_store_idx %arg8[%parallel_loop3A_171, %add3A_60], %parallel_loop3A_244 : memref<128x256xf32, #tpu.memory_space<vmem>>[vector<16xi32>, vector<16xi32>], vector<16xf32>,
          %parallel_loop3A_245 = arith.constant 2 : i32
          %parallel_loop3A_246 = vector.broadcast %parallel_loop3A_245 : i32 to vector<16xi32>
          %parallel_loop3A_247 = arith.addi %parallel_loop3A_236, %parallel_loop3A_246 : vector<16xi32>
          %parallel_loop3A_248 = tpu.vector_load_idx %arg5[%parallel_loop3A_247] : memref<1024xf32, #tpu.memory_space<vmem>>[vector<16xi32>], vector<16xf32>,
          tpu.vector_store_idx %arg8[%parallel_loop3A_171, %add3A_66], %parallel_loop3A_248 : memref<128x256xf32, #tpu.memory_space<vmem>>[vector<16xi32>, vector<16xi32>], vector<16xf32>,
          %parallel_loop3A_249 = arith.constant 3 : i32
          %parallel_loop3A_250 = vector.broadcast %parallel_loop3A_249 : i32 to vector<16xi32>
          %parallel_loop3A_251 = arith.addi %parallel_loop3A_236, %parallel_loop3A_250 : vector<16xi32>
          %parallel_loop3A_252 = tpu.vector_load_idx %arg5[%parallel_loop3A_251] : memref<1024xf32, #tpu.memory_space<vmem>>[vector<16xi32>], vector<16xf32>,
          tpu.vector_store_idx %arg8[%parallel_loop3A_171, %add3A_72], %parallel_loop3A_252 : memref<128x256xf32, #tpu.memory_space<vmem>>[vector<16xi32>, vector<16xi32>], vector<16xf32>,
          %parallel_loop3A_253 = arith.constant 4 : i32
          %parallel_loop3A_254 = arith.muli %parallel_loop3A_170, %parallel_loop3A_253 : i32
          %parallel_loop3A_255 = arith.constant 3 : i32
          %parallel_loop3A_256 = arith.addi %parallel_loop3A_254, %parallel_loop3A_255 : i32
          %parallel_loop3A_257 = arith.constant 16 : i32
          %parallel_loop3A_258 = arith.muli %parallel_loop3A_256, %parallel_loop3A_257 : i32
          %parallel_loop3A_259 = arith.index_cast %parallel_loop3A_258 : i32 to index
          %parallel_loop3A_260 = tpu.vector_load %arg6[%parallel_loop3A_259] {strides = array<i32>} : memref<8192xi32, #tpu.memory_space<vmem>>, vector<16xi32>,
          %parallel_loop3A_261 = arith.constant 4 : i32
          %parallel_loop3A_262 = vector.broadcast %parallel_loop3A_261 : i32 to vector<16xi32>
          %parallel_loop3A_263 = arith.muli %parallel_loop3A_260, %parallel_loop3A_262 : vector<16xi32>
          %parallel_loop3A_264 = arith.constant 0 : i32
          %parallel_loop3A_265 = vector.broadcast %parallel_loop3A_264 : i32 to vector<16xi32>
          %parallel_loop3A_266 = arith.addi %parallel_loop3A_263, %parallel_loop3A_265 : vector<16xi32>
          %parallel_loop3A_267 = tpu.vector_load_idx %arg5[%parallel_loop3A_266] : memref<1024xf32, #tpu.memory_space<vmem>>[vector<16xi32>], vector<16xf32>,
          tpu.vector_store_idx %arg8[%parallel_loop3A_171, %add3A_78], %parallel_loop3A_267 : memref<128x256xf32, #tpu.memory_space<vmem>>[vector<16xi32>, vector<16xi32>], vector<16xf32>,
          %parallel_loop3A_268 = arith.constant 1 : i32
          %parallel_loop3A_269 = vector.broadcast %parallel_loop3A_268 : i32 to vector<16xi32>
          %parallel_loop3A_270 = arith.addi %parallel_loop3A_263, %parallel_loop3A_269 : vector<16xi32>
          %parallel_loop3A_271 = tpu.vector_load_idx %arg5[%parallel_loop3A_270] : memref<1024xf32, #tpu.memory_space<vmem>>[vector<16xi32>], vector<16xf32>,
          tpu.vector_store_idx %arg8[%parallel_loop3A_171, %add3A_84], %parallel_loop3A_271 : memref<128x256xf32, #tpu.memory_space<vmem>>[vector<16xi32>, vector<16xi32>], vector<16xf32>,
          %parallel_loop3A_272 = arith.constant 2 : i32
          %parallel_loop3A_273 = vector.broadcast %parallel_loop3A_272 : i32 to vector<16xi32>
          %parallel_loop3A_274 = arith.addi %parallel_loop3A_263, %parallel_loop3A_273 : vector<16xi32>
          %parallel_loop3A_275 = tpu.vector_load_idx %arg5[%parallel_loop3A_274] : memref<1024xf32, #tpu.memory_space<vmem>>[vector<16xi32>], vector<16xf32>,
          tpu.vector_store_idx %arg8[%parallel_loop3A_171, %add3A_90], %parallel_loop3A_275 : memref<128x256xf32, #tpu.memory_space<vmem>>[vector<16xi32>, vector<16xi32>], vector<16xf32>,
          %parallel_loop3A_276 = arith.constant 3 : i32
          %parallel_loop3A_277 = vector.broadcast %parallel_loop3A_276 : i32 to vector<16xi32>
          %parallel_loop3A_278 = arith.addi %parallel_loop3A_263, %parallel_loop3A_277 : vector<16xi32>
          %parallel_loop3A_279 = tpu.vector_load_idx %arg5[%parallel_loop3A_278] : memref<1024xf32, #tpu.memory_space<vmem>>[vector<16xi32>], vector<16xf32>,
          tpu.vector_store_idx %arg8[%parallel_loop3A_171, %add3A_96], %parallel_loop3A_279 : memref<128x256xf32, #tpu.memory_space<vmem>>[vector<16xi32>, vector<16xi32>], vector<16xf32>,
        } {sc.loop_unroll_factor = 4 : i64, sc.parallel_access}
        %mul3A_157 = arith.constant 128 : i32
        %mul3A_158 = arith.muli %add3A_132, %mul3A_157 : i32
        %dma_start3A_159 = arith.constant 0 : i32
        %dma_start3A_160 = tpu.memref_slice %arg4[%mul3A_158, %dma_start3A_159] : memref<100000x256xf32, #tpu.memory_space<hbm>> -> memref<128x256xf32, #tpu.memory_space<hbm>>
        %dma_start3A_161 = arith.constant 0 : i32
        %dma_start3A_162 = tpu.memref_slice %arg4[%mul3A_158, %dma_start3A_161] : memref<100000x256xf32, #tpu.memory_space<hbm>> -> memref<128x256xf32, #tpu.memory_space<hbm>>
        tpu.enqueue_dma source(%arg8 : memref<128x256xf32, #tpu.memory_space<vmem>>) target(%dma_start3A_162 : memref<128x256xf32, #tpu.memory_space<hbm>>) target_semaphore(%arg12 : memref<!tpu.dma_semaphore, #tpu.memory_space<semaphore_mem>>)
        %add3A_163 = arith.constant 64 : i32
        %add3A_164 = arith.addi %add3A_132, %add3A_163 : i32
        %lt3A_165 = arith.constant 781 : i32
        %lt3A_166 = arith.cmpi slt, %add3A_164, %lt3A_165 : i32
        %convert_element_type3A_167 = arith.extui %lt3A_166 : i1 to i32
        %cond3A_168 = arith.constant 0 : i32
        %cond3A_169 = arith.cmpi ne, %convert_element_type3A_167, %cond3A_168 : i32
        scf.if %cond3A_169 {
          %add3A_170 = arith.constant 64 : i32
          %add3A_171 = arith.addi %add3A_132, %add3A_170 : i32
          %mul3A_172 = arith.constant 8192 : i32
          %mul3A_173 = arith.muli %add3A_171, %mul3A_172 : i32
          %dma_start3A_174 = tpu.memref_slice %arg3[%mul3A_173] : memref<6400000xi32, #tpu.memory_space<hbm>> -> memref<8192xi32, #tpu.memory_space<hbm>>
          %dma_start3A_175 = tpu.memref_slice %arg3[%mul3A_173] : memref<6400000xi32, #tpu.memory_space<hbm>> -> memref<8192xi32, #tpu.memory_space<hbm>>
          tpu.enqueue_dma source(%dma_start3A_175 : memref<8192xi32, #tpu.memory_space<hbm>>) target(%arg6 : memref<8192xi32, #tpu.memory_space<vmem>>) target_semaphore(%arg10 : memref<!tpu.dma_semaphore, #tpu.memory_space<semaphore_mem>>)
        } else {
        }
      } else {
      }
      %add3A_137 = arith.constant 1 : i32
      %add3A_138 = arith.addi %add3A_127, %add3A_137 : i32
      %mul3A_139 = arith.constant 32 : i32
      %mul3A_140 = arith.muli %add3A_138, %mul3A_139 : i32
      %add3A_141 = arith.addi %add3A, %mul3A_140 : i32
      %lt3A_142 = arith.constant 781 : i32
      %lt3A_143 = arith.cmpi slt, %add3A_141, %lt3A_142 : i32
      %convert_element_type3A_144 = arith.extui %lt3A_143 : i1 to i32
      %cond3A_145 = arith.constant 0 : i32
      %cond3A_146 = arith.cmpi ne, %convert_element_type3A_144, %cond3A_145 : i32
      scf.if %cond3A_146 {
        %dma_wait3A_147 = arith.constant 0 : i32
        %dma_wait3A_148 = tpu.memref_slice %arg3[%dma_wait3A_147] : memref<6400000xi32, #tpu.memory_space<hbm>> -> memref<8192xi32, #tpu.memory_space<hbm>>
        %dma_wait3A_149 = arith.constant 0 : i32
        %dma_wait3A_150 = tpu.memref_slice %arg3[%dma_wait3A_149] : memref<6400000xi32, #tpu.memory_space<hbm>> -> memref<8192xi32, #tpu.memory_space<hbm>>
        tpu.wait_dma2 semaphore(%arg11 : memref<!tpu.dma_semaphore, #tpu.memory_space<semaphore_mem>>) src(%dma_wait3A_150 : memref<8192xi32, #tpu.memory_space<hbm>>) dst(%arg7 : memref<8192xi32, #tpu.memory_space<vmem>>)
        %ge3A = arith.constant 2 : i32
        %ge3A_151 = arith.cmpi sge, %add3A_138, %ge3A : i32
        %convert_element_type3A_152 = arith.extui %ge3A_151 : i1 to i32
        %cond3A_153 = arith.constant 0 : i32
        %cond3A_154 = arith.cmpi ne, %convert_element_type3A_152, %cond3A_153 : i32
        scf.if %cond3A_154 {
          %dma_wait3A_170 = arith.constant 0 : i32
          %dma_wait3A_171 = arith.constant 0 : i32
          %dma_wait3A_172 = tpu.memref_slice %arg4[%dma_wait3A_170, %dma_wait3A_171] : memref<100000x256xf32, #tpu.memory_space<hbm>> -> memref<128x256xf32, #tpu.memory_space<hbm>>
          %dma_wait3A_173 = arith.constant 0 : i32
          %dma_wait3A_174 = arith.constant 0 : i32
          %dma_wait3A_175 = tpu.memref_slice %arg4[%dma_wait3A_173, %dma_wait3A_174] : memref<100000x256xf32, #tpu.memory_space<hbm>> -> memref<128x256xf32, #tpu.memory_space<hbm>>
          tpu.wait_dma2 semaphore(%arg13 : memref<!tpu.dma_semaphore, #tpu.memory_space<semaphore_mem>>) src(%arg9 : memref<128x256xf32, #tpu.memory_space<vmem>>) dst(%dma_wait3A_175 : memref<128x256xf32, #tpu.memory_space<hbm>>)
        } else {
        }
        %parallel_loop3A = arith.constant 0 : i32
        %parallel_loop3A_155 = arith.constant 128 : i32
        %parallel_loop3A_156 = arith.constant 1 : i32
        scf.for %parallel_loop3A_170 = %parallel_loop3A to %parallel_loop3A_155 step %parallel_loop3A_156  : i32 {
          %parallel_loop3A_171 = vector.broadcast %parallel_loop3A_170 : i32 to vector<16xi32>
          %parallel_loop3A_172 = arith.constant 4 : i32
          %parallel_loop3A_173 = arith.muli %parallel_loop3A_170, %parallel_loop3A_172 : i32
          %parallel_loop3A_174 = arith.constant 0 : i32
          %parallel_loop3A_175 = arith.addi %parallel_loop3A_173, %parallel_loop3A_174 : i32
          %parallel_loop3A_176 = arith.constant 16 : i32
          %parallel_loop3A_177 = arith.muli %parallel_loop3A_175, %parallel_loop3A_176 : i32
          %parallel_loop3A_178 = arith.index_cast %parallel_loop3A_177 : i32 to index
          %parallel_loop3A_179 = tpu.vector_load %arg7[%parallel_loop3A_178] {strides = array<i32>} : memref<8192xi32, #tpu.memory_space<vmem>>, vector<16xi32>,
          %parallel_loop3A_180 = arith.constant 4 : i32
          %parallel_loop3A_181 = vector.broadcast %parallel_loop3A_180 : i32 to vector<16xi32>
          %parallel_loop3A_182 = arith.muli %parallel_loop3A_179, %parallel_loop3A_181 : vector<16xi32>
          %parallel_loop3A_183 = arith.constant 0 : i32
          %parallel_loop3A_184 = vector.broadcast %parallel_loop3A_183 : i32 to vector<16xi32>
          %parallel_loop3A_185 = arith.addi %parallel_loop3A_182, %parallel_loop3A_184 : vector<16xi32>
          %parallel_loop3A_186 = tpu.vector_load_idx %arg5[%parallel_loop3A_185] : memref<1024xf32, #tpu.memory_space<vmem>>[vector<16xi32>], vector<16xf32>,
          tpu.vector_store_idx %arg9[%parallel_loop3A_171, %add3A_6], %parallel_loop3A_186 : memref<128x256xf32, #tpu.memory_space<vmem>>[vector<16xi32>, vector<16xi32>], vector<16xf32>,
          %parallel_loop3A_187 = arith.constant 1 : i32
          %parallel_loop3A_188 = vector.broadcast %parallel_loop3A_187 : i32 to vector<16xi32>
          %parallel_loop3A_189 = arith.addi %parallel_loop3A_182, %parallel_loop3A_188 : vector<16xi32>
          %parallel_loop3A_190 = tpu.vector_load_idx %arg5[%parallel_loop3A_189] : memref<1024xf32, #tpu.memory_space<vmem>>[vector<16xi32>], vector<16xf32>,
          tpu.vector_store_idx %arg9[%parallel_loop3A_171, %add3A_12], %parallel_loop3A_190 : memref<128x256xf32, #tpu.memory_space<vmem>>[vector<16xi32>, vector<16xi32>], vector<16xf32>,
          %parallel_loop3A_191 = arith.constant 2 : i32
          %parallel_loop3A_192 = vector.broadcast %parallel_loop3A_191 : i32 to vector<16xi32>
          %parallel_loop3A_193 = arith.addi %parallel_loop3A_182, %parallel_loop3A_192 : vector<16xi32>
          %parallel_loop3A_194 = tpu.vector_load_idx %arg5[%parallel_loop3A_193] : memref<1024xf32, #tpu.memory_space<vmem>>[vector<16xi32>], vector<16xf32>,
          tpu.vector_store_idx %arg9[%parallel_loop3A_171, %add3A_18], %parallel_loop3A_194 : memref<128x256xf32, #tpu.memory_space<vmem>>[vector<16xi32>, vector<16xi32>], vector<16xf32>,
          %parallel_loop3A_195 = arith.constant 3 : i32
          %parallel_loop3A_196 = vector.broadcast %parallel_loop3A_195 : i32 to vector<16xi32>
          %parallel_loop3A_197 = arith.addi %parallel_loop3A_182, %parallel_loop3A_196 : vector<16xi32>
          %parallel_loop3A_198 = tpu.vector_load_idx %arg5[%parallel_loop3A_197] : memref<1024xf32, #tpu.memory_space<vmem>>[vector<16xi32>], vector<16xf32>,
          tpu.vector_store_idx %arg9[%parallel_loop3A_171, %add3A_24], %parallel_loop3A_198 : memref<128x256xf32, #tpu.memory_space<vmem>>[vector<16xi32>, vector<16xi32>], vector<16xf32>,
          %parallel_loop3A_199 = arith.constant 4 : i32
          %parallel_loop3A_200 = arith.muli %parallel_loop3A_170, %parallel_loop3A_199 : i32
          %parallel_loop3A_201 = arith.constant 1 : i32
          %parallel_loop3A_202 = arith.addi %parallel_loop3A_200, %parallel_loop3A_201 : i32
          %parallel_loop3A_203 = arith.constant 16 : i32
          %parallel_loop3A_204 = arith.muli %parallel_loop3A_202, %parallel_loop3A_203 : i32
          %parallel_loop3A_205 = arith.index_cast %parallel_loop3A_204 : i32 to index
          %parallel_loop3A_206 = tpu.vector_load %arg7[%parallel_loop3A_205] {strides = array<i32>} : memref<8192xi32, #tpu.memory_space<vmem>>, vector<16xi32>,
          %parallel_loop3A_207 = arith.constant 4 : i32
          %parallel_loop3A_208 = vector.broadcast %parallel_loop3A_207 : i32 to vector<16xi32>
          %parallel_loop3A_209 = arith.muli %parallel_loop3A_206, %parallel_loop3A_208 : vector<16xi32>
          %parallel_loop3A_210 = arith.constant 0 : i32
          %parallel_loop3A_211 = vector.broadcast %parallel_loop3A_210 : i32 to vector<16xi32>
          %parallel_loop3A_212 = arith.addi %parallel_loop3A_209, %parallel_loop3A_211 : vector<16xi32>
          %parallel_loop3A_213 = tpu.vector_load_idx %arg5[%parallel_loop3A_212] : memref<1024xf32, #tpu.memory_space<vmem>>[vector<16xi32>], vector<16xf32>,
          tpu.vector_store_idx %arg9[%parallel_loop3A_171, %add3A_30], %parallel_loop3A_213 : memref<128x256xf32, #tpu.memory_space<vmem>>[vector<16xi32>, vector<16xi32>], vector<16xf32>,
          %parallel_loop3A_214 = arith.constant 1 : i32
          %parallel_loop3A_215 = vector.broadcast %parallel_loop3A_214 : i32 to vector<16xi32>
          %parallel_loop3A_216 = arith.addi %parallel_loop3A_209, %parallel_loop3A_215 : vector<16xi32>
          %parallel_loop3A_217 = tpu.vector_load_idx %arg5[%parallel_loop3A_216] : memref<1024xf32, #tpu.memory_space<vmem>>[vector<16xi32>], vector<16xf32>,
          tpu.vector_store_idx %arg9[%parallel_loop3A_171, %add3A_36], %parallel_loop3A_217 : memref<128x256xf32, #tpu.memory_space<vmem>>[vector<16xi32>, vector<16xi32>], vector<16xf32>,
          %parallel_loop3A_218 = arith.constant 2 : i32
          %parallel_loop3A_219 = vector.broadcast %parallel_loop3A_218 : i32 to vector<16xi32>
          %parallel_loop3A_220 = arith.addi %parallel_loop3A_209, %parallel_loop3A_219 : vector<16xi32>
          %parallel_loop3A_221 = tpu.vector_load_idx %arg5[%parallel_loop3A_220] : memref<1024xf32, #tpu.memory_space<vmem>>[vector<16xi32>], vector<16xf32>,
          tpu.vector_store_idx %arg9[%parallel_loop3A_171, %add3A_42], %parallel_loop3A_221 : memref<128x256xf32, #tpu.memory_space<vmem>>[vector<16xi32>, vector<16xi32>], vector<16xf32>,
          %parallel_loop3A_222 = arith.constant 3 : i32
          %parallel_loop3A_223 = vector.broadcast %parallel_loop3A_222 : i32 to vector<16xi32>
          %parallel_loop3A_224 = arith.addi %parallel_loop3A_209, %parallel_loop3A_223 : vector<16xi32>
          %parallel_loop3A_225 = tpu.vector_load_idx %arg5[%parallel_loop3A_224] : memref<1024xf32, #tpu.memory_space<vmem>>[vector<16xi32>], vector<16xf32>,
          tpu.vector_store_idx %arg9[%parallel_loop3A_171, %add3A_48], %parallel_loop3A_225 : memref<128x256xf32, #tpu.memory_space<vmem>>[vector<16xi32>, vector<16xi32>], vector<16xf32>,
          %parallel_loop3A_226 = arith.constant 4 : i32
          %parallel_loop3A_227 = arith.muli %parallel_loop3A_170, %parallel_loop3A_226 : i32
          %parallel_loop3A_228 = arith.constant 2 : i32
          %parallel_loop3A_229 = arith.addi %parallel_loop3A_227, %parallel_loop3A_228 : i32
          %parallel_loop3A_230 = arith.constant 16 : i32
          %parallel_loop3A_231 = arith.muli %parallel_loop3A_229, %parallel_loop3A_230 : i32
          %parallel_loop3A_232 = arith.index_cast %parallel_loop3A_231 : i32 to index
          %parallel_loop3A_233 = tpu.vector_load %arg7[%parallel_loop3A_232] {strides = array<i32>} : memref<8192xi32, #tpu.memory_space<vmem>>, vector<16xi32>,
          %parallel_loop3A_234 = arith.constant 4 : i32
          %parallel_loop3A_235 = vector.broadcast %parallel_loop3A_234 : i32 to vector<16xi32>
          %parallel_loop3A_236 = arith.muli %parallel_loop3A_233, %parallel_loop3A_235 : vector<16xi32>
          %parallel_loop3A_237 = arith.constant 0 : i32
          %parallel_loop3A_238 = vector.broadcast %parallel_loop3A_237 : i32 to vector<16xi32>
          %parallel_loop3A_239 = arith.addi %parallel_loop3A_236, %parallel_loop3A_238 : vector<16xi32>
          %parallel_loop3A_240 = tpu.vector_load_idx %arg5[%parallel_loop3A_239] : memref<1024xf32, #tpu.memory_space<vmem>>[vector<16xi32>], vector<16xf32>,
          tpu.vector_store_idx %arg9[%parallel_loop3A_171, %add3A_54], %parallel_loop3A_240 : memref<128x256xf32, #tpu.memory_space<vmem>>[vector<16xi32>, vector<16xi32>], vector<16xf32>,
          %parallel_loop3A_241 = arith.constant 1 : i32
          %parallel_loop3A_242 = vector.broadcast %parallel_loop3A_241 : i32 to vector<16xi32>
          %parallel_loop3A_243 = arith.addi %parallel_loop3A_236, %parallel_loop3A_242 : vector<16xi32>
          %parallel_loop3A_244 = tpu.vector_load_idx %arg5[%parallel_loop3A_243] : memref<1024xf32, #tpu.memory_space<vmem>>[vector<16xi32>], vector<16xf32>,
          tpu.vector_store_idx %arg9[%parallel_loop3A_171, %add3A_60], %parallel_loop3A_244 : memref<128x256xf32, #tpu.memory_space<vmem>>[vector<16xi32>, vector<16xi32>], vector<16xf32>,
          %parallel_loop3A_245 = arith.constant 2 : i32
          %parallel_loop3A_246 = vector.broadcast %parallel_loop3A_245 : i32 to vector<16xi32>
          %parallel_loop3A_247 = arith.addi %parallel_loop3A_236, %parallel_loop3A_246 : vector<16xi32>
          %parallel_loop3A_248 = tpu.vector_load_idx %arg5[%parallel_loop3A_247] : memref<1024xf32, #tpu.memory_space<vmem>>[vector<16xi32>], vector<16xf32>,
          tpu.vector_store_idx %arg9[%parallel_loop3A_171, %add3A_66], %parallel_loop3A_248 : memref<128x256xf32, #tpu.memory_space<vmem>>[vector<16xi32>, vector<16xi32>], vector<16xf32>,
          %parallel_loop3A_249 = arith.constant 3 : i32
          %parallel_loop3A_250 = vector.broadcast %parallel_loop3A_249 : i32 to vector<16xi32>
          %parallel_loop3A_251 = arith.addi %parallel_loop3A_236, %parallel_loop3A_250 : vector<16xi32>
          %parallel_loop3A_252 = tpu.vector_load_idx %arg5[%parallel_loop3A_251] : memref<1024xf32, #tpu.memory_space<vmem>>[vector<16xi32>], vector<16xf32>,
          tpu.vector_store_idx %arg9[%parallel_loop3A_171, %add3A_72], %parallel_loop3A_252 : memref<128x256xf32, #tpu.memory_space<vmem>>[vector<16xi32>, vector<16xi32>], vector<16xf32>,
          %parallel_loop3A_253 = arith.constant 4 : i32
          %parallel_loop3A_254 = arith.muli %parallel_loop3A_170, %parallel_loop3A_253 : i32
          %parallel_loop3A_255 = arith.constant 3 : i32
          %parallel_loop3A_256 = arith.addi %parallel_loop3A_254, %parallel_loop3A_255 : i32
          %parallel_loop3A_257 = arith.constant 16 : i32
          %parallel_loop3A_258 = arith.muli %parallel_loop3A_256, %parallel_loop3A_257 : i32
          %parallel_loop3A_259 = arith.index_cast %parallel_loop3A_258 : i32 to index
          %parallel_loop3A_260 = tpu.vector_load %arg7[%parallel_loop3A_259] {strides = array<i32>} : memref<8192xi32, #tpu.memory_space<vmem>>, vector<16xi32>,
          %parallel_loop3A_261 = arith.constant 4 : i32
          %parallel_loop3A_262 = vector.broadcast %parallel_loop3A_261 : i32 to vector<16xi32>
          %parallel_loop3A_263 = arith.muli %parallel_loop3A_260, %parallel_loop3A_262 : vector<16xi32>
          %parallel_loop3A_264 = arith.constant 0 : i32
          %parallel_loop3A_265 = vector.broadcast %parallel_loop3A_264 : i32 to vector<16xi32>
          %parallel_loop3A_266 = arith.addi %parallel_loop3A_263, %parallel_loop3A_265 : vector<16xi32>
          %parallel_loop3A_267 = tpu.vector_load_idx %arg5[%parallel_loop3A_266] : memref<1024xf32, #tpu.memory_space<vmem>>[vector<16xi32>], vector<16xf32>,
          tpu.vector_store_idx %arg9[%parallel_loop3A_171, %add3A_78], %parallel_loop3A_267 : memref<128x256xf32, #tpu.memory_space<vmem>>[vector<16xi32>, vector<16xi32>], vector<16xf32>,
          %parallel_loop3A_268 = arith.constant 1 : i32
          %parallel_loop3A_269 = vector.broadcast %parallel_loop3A_268 : i32 to vector<16xi32>
          %parallel_loop3A_270 = arith.addi %parallel_loop3A_263, %parallel_loop3A_269 : vector<16xi32>
          %parallel_loop3A_271 = tpu.vector_load_idx %arg5[%parallel_loop3A_270] : memref<1024xf32, #tpu.memory_space<vmem>>[vector<16xi32>], vector<16xf32>,
          tpu.vector_store_idx %arg9[%parallel_loop3A_171, %add3A_84], %parallel_loop3A_271 : memref<128x256xf32, #tpu.memory_space<vmem>>[vector<16xi32>, vector<16xi32>], vector<16xf32>,
          %parallel_loop3A_272 = arith.constant 2 : i32
          %parallel_loop3A_273 = vector.broadcast %parallel_loop3A_272 : i32 to vector<16xi32>
          %parallel_loop3A_274 = arith.addi %parallel_loop3A_263, %parallel_loop3A_273 : vector<16xi32>
          %parallel_loop3A_275 = tpu.vector_load_idx %arg5[%parallel_loop3A_274] : memref<1024xf32, #tpu.memory_space<vmem>>[vector<16xi32>], vector<16xf32>,
          tpu.vector_store_idx %arg9[%parallel_loop3A_171, %add3A_90], %parallel_loop3A_275 : memref<128x256xf32, #tpu.memory_space<vmem>>[vector<16xi32>, vector<16xi32>], vector<16xf32>,
          %parallel_loop3A_276 = arith.constant 3 : i32
          %parallel_loop3A_277 = vector.broadcast %parallel_loop3A_276 : i32 to vector<16xi32>
          %parallel_loop3A_278 = arith.addi %parallel_loop3A_263, %parallel_loop3A_277 : vector<16xi32>
          %parallel_loop3A_279 = tpu.vector_load_idx %arg5[%parallel_loop3A_278] : memref<1024xf32, #tpu.memory_space<vmem>>[vector<16xi32>], vector<16xf32>,
          tpu.vector_store_idx %arg9[%parallel_loop3A_171, %add3A_96], %parallel_loop3A_279 : memref<128x256xf32, #tpu.memory_space<vmem>>[vector<16xi32>, vector<16xi32>], vector<16xf32>,
        } {sc.loop_unroll_factor = 4 : i64, sc.parallel_access}
        %mul3A_157 = arith.constant 128 : i32
        %mul3A_158 = arith.muli %add3A_141, %mul3A_157 : i32
        %dma_start3A_159 = arith.constant 0 : i32
        %dma_start3A_160 = tpu.memref_slice %arg4[%mul3A_158, %dma_start3A_159] : memref<100000x256xf32, #tpu.memory_space<hbm>> -> memref<128x256xf32, #tpu.memory_space<hbm>>
        %dma_start3A_161 = arith.constant 0 : i32
        %dma_start3A_162 = tpu.memref_slice %arg4[%mul3A_158, %dma_start3A_161] : memref<100000x256xf32, #tpu.memory_space<hbm>> -> memref<128x256xf32, #tpu.memory_space<hbm>>
        tpu.enqueue_dma source(%arg9 : memref<128x256xf32, #tpu.memory_space<vmem>>) target(%dma_start3A_162 : memref<128x256xf32, #tpu.memory_space<hbm>>) target_semaphore(%arg13 : memref<!tpu.dma_semaphore, #tpu.memory_space<semaphore_mem>>)
        %add3A_163 = arith.constant 64 : i32
        %add3A_164 = arith.addi %add3A_141, %add3A_163 : i32
        %lt3A_165 = arith.constant 781 : i32
        %lt3A_166 = arith.cmpi slt, %add3A_164, %lt3A_165 : i32
        %convert_element_type3A_167 = arith.extui %lt3A_166 : i1 to i32
        %cond3A_168 = arith.constant 0 : i32
        %cond3A_169 = arith.cmpi ne, %convert_element_type3A_167, %cond3A_168 : i32
        scf.if %cond3A_169 {
          %add3A_170 = arith.constant 64 : i32
          %add3A_171 = arith.addi %add3A_141, %add3A_170 : i32
          %mul3A_172 = arith.constant 8192 : i32
          %mul3A_173 = arith.muli %add3A_171, %mul3A_172 : i32
          %dma_start3A_174 = tpu.memref_slice %arg3[%mul3A_173] : memref<6400000xi32, #tpu.memory_space<hbm>> -> memref<8192xi32, #tpu.memory_space<hbm>>
          %dma_start3A_175 = tpu.memref_slice %arg3[%mul3A_173] : memref<6400000xi32, #tpu.memory_space<hbm>> -> memref<8192xi32, #tpu.memory_space<hbm>>
          tpu.enqueue_dma source(%dma_start3A_175 : memref<8192xi32, #tpu.memory_space<hbm>>) target(%arg7 : memref<8192xi32, #tpu.memory_space<vmem>>) target_semaphore(%arg11 : memref<!tpu.dma_semaphore, #tpu.memory_space<semaphore_mem>>)
        } else {
        }
      } else {
      }
    }
    %scan3A_111 = arith.constant 13 : i32
    %dma_wait3A = arith.constant 0 : i32
    %dma_wait3A_112 = arith.constant 0 : i32
    %dma_wait3A_113 = tpu.memref_slice %arg4[%dma_wait3A, %dma_wait3A_112] : memref<100000x256xf32, #tpu.memory_space<hbm>> -> memref<128x256xf32, #tpu.memory_space<hbm>>
    %dma_wait3A_114 = arith.constant 0 : i32
    %dma_wait3A_115 = arith.constant 0 : i32
    %dma_wait3A_116 = tpu.memref_slice %arg4[%dma_wait3A_114, %dma_wait3A_115] : memref<100000x256xf32, #tpu.memory_space<hbm>> -> memref<128x256xf32, #tpu.memory_space<hbm>>
    tpu.wait_dma2 semaphore(%arg12 : memref<!tpu.dma_semaphore, #tpu.memory_space<semaphore_mem>>) src(%arg8 : memref<128x256xf32, #tpu.memory_space<vmem>>) dst(%dma_wait3A_116 : memref<128x256xf32, #tpu.memory_space<hbm>>)
    %dma_wait3A_117 = arith.constant 0 : i32
    %dma_wait3A_118 = arith.constant 0 : i32
    %dma_wait3A_119 = tpu.memref_slice %arg4[%dma_wait3A_117, %dma_wait3A_118] : memref<100000x256xf32, #tpu.memory_space<hbm>> -> memref<128x256xf32, #tpu.memory_space<hbm>>
    %dma_wait3A_120 = arith.constant 0 : i32
    %dma_wait3A_121 = arith.constant 0 : i32
    %dma_wait3A_122 = tpu.memref_slice %arg4[%dma_wait3A_120, %dma_wait3A_121] : memref<100000x256xf32, #tpu.memory_space<hbm>> -> memref<128x256xf32, #tpu.memory_space<hbm>>
    tpu.wait_dma2 semaphore(%arg13 : memref<!tpu.dma_semaphore, #tpu.memory_space<semaphore_mem>>) src(%arg9 : memref<128x256xf32, #tpu.memory_space<vmem>>) dst(%dma_wait3A_122 : memref<128x256xf32, #tpu.memory_space<hbm>>)
    return
  }
}

</mosaic_0001>

<sc_bundles>
// kernel: kernel.3.cloned.1.call-start
scs
__scs_entry_jumppad:
0x0: {  	(pc) =	sbr.rel $0x88, $3  }
0x1: {  	(tag) =	ssettag $0x0;
	lr =	simm.s32 $0x1  }
0x2: {  	[smem:$0x3F9F] =	sst lr;
	_ =	strace $0xD0000000  }
0x3: {  	_ = 	snop  }
0x4: {  	_ = 	snop  }
0x5: {  	_ = 	snop  }
0x6: {  	_ = 	snop  }
0x7: {  	_ = 	snop  }
__scs_overlays_trampoline_lowered:
0x8: {  	[smem:$0x3FAE] =	sst s0  }
0x9: {  	[smem:$0x3FAF] =	sst s1  }
0xa: {  	[smem:$0x3FB0] =	sst s2  }
0xb: {  	[smem:$0x3FB1] =	sst s3  }
0xc: {  	[smem:$0x3FB2] =	sst s4  }
0xd: {  	[smem:$0x3FB3] =	sst s5  }
0xe: {  	[smem:$0x3FB4] =	sst s6  }
0xf: {  	[smem:$0x3FB5] =	sst s7  }
0x10: {  	[smem:$0x3FB6] =	sst s8  }
0x11: {  	[smem:$0x3FB7] =	sst s9;
	s0 =	simm.s32 @!p0 $0x0  }
0x12: {  	s1 =	sld [smem:$0x3F9D];
	s0 =	simm.s32 @p0 $0x1  }
0x13: {  	[smem:$0x3FB8] =	sst s0;
	s0 =	simm.s32 @!p1 $0x0  }
0x14: {  	s2 =	sld [smem:$0x3F9C];
	s0 =	simm.s32 @p1 $0x1  }
0x15: {  	[smem:$0x3FB9] =	sst s0;
	s0 =	simm.s32 @!p2 $0x0  }
0x16: {  	s3 =	sld [smem:$0x3FDB];
	s0 =	simm.s32 @p2 $0x1  }
0x17: {  	s4 =	simm.s32 $0x1BF5;
	[smem:$0x3FBB] =	sst s0  }
0x18: {  	s0 =	sld [smem:$0x3F9E];
	_ =	swait.ge [sflag:s4], $0x0  }
0x19: {  	s7 =	sld [smem:$0x3F9F]  }
0x1a: {  	s8 =	sadd.s32 $0xFFFFE003, lr  }
0x1b: {  	s9 =	sadd.s32 $0xFFFFFEF7, lr;
	s5 =	simm.s32 $0xFFFFFFFF;
	p2 =	slt.u32 s8, $0xFFFFF086  }
0x1c: {  	p1 =	slt.u32 s9, $0xF7A;
	s5 =	simm.s32 @!p2 $0x0  }
0x1d: {  	s5 =	simm.s32 @p1 $0x1;
	p0 =	seq.s32 s7, s2  }
0x1e: {  	s7 =	smul.u32 @!p0 $0xF7A, s2;
	p2 =	seq.s32 @!p0 s5, $0x0  }
0x1f: {  	s9 =	smul.u32 $0xF7A, s1;
	s8 =	simm.s32 @!p0 $0x1BF5;
	p2 =	por !p2, p0  }
0x20: {  	[sflag:s8] =	ssyncset.s32 @!p0 $0xFFFFF086;
	s6 =	sadd.s32 @!p0 s3, s7;
	s7 =	simm.s32 @!p0 $0x108  }
0x21: {  	s3 =	sadd.s32 s3, s9;
	s6 =	sadd.s32 @!p0 $0x88, s6;
	s7 =	simm.s32 @p2 $0x1082  }
0x22: {  	[simem:s7], [sflag:s8] =	dma.local @!p0 [hbm:s6], $0xF7A  }
0x23: {  	s9 =	sor.u32 $0xD0000000, s2;
	s6 =	simm.s32 $0x108;
	_ =	swait.ge @!p0 [sflag:s8], $0x0  }
0x24: {  	s3 =	sadd.s32 $0x88, s3;
	s6 =	simm.s32 @!p1 $0x1082;
	[sflag:s4] =	ssyncset.s32 $0xFFFFF086  }
0x25: {  	[simem:s6], [sflag:s4] =	dma.local [hbm:s3], $0xF7A  }
0x26: {  	[smem:$0x3F9F] =	sst s1;
	(tag) =	ssettag s2;
	_ =	strace s9  }
0x27: {  	s1 =	sld [smem:$0x3FAF]  }
0x28: {  	s2 =	sld [smem:$0x3FB0]  }
0x29: {  	s4 =	sld [smem:$0x3FB2]  }
0x2a: {  	p0 =	seq.s32 s5, $0x0;
	s5 =	sld [smem:$0x3FB3]  }
0x2b: {  	s6 =	sld [smem:$0x3FB4]  }
0x2c: {  	s7 =	sld [smem:$0x3FB5]  }
0x2d: {  	s3 =	simm.s32 $0x108;
	s8 =	sld [smem:$0x3FB6]  }
0x2e: {  	s3 =	simm.s32 @!p0 $0x1082;
	s9 =	sld [smem:$0x3FB7]  }
0x2f: {  	lr =	sadd.s32 s0, s3;
	s0 =	sld [smem:$0x3FAE]  }
0x30: {  	s3 =	sld [smem:$0x3FB1]  }
0x31: {  	[smem:$0x3FBA] =	sst s10  }
0x32: {  	s10 =	sld [smem:$0x3FB8];
	_ =	sdelay $0x3  }
0x33: {  	p0 =	seq.s32 s10, $0x1;
	s10 =	sld [smem:$0x3FBA];
	_ =	sdelay $0x3  }
0x34: {  	[smem:$0x3FBA] =	sst s10  }
0x35: {  	s10 =	sld [smem:$0x3FB9];
	_ =	sdelay $0x3  }
0x36: {  	p1 =	seq.s32 s10, $0x1;
	s10 =	sld [smem:$0x3FBA];
	_ =	sdelay $0x3  }
0x37: {  	[smem:$0x3FBA] =	sst s10  }
0x38: {  	s10 =	sld [smem:$0x3FBB]  }
0x39: {  	_ = 	snop;
	(pc) =	sbr.ind lr, $3  }
0x3a: {  	_ = 	snop  }
0x3b: {  	_ = 	snop  }
0x3c: {  	p2 =	seq.s32 s10, $0x1;
	s10 =	sld [smem:$0x3FBA]  }
0x3d: {  	_ =	shalt  }
0x3e: {  	_ =	shalt  }
0x3f: {  	_ =	shalt  }
0x40: {  	_ =	shalt  }
0x41: {  	_ =	shalt  }
0x42: {  	_ =	shalt  }
0x43: {  	_ =	shalt  }
0x44: {  	_ =	shalt  }
0x45: {  	_ =	shalt  }
0x46: {  	_ =	shalt  }
0x47: {  	_ =	shalt  }
0x48: {  	_ =	shalt  }
0x49: {  	_ =	shalt  }
0x4a: {  	_ =	shalt  }
0x4b: {  	_ =	shalt  }
0x4c: {  	_ =	shalt  }
0x4d: {  	_ =	shalt  }
0x4e: {  	_ =	shalt  }
0x4f: {  	_ =	shalt  }
0x50: {  	_ =	shalt  }
0x51: {  	_ =	shalt  }
0x52: {  	_ =	shalt  }
0x53: {  	_ =	shalt  }
0x54: {  	_ =	shalt  }
0x55: {  	_ =	shalt  }
0x56: {  	_ =	shalt  }
0x57: {  	_ =	shalt  }
0x58: {  	_ =	shalt  }
0x59: {  	_ =	shalt  }
0x5a: {  	_ =	shalt  }
0x5b: {  	_ =	shalt  }
0x5c: {  	_ =	shalt  }
0x5d: {  	_ =	shalt  }
0x5e: {  	_ =	shalt  }
0x5f: {  	_ =	shalt  }
0x60: {  	_ =	shalt  }
0x61: {  	_ =	shalt  }
0x62: {  	_ =	shalt  }
0x63: {  	_ =	shalt  }
0x64: {  	_ =	shalt  }
0x65: {  	_ =	shalt  }
0x66: {  	_ =	shalt  }
0x67: {  	_ =	shalt  }
0x68: {  	_ =	shalt  }
0x69: {  	_ =	shalt  }
0x6a: {  	_ =	shalt  }
0x6b: {  	_ =	shalt  }
0x6c: {  	_ =	shalt  }
0x6d: {  	_ =	shalt  }
0x6e: {  	_ =	shalt  }
0x6f: {  	_ =	shalt  }
0x70: {  	_ =	shalt  }
0x71: {  	_ =	shalt  }
0x72: {  	_ =	shalt  }
0x73: {  	_ =	shalt  }
0x74: {  	_ =	shalt  }
0x75: {  	_ =	shalt  }
0x76: {  	_ =	shalt  }
0x77: {  	_ =	shalt  }
0x78: {  	_ =	shalt  }
0x79: {  	_ =	shalt  }
0x7a: {  	_ =	shalt  }
0x7b: {  	_ =	shalt  }
0x7c: {  	_ =	shalt  }
0x7d: {  	_ =	shalt  }
0x7e: {  	_ =	shalt  }
0x7f: {  	_ =	shalt  }
0x80: {  	_ =	shalt  }
0x81: {  	_ =	shalt  }
0x82: {  	_ =	shalt  }
0x83: {  	_ =	shalt  }
0x84: {  	_ =	shalt  }
0x85: {  	_ =	shalt  }
0x86: {  	_ =	shalt  }
0x87: {  	_ =	shalt  }
.Lfunc_end0:
.L_simem_size_0:
called_computation_lowered:
.L_overlay_start_0:
0x88: {  	s2 =	sld [smem:$0x3FD9]  }
0x89: {  	s3 =	sld [smem:$0x3FFE];
	_ =	sdelay $0x1  }
0x8a: {  	s1 =	srdreg.scid  }
0x8b: {  	s0 =	sand.u32 $0x1, s1  }
0x8c: {  	s17 =	sshll.u32 s0, $0xA;
	s2 =	sadd.s32 s3, s2  }
0x8d: {  	s2 =	sadd.s32 s2, s17  }
0x8e: {  	[smem:$0x3FC6] =	sst s2  }
0x8f: {  	_ = 	snop  }
0x90: {  	s2 =	sld [smem:$0x3FC8]  }
0x91: {  	s18 =	sld [smem:$0x3FD0];
	(tm) =	ssettm $0x1  }
0x92: {  	s4 =	sld [smem:$0x3FFB];
	_ =	sdelay $0x3  }
0x93: {  	_ =	strace s4  }
0x94: {  	s4 =	sld [smem:$0x3FFC];
	_ =	sdelay $0x3  }
0x95: {  	_ =	strace s4  }
0x96: {  	s4 =	sld [smem:$0x3FFD];
	_ =	sdelay $0x3  }
0x97: {  	_ =	strace s4  }
0x98: {  	_ =	strace $0x8FFFFFFF  }
0x99: {  	s19 =	sld [smem:$0x3FDB];
	_ =	sdelay $0x1  }
0x9a: {  	s5 =	simm.s32 $_scs_section_size  }
0x9b: {  	s6 =	simm.s32 $_size__tile_overlayer_lowered;
	s7 =	simm.s32 $_tile_overlayer_lowered  }
0x9c: {  	s22 =	simm.s32 $0x1BFF;
	s21 =	sshll.u32 s7, $0x1;
	s4 =	sadd.s32 s5, s19  }
0x9d: {  	s8 =	simm.s32 $0x0;
	s20 =	sshll.u32 s6, $0x1;
	s6 =	sadd.s32 s21, s4  }
0x9e: {  	[timem:s8], [sflag:s22] =	dma.local [hbm:s6], s20  }
0x9f: {  	_ =	swait.ge [sflag:s22], s20  }
0xa0: {  	s5 =	ssub.s32 $0x0, s20;
	[sflag:s22] =	ssyncset.done $0x0  }
0xa1: {  	[sflag:s22] =	ssyncadd.s32 s5;
	_ =	sdelay $0x1  }
0xa2: {  	s23 =	simm.s32 $0x1B8B  }
0xa3: {  	_ =	swait.ge [sflag:s23], $0x1  }
0xa4: {  	[sflag:s23] =	ssyncset.done $0x0  }
0xa5: {  	s25 =	simm.s32 $0x1B8E;
	s24 =	sld [smem:$0x3FFE];
	[sflag:s23] =	ssyncadd.s32 $0xFFFFFFFF  }
0xa6: {  	s26 =	simm.s32 $execute0_lowered;
	[smem:$0x3FD2] =	sst s25  }
0xa7: {  	s6 =	sshll.u32 s26, $0x1;
	_ =	strace $0x80000046;
	[dreg:$0x1] =	wrdreg $0xFFFFFFFF  }
0xa8: {  	s28 =	simm.s32 $_size_execute0_lowered;
	s4 =	sadd.s32 s4, s6;
	[dreg:$0x0] =	wrdreg $0x0  }
0xa9: {  	s6 =	sshll.u32 s28, $0x1;
	[dreg:$0x2] =	wrdreg s4  }
0xaa: {  	[dreg:$0x3] =	wrdreg s6  }
0xab: {  	[dreg:$0x4] =	wrdreg $0xC0  }
0xac: {  	_ =	task [dreg:s8], $0x5FFFF  }
0xad: {  	[dreg:$0x1] =	wrdreg $0xFFFFFFFF  }
0xae: {  	[dreg:$0x0] =	wrdreg $0x60  }
0xaf: {  	[dreg:$0x2] =	wrdreg s24  }
0xb0: {  	[dreg:$0x3] =	wrdreg s2  }
0xb1: {  	[dreg:$0x4] =	wrdreg s18  }
0xb2: {  	[dreg:$0x5] =	wrdreg $0x9  }
0xb3: {  	_ =	task.clear_ibuf [dreg:s8], $0x6FFFF;
	_ =	strace $0x90000046  }
0xb4: {  	s29 =	simm.s32 $0x9;
	_ =	strace $0x80000048  }
0xb5: {  	_ =	swait.ge [sflag:s29], $0x1  }
0xb6: {  	[sflag:s29] =	ssyncadd.s32 $0xFFFFFFFF  }
0xb7: {  	_ =	strace $0x90000048  }
0xb8: {  	_ =	sfence  }
0xb9: {  	s30 =	sld [smem:$0x0];
	_ =	sdelay $0x2  }
0xba: {  	s31 =	sshll.u32 s1, $0xD;
	s1 =	sshrl.u32 s1, $0x2  }
0xbb: {  	s3 =	sand.u32 $0x4000, s31;
	s1 =	sadd.s32 s1, s30  }
0xbc: {  	s0 =	sor.u32 s3, s0;
	s1 =	sshll.u32 s1, $0x11  }
0xbd: {  	s0 =	sor.u32 s1, s0  }
0xbe: {  	s0 =	sadd.s32 $0x8F2B, s0  }
0xbf: {  	[sflag:s0] =	ssyncadd.remote.s32 $0x1  }
0xc0: {  	_ =	sfence.sel $0xFFFF  }
0xc1: {  	[dreg:$0x0] =	wrdreg $0xFFFFFFFF;
	(pc) =	sbr.abs _section_cstart, $3  }
0xc2: {  	[dreg:$0x1] =	wrdreg $0xFFFFFFFF  }
0xc3: {  	_ =	task.clear_ibuf [dreg:s8], $0x2FFFF;
	_ =	strace $0x9FFFFFFF  }
0xc4: {  	(tm) =	ssettm $0x7FFFFFFF  }
0xc5: {  	_ =	shalt  }
tec
execute0_lowered:
.L_overlay_start_1:
0x0: {  	(tag) =	ssettag $0x1  }
0x1: {  	s5 =	rddreg [dreg:$0x0]  }
0x2: {  	s10 =	rddreg [dreg:$0x1]  }
0x3: {  	s2 =	rddreg [dreg:$0x2]  }
0x4: {  	s0 =	rddreg [dreg:$0x3];
	s3 =	simm.s32 $0x0  }
0x5: {  	s4 =	srdreg.scid;
	s1 =	stileid.u32;
	v0 =	vlaneseq.u32;
	s12 =	simm.s32 $0x5  }
0x6: {  	s13 =	simm.s32 $0x400;
	s14 =	simm.s32 $0x4400;
	s15 =	simm.s32 $0x2400;
	v0 =	vmul.u32 $0x4, v0  }
0x7: {  	s16 =	simm.s32 $0x1;
	s17 =	simm.s32 $0x2;
	s18 =	simm.s32 $0xC400  }
0x8: {  	s19 =	simm.s32 $0x3;
	s20 =	simm.s32 $0x4;
	[smem:$0x7FF] =	sst s3;
	v9 =	vor.u32 $0x401, v0  }
0x9: {  	s21 =	simm.s32 $0x0;
	s4 =	sand.u32 $0x1, s4;
	_ =	strace $0x80000047;
	v8 =	vor.u32 $0x440, v0;
	[tilespmem:$0x1FFA0] =	vst v9  }
.Ltmp0:
0xa: {  	s6 =	sshll.u32 s1, $0x1;
	s5 =	sadd.s32 $0x400, s5;
	v15 =	vor.u32 $0x441, v0;
	[tilespmem:$0x1FFB0] =	vst v8;
	(pc) =	sbr.rel .LBB2_1-.Ltmp0, $4  }
0xb: {  	s7 =	ssub.s32 $0x2, s4;
	s4 =	sor.u32 s4, s6;
	s6 =	sadd.s32 $0xC3400, s10;
	v1 =	vor.u32 $0x1, v0;
	v2 =	vor.u32 $0x2, v0;
	v6 =	vor.u32 $0x42, v0;
	[tilespmem:$0x1FFC0] =	vst v15  }
0xc: {  	s31 =	sshrl.u32 s7, $0x1;
	s8 =	sshll.u32 s4, $0xA;
	v3 =	vor.u32 $0x3, v0;
	p0 =	sne.s32 s4, $0xD;
	v4 =	vor.u32 $0x40, v0;
	v10 =	vor.u32 $0x402, v0;
	[tilespmem:$0x1FFD0] =	vst v6  }
0xd: {  	v5 =	vor.u32 $0x41, v0;
	v7 =	vor.u32 $0x43, v0;
	v11 =	vor.u32 $0x400, v0;
	s11 =	ssub.s32 s7, s31;
	s7 =	sadd.s32 s10, s8;
	s8 =	sadd.s32 $0x30D000, s2;
	[tilespmem:$0x1FFE0] =	vst v10  }
0xe: {  	v63 =	vor.u32 $0x403, v0;
	v14 =	vor.u32 $0x442, v0;
	v12 =	vor.u32 $0x443, v0;
	s10 =	sadd.s32 $0x10000, s10;
	[tilespmem:$0x1FFF0] =	vst v7;
	s9 =	sadd.s32 $0x8000, s7;
	s11 =	smax.u32 s11, $0x1  }
.LBB2_15:
0xf: {  	s21 =	sadd.s32 $0x1, s21  }
0x10: {  	_ =	swait.ge [sflag:s19], $0x8000;
	p1 =	sne.s32 s21, s11  }
.Ltmp1:
0x11: {  	[sflag:s19] =	ssyncset.done $0x0;
	(pc) =	sbr.rel @!p1 .LBB2_16-.Ltmp1, $4  }
0x12: {  	[sflag:s19] =	ssyncadd.s32 $0xFFFF8000  }
0x13: {  	_ =	swait.ge [sflag:s20], $0x8000  }
0x14: {  	[sflag:s20] =	ssyncset.done $0x0  }
0x15: {  	[sflag:s20] =	ssyncadd.s32 $0xFFFF8000  }
.LBB2_1:
.Ltmp2:
0x16: {  	(pc) =	sbr.rel @p0 .LBB2_5-.Ltmp2, $4  }
0x17: {  	[tilespmem:s3], [sflag:$0x5] =	stream.linear.gather [hbm4b:s5+s3], $0x400, $0x38;
	[tilespmem:$0x14400] =	vst v63  }
0x18: {  	_ =	swait.ge [sflag:s12], $0x400  }
0x19: {  	[sflag:s12] =	ssyncset.done $0x0  }
0x1a: {  	[sflag:s12] =	ssyncadd.s32 $0xFFFFFC00  }
0x1b: {  	s22 =	simm.s32 $0x0  }
0x1c: {  	[tilespmem:s13], [sflag:$0x5] =	stream.linear.gather [hbm4b:s6+s22], $0x800, $0x38;
	[tilespmem:$0x14400] =	vst v63  }
0x1d: {  	_ =	swait.ge [sflag:s12], $0x800  }
0x1e: {  	[sflag:s12] =	ssyncset.done $0x0  }
0x1f: {  	s24 =	simm.s32 $0x460;
	[sflag:s12] =	ssyncadd.s32 $0xFFFFF800  }
0x20: {  	v16 =	vld [tilespmem:s24+$0x60]  }
0x21: {  	v17 =	vld [tilespmem:s24+$0xFFFFFFA0]  }
0x22: {  	s25 =	simm.s32 $0x1;
	s23 =	simm.s32 $0x2;
	v20 =	vld [tilespmem:s24+$0xFFFFFFE0]  }
0x23: {  	v19 =	vmov s22;
	v21 =	vmov s25;
	v23 =	vmov s23  }
0x24: {  	v18 =	vshll.u32 v19, $0x8;
	v19 =	vshll.u32 v19, $0x7;
	v24 =	vshll.u32 v21, $0x8  }
0x25: {  	s26 =	simm.s32 $0x3;
	v28 =	vshll.u32 v23, $0x8;
	v22 =	vand.u32 $0x1800, v18;
	v25 =	vld [tilespmem:s24+$0x20];
	v26 =	vshll.u32 v16, $0x2  }
0x26: {  	v16 =	vshll.u32 v21, $0x7;
	v21 =	vshll.u32 v17, $0x2;
	v17 =	vmov s26  }
0x27: {  	v27 =	vshll.u32 v20, $0x2;
	v20 =	vshll.u32 v17, $0x8;
	v17 =	vshll.u32 v17, $0x7  }
0x28: {  	v19 =	vand.u32 $0x200, v19;
	v29 =	vand.u32 $0x1800, v20;
	v17 =	vand.u32 $0x380, v17  }
0x29: {  	v24 =	vand.u32 $0x1800, v24;
	v20 =	vor.u32 v19, v22;
	v22 =	vor.u32 v17, v29  }
0x2a: {  	v25 =	vshll.u32 v25, $0x2;
	v16 =	vand.u32 $0x280, v16;
	v30 =	vor.u32 v0, v22;
	v29 =	vld.idx.msk [tilespmem:v26+s3+$0x0], $0xffff  }
0x2b: {  	v32 =	vor.u32 $0x1, v26;
	v16 =	vor.u32 v16, v24;
	v31 =	vor.u32 v0, v20;
	v24 =	vld.idx.msk [tilespmem:v21+s3+$0x0], $0xffff  }
0x2c: {  	v33 =	vor.u32 $0x1, v21;
	v17 =	vshll.u32 v23, $0x7;
	v23 =	vor.u32 v0, v16;
	v34 =	vld.idx.msk [tilespmem:v27+s3+$0x0], $0xffff  }
0x2d: {  	v28 =	vand.u32 $0x1800, v28;
	v17 =	vand.u32 $0x300, v17  }
0x2e: {  	v17 =	vor.u32 v17, v28  }
0x2f: {  	v35 =	vor.u32 $0x1, v27;
	v36 =	vld.idx.msk [tilespmem:v25+s3+$0x0], $0xffff;
	v28 =	vor.u32 v0, v17;
	[tilespmem:v30+s14+$0x0] =	vst.idx.msk $0xffff, v29  }
0x30: {  	v29 =	vor.u32 $0x1, v25;
	[tilespmem:v31+s14+$0x0] =	vst.idx.msk $0xffff, v24;
	v30 =	vor.u32 v1, v22;
	v24 =	vld.idx.msk [tilespmem:v32+s3+$0x0], $0xffff  }
0x31: {  	v56 =	vor.u32 $0x2, v26;
	[tilespmem:v23+s14+$0x0] =	vst.idx.msk $0xffff, v34;
	v23 =	vor.u32 v1, v20;
	v31 =	vld.idx.msk [tilespmem:v33+s3+$0x0], $0xffff  }
0x32: {  	v57 =	vor.u32 $0x2, v21;
	_ =	sdelay $0x1  }
0x33: {  	v58 =	vor.u32 v1, v16;
	v34 =	vld.idx.msk [tilespmem:v35+s3+$0x0], $0xffff;
	[tilespmem:v28+s14+$0x0] =	vst.idx.msk $0xffff, v36  }
0x34: {  	v37 =	vor.u32 $0x2, v27;
	v28 =	vld.idx.msk [tilespmem:v29+s3+$0x0], $0xffff;
	v29 =	vor.u32 v1, v17;
	[tilespmem:v30+s14+$0x0] =	vst.idx.msk $0xffff, v24  }
0x35: {  	v24 =	vor.u32 $0x2, v25;
	[tilespmem:v23+s14+$0x0] =	vst.idx.msk $0xffff, v31;
	v30 =	vor.u32 v2, v22;
	v23 =	vld.idx.msk [tilespmem:v56+s3+$0x0], $0xffff  }
0x36: {  	v59 =	vor.u32 v2, v20;
	v26 =	vor.u32 $0x3, v26;
	v31 =	vld.idx.msk [tilespmem:v57+s3+$0x0], $0xffff  }
0x37: {  	v21 =	vor.u32 $0x3, v21  }
0x38: {  	[tilespmem:v58+s14+$0x0] =	vst.idx.msk $0xffff, v34  }
0x39: {  	v61 =	vor.u32 v2, v16;
	v60 =	vld.idx.msk [tilespmem:v37+s3+$0x0], $0xffff;
	[tilespmem:v29+s14+$0x0] =	vst.idx.msk $0xffff, v28  }
0x3a: {  	v27 =	vor.u32 $0x3, v27;
	v28 =	vor.u32 v2, v17;
	v24 =	vld.idx.msk [tilespmem:v24+s3+$0x0], $0xffff;
	[tilespmem:v30+s14+$0x0] =	vst.idx.msk $0xffff, v23  }
0x3b: {  	v23 =	vor.u32 $0x3, v25;
	[tilespmem:v59+s14+$0x0] =	vst.idx.msk $0xffff, v31;
	v25 =	vld.idx.msk [tilespmem:v26+s3+$0x0], $0xffff;
	v26 =	vor.u32 v3, v22  }
0x3c: {  	v29 =	vor.u32 v3, v20;
	v21 =	vld.idx.msk [tilespmem:v21+s3+$0x0], $0xffff;
	_ =	sdelay $0x1  }
0x3d: {  	[tilespmem:v61+s14+$0x0] =	vst.idx.msk $0xffff, v60  }
0x3e: {  	s23 =	simm.s32 $0xC0;
	v30 =	vor.u32 v3, v16;
	v27 =	vld.idx.msk [tilespmem:v27+s3+$0x0], $0xffff;
	[tilespmem:v28+s14+$0x0] =	vst.idx.msk $0xffff, v24  }
0x3f: {  	s28 =	sor.u32 $0x50, s23;
	v24 =	vor.u32 v3, v17;
	v23 =	vld.idx.msk [tilespmem:v23+s3+$0x0], $0xffff;
	[tilespmem:v26+s14+$0x0] =	vst.idx.msk $0xffff, v25  }
0x40: {  	[tilespmem:v29+s14+$0x0] =	vst.idx.msk $0xffff, v21;
	v21 =	vld [tilespmem:s28+$0x400]  }
0x41: {  	v25 =	vld [tilespmem:s24+$0xFFFFFFB0];
	_ =	sdelay $0x1  }
0x42: {  	[tilespmem:v30+s14+$0x0] =	vst.idx.msk $0xffff, v27  }
0x43: {  	v26 =	vld [tilespmem:s24+$0xFFFFFFF0];
	[tilespmem:v24+s14+$0x0] =	vst.idx.msk $0xffff, v23  }
0x44: {  	v23 =	vld [tilespmem:s24+$0x30];
	v21 =	vshll.u32 v21, $0x2  }
0x45: {  	v24 =	vshll.u32 v25, $0x2;
	_ =	sdelay $0x2  }
0x46: {  	v25 =	vshll.u32 v26, $0x2  }
0x47: {  	v27 =	vor.u32 v4, v22;
	v23 =	vshll.u32 v23, $0x2;
	v26 =	vld.idx.msk [tilespmem:v21+s3+$0x0], $0xffff  }
0x48: {  	v28 =	vor.u32 v4, v20;
	v30 =	vor.u32 $0x1, v21;
	v29 =	vld.idx.msk [tilespmem:v24+s3+$0x0], $0xffff  }
0x49: {  	v31 =	vor.u32 $0x1, v24;
	_ =	sdelay $0x1  }
0x4a: {  	v40 =	vor.u32 v4, v16;
	v62 =	vld.idx.msk [tilespmem:v25+s3+$0x0], $0xffff  }
0x4b: {  	v43 =	vor.u32 v4, v17;
	v41 =	vor.u32 $0x1, v25;
	v42 =	vld.idx.msk [tilespmem:v23+s3+$0x0], $0xffff;
	[tilespmem:v27+s14+$0x0] =	vst.idx.msk $0xffff, v26  }
0x4c: {  	v26 =	vor.u32 $0x1, v23;
	[tilespmem:v28+s14+$0x0] =	vst.idx.msk $0xffff, v29;
	v28 =	vor.u32 v5, v22;
	v27 =	vld.idx.msk [tilespmem:v30+s3+$0x0], $0xffff  }
0x4d: {  	v29 =	vld.idx.msk [tilespmem:v31+s3+$0x0], $0xffff;
	v30 =	vor.u32 v5, v20;
	v31 =	vor.u32 $0x2, v21  }
0x4e: {  	v44 =	vor.u32 $0x2, v24  }
0x4f: {  	[tilespmem:v40+s14+$0x0] =	vst.idx.msk $0xffff, v62  }
0x50: {  	v45 =	vor.u32 v5, v16;
	v33 =	vld.idx.msk [tilespmem:v41+s3+$0x0], $0xffff;
	[tilespmem:v43+s14+$0x0] =	vst.idx.msk $0xffff, v42  }
0x51: {  	v47 =	vor.u32 v5, v17;
	v46 =	vor.u32 $0x2, v25;
	v26 =	vld.idx.msk [tilespmem:v26+s3+$0x0], $0xffff;
	[tilespmem:v28+s14+$0x0] =	vst.idx.msk $0xffff, v27  }
0x52: {  	v27 =	vor.u32 $0x2, v23;
	[tilespmem:v30+s14+$0x0] =	vst.idx.msk $0xffff, v29;
	v29 =	vor.u32 v6, v22;
	v28 =	vld.idx.msk [tilespmem:v31+s3+$0x0], $0xffff  }
0x53: {  	v21 =	vor.u32 $0x3, v21;
	v30 =	vld.idx.msk [tilespmem:v44+s3+$0x0], $0xffff;
	v31 =	vor.u32 v6, v20  }
0x54: {  	v24 =	vor.u32 $0x3, v24  }
0x55: {  	[tilespmem:v45+s14+$0x0] =	vst.idx.msk $0xffff, v33  }
0x56: {  	v49 =	vor.u32 v6, v16;
	v48 =	vld.idx.msk [tilespmem:v46+s3+$0x0], $0xffff;
	[tilespmem:v47+s14+$0x0] =	vst.idx.msk $0xffff, v26  }
0x57: {  	v25 =	vor.u32 $0x3, v25;
	v26 =	vld.idx.msk [tilespmem:v27+s3+$0x0], $0xffff;
	v27 =	vor.u32 v6, v17;
	[tilespmem:v29+s14+$0x0] =	vst.idx.msk $0xffff, v28  }
0x58: {  	v23 =	vor.u32 $0x3, v23;
	[tilespmem:v31+s14+$0x0] =	vst.idx.msk $0xffff, v30;
	v28 =	vor.u32 v7, v22;
	v21 =	vld.idx.msk [tilespmem:v21+s3+$0x0], $0xffff  }
0x59: {  	s22 =	simm.s32 $0x560;
	v20 =	vor.u32 v7, v20;
	v24 =	vld.idx.msk [tilespmem:v24+s3+$0x0], $0xffff  }
0x5a: {  	v51 =	vld [tilespmem:s22+$0xFFFFFFA0]  }
0x5b: {  	v38 =	vld [tilespmem:s22+$0x20];
	[tilespmem:v49+s14+$0x0] =	vst.idx.msk $0xffff, v48  }
0x5c: {  	v29 =	vor.u32 v7, v16;
	v25 =	vld.idx.msk [tilespmem:v25+s3+$0x0], $0xffff;
	[tilespmem:v27+s14+$0x0] =	vst.idx.msk $0xffff, v26  }
0x5d: {  	s29 =	sor.u32 $0x60, s23;
	v27 =	vld.idx.msk [tilespmem:v23+s3+$0x0], $0xffff;
	[tilespmem:v28+s14+$0x0] =	vst.idx.msk $0xffff, v21  }
0x5e: {  	[tilespmem:v20+s14+$0x0] =	vst.idx.msk $0xffff, v24;
	v20 =	vld [tilespmem:s29+$0x400]  }
0x5f: {  	s31 =	simm.s32 $0x6;
	v23 =	vld [tilespmem:s24+$0xFFFFFFC0]  }
0x60: {  	v50 =	vmov s31  }
0x61: {  	v54 =	vshll.u32 v50, $0x8;
	v38 =	vshll.u32 v38, $0x2;
	v32 =	vshll.u32 v50, $0x7;
	v30 =	vld [tilespmem:s22+$0x60];
	[tilespmem:v29+s14+$0x0] =	vst.idx.msk $0xffff, v25  }
0x62: {  	s25 =	simm.s32 $0x4;
	v39 =	vor.u32 v11, v22;
	v32 =	vand.u32 $0x300, v32;
	v33 =	vshll.u32 v51, $0x2;
	v24 =	vld [tilespmem:s24+$0x0]  }
0x63: {  	v21 =	vmov s25;
	v29 =	vor.u32 v7, v17;
	v35 =	vshll.u32 v20, $0x2;
	v20 =	vld [tilespmem:s22+$0xFFFFFFE0]  }
0x64: {  	s30 =	simm.s32 $0x5;
	v25 =	vshll.u32 v21, $0x8;
	v21 =	vshll.u32 v21, $0x7;
	v37 =	vshll.u32 v23, $0x2  }
0x65: {  	v26 =	vmov s30;
	v31 =	vand.u32 $0x1800, v25;
	v52 =	vand.u32 $0x200, v21  }
0x66: {  	v53 =	vshll.u32 v26, $0x7;
	v21 =	vshll.u32 v26, $0x8;
	v26 =	vor.u32 v52, v31  }
0x67: {  	s26 =	simm.s32 $0x7;
	v31 =	vand.u32 $0x1800, v21;
	v23 =	vshll.u32 v24, $0x2;
	v24 =	vshll.u32 v30, $0x2  }
0x68: {  	v21 =	vor.u32 v19, v18;
	v19 =	vmov s26;
	v55 =	vld.idx.msk [tilespmem:v35+s3+$0x0], $0xffff;
	v36 =	vshll.u32 v20, $0x2  }
0x69: {  	[tilespmem:v29+s14+$0x0] =	vst.idx.msk $0xffff, v27;
	v29 =	vor.u32 v11, v21;
	v40 =	vld.idx.msk [tilespmem:v37+s3+$0x0], $0xffff;
	v20 =	vshll.u32 v19, $0x8;
	v19 =	vshll.u32 v19, $0x7  }
0x6a: {  	v18 =	vand.u32 $0x280, v53;
	v20 =	vand.u32 $0x1800, v20;
	v19 =	vand.u32 $0x380, v19  }
0x6b: {  	v48 =	vld.idx.msk [tilespmem:v33+s3+$0x0], $0xffff;
	v46 =	vor.u32 v0, v26;
	v27 =	vand.u32 $0x1800, v54;
	v20 =	vor.u32 v19, v20  }
0x6c: {  	v50 =	vor.u32 $0x1, v24;
	v45 =	vld.idx.msk [tilespmem:v24+s3+$0x0], $0xffff;
	v19 =	vor.u32 v18, v31;
	v49 =	vor.u32 v0, v20  }
0x6d: {  	v18 =	vor.u32 v32, v27;
	v27 =	vor.u32 v0, v19;
	v31 =	vld.idx.msk [tilespmem:v36+s3+$0x0], $0xffff;
	[tilespmem:v39+s14+$0x0] =	vst.idx.msk $0xffff, v55  }
0x6e: {  	v56 =	vor.u32 $0x1, v33;
	[tilespmem:v29+s14+$0x0] =	vst.idx.msk $0xffff, v40  }
0x6f: {  	v41 =	vor.u32 $0x1, v35;
	v9 =	vld [tilespmem:$0x1FFA0]  }
0x70: {  	v30 =	vld [tilespmem:s24+$0x40];
	v43 =	vor.u32 $0x1, v37;
	[tilespmem:v46+s14+$0x0] =	vst.idx.msk $0xffff, v48  }
0x71: {  	v57 =	vor.u32 $0x1, v36;
	v59 =	vor.u32 v0, v18;
	v29 =	vld.idx.msk [tilespmem:v38+s3+$0x0], $0xffff;
	[tilespmem:v49+s14+$0x0] =	vst.idx.msk $0xffff, v45  }
0x72: {  	v54 =	vld.idx.msk [tilespmem:v50+s3+$0x0], $0xffff;
	[tilespmem:v27+s14+$0x0] =	vst.idx.msk $0xffff, v31;
	v27 =	vor.u32 v1, v20  }
0x73: {  	v32 =	vld.idx.msk [tilespmem:v56+s3+$0x0], $0xffff;
	v31 =	vor.u32 v1, v26  }
0x74: {  	v62 =	vor.u32 $0x1, v38;
	v34 =	vld.idx.msk [tilespmem:v41+s3+$0x0], $0xffff;
	v58 =	vor.u32 v9, v22  }
0x75: {  	v60 =	vld.idx.msk [tilespmem:v43+s3+$0x0], $0xffff;
	v56 =	vor.u32 $0x2, v24;
	v53 =	vor.u32 v9, v21  }
0x76: {  	[tilespmem:v59+s14+$0x0] =	vst.idx.msk $0xffff, v29;
	v39 =	vld.idx.msk [tilespmem:v57+s3+$0x0], $0xffff;
	v57 =	vor.u32 $0x2, v33  }
0x77: {  	v61 =	vor.u32 $0x2, v35;
	[tilespmem:v27+s14+$0x0] =	vst.idx.msk $0xffff, v54  }
0x78: {  	v44 =	vor.u32 v11, v16;
	v42 =	vld.idx.msk [tilespmem:v23+s3+$0x0], $0xffff;
	v30 =	vshll.u32 v30, $0x2;
	[tilespmem:v31+s14+$0x0] =	vst.idx.msk $0xffff, v32  }
0x79: {  	v43 =	vld.idx.msk [tilespmem:v62+s3+$0x0], $0xffff;
	[tilespmem:v58+s14+$0x0] =	vst.idx.msk $0xffff, v34;
	v58 =	vor.u32 v1, v19  }
0x7a: {  	v47 =	vor.u32 $0x1, v23;
	[tilespmem:v53+s14+$0x0] =	vst.idx.msk $0xffff, v60;
	v60 =	vor.u32 v1, v18;
	v31 =	vld.idx.msk [tilespmem:v56+s3+$0x0], $0xffff  }
0x7b: {  	v55 =	vor.u32 $0x2, v37;
	v34 =	vld.idx.msk [tilespmem:v57+s3+$0x0], $0xffff;
	v57 =	vor.u32 v2, v20  }
0x7c: {  	v41 =	vor.u32 $0x2, v36;
	v59 =	vor.u32 v10, v22;
	v29 =	vld.idx.msk [tilespmem:v61+s3+$0x0], $0xffff  }
0x7d: {  	[tilespmem:v44+s14+$0x0] =	vst.idx.msk $0xffff, v42;
	v62 =	vor.u32 $0x2, v38;
	v54 =	vor.u32 v11, v17;
	v61 =	vld.idx.msk [tilespmem:v30+s3+$0x0], $0xffff  }
0x7e: {  	v24 =	vor.u32 $0x3, v24;
	[tilespmem:v58+s14+$0x0] =	vst.idx.msk $0xffff, v39  }
0x7f: {  	v35 =	vor.u32 $0x3, v35;
	v45 =	vld.idx.msk [tilespmem:v47+s3+$0x0], $0xffff;
	v51 =	vor.u32 v9, v16;
	[tilespmem:v60+s14+$0x0] =	vst.idx.msk $0xffff, v43  }
0x80: {  	v27 =	vld.idx.msk [tilespmem:v55+s3+$0x0], $0xffff;
	v55 =	vor.u32 $0x1, v30;
	v58 =	vor.u32 v2, v26;
	[tilespmem:v57+s14+$0x0] =	vst.idx.msk $0xffff, v31  }
0x81: {  	v56 =	vor.u32 $0x2, v23;
	v41 =	vld.idx.msk [tilespmem:v41+s3+$0x0], $0xffff;
	[tilespmem:v59+s14+$0x0] =	vst.idx.msk $0xffff, v29;
	v59 =	vor.u32 v2, v19  }
0x82: {  	v29 =	vor.u32 $0x3, v33;
	v42 =	vld.idx.msk [tilespmem:v62+s3+$0x0], $0xffff;
	[tilespmem:v54+s14+$0x0] =	vst.idx.msk $0xffff, v61;
	v61 =	vor.u32 v2, v18  }
0x83: {  	v36 =	vor.u32 $0x3, v36;
	v48 =	vor.u32 v3, v20;
	v24 =	vld.idx.msk [tilespmem:v24+s3+$0x0], $0xffff  }
0x84: {  	v38 =	vor.u32 $0x3, v38;
	[tilespmem:v51+s14+$0x0] =	vst.idx.msk $0xffff, v45;
	v60 =	vor.u32 v63, v22;
	v35 =	vld.idx.msk [tilespmem:v35+s3+$0x0], $0xffff  }
0x85: {  	v46 =	vor.u32 v9, v17;
	v62 =	vld.idx.msk [tilespmem:v55+s3+$0x0], $0xffff;
	[tilespmem:v58+s14+$0x0] =	vst.idx.msk $0xffff, v34  }
0x86: {  	v47 =	vor.u32 $0x2, v30;
	v51 =	vor.u32 v10, v21;
	v31 =	vld.idx.msk [tilespmem:v56+s3+$0x0], $0xffff;
	[tilespmem:v59+s14+$0x0] =	vst.idx.msk $0xffff, v41  }
0x87: {  	v37 =	vor.u32 $0x3, v37;
	v49 =	vor.u32 v3, v26;
	v29 =	vld.idx.msk [tilespmem:v29+s3+$0x0], $0xffff;
	[tilespmem:v61+s14+$0x0] =	vst.idx.msk $0xffff, v42  }
0x88: {  	[tilespmem:v48+s14+$0x0] =	vst.idx.msk $0xffff, v24;
	v24 =	vor.u32 v10, v16;
	v36 =	vld.idx.msk [tilespmem:v36+s3+$0x0], $0xffff  }
0x89: {  	s23 =	sor.u32 $0x70, s23;
	v50 =	vor.u32 v3, v19;
	[tilespmem:v60+s14+$0x0] =	vst.idx.msk $0xffff, v35;
	v38 =	vld.idx.msk [tilespmem:v38+s3+$0x0], $0xffff  }
0x8a: {  	v23 =	vor.u32 $0x3, v23;
	v54 =	vor.u32 v3, v18;
	[tilespmem:v46+s14+$0x0] =	vst.idx.msk $0xffff, v62;
	v53 =	vld [tilespmem:s23+$0x400]  }
0x8b: {  	[tilespmem:v51+s14+$0x0] =	vst.idx.msk $0xffff, v27;
	v27 =	vor.u32 v10, v17;
	s23 =	simm.s32 $0x1C0;
	v39 =	vld.idx.msk [tilespmem:v47+s3+$0x0], $0xffff  }
0x8c: {  	v55 =	vld.idx.msk [tilespmem:v37+s3+$0x0], $0xffff;
	s28 =	sor.u32 $0x50, s23;
	[tilespmem:v49+s14+$0x0] =	vst.idx.msk $0xffff, v29  }
0x8d: {  	v29 =	vld [tilespmem:s28+$0x400];
	[tilespmem:v24+s14+$0x0] =	vst.idx.msk $0xffff, v31  }
0x8e: {  	v33 =	vld [tilespmem:s22+$0xFFFFFFB0];
	[tilespmem:v50+s14+$0x0] =	vst.idx.msk $0xffff, v36  }
0x8f: {  	[tilespmem:v54+s14+$0x0] =	vst.idx.msk $0xffff, v38;
	v23 =	vld.idx.msk [tilespmem:v23+s3+$0x0], $0xffff  }
0x90: {  	v30 =	vor.u32 $0x3, v30;
	v35 =	vld [tilespmem:s22+$0xFFFFFFF0];
	[tilespmem:v27+s14+$0x0] =	vst.idx.msk $0xffff, v39  }
0x91: {  	v56 =	vor.u32 v63, v21;
	v34 =	vshll.u32 v53, $0x2;
	v8 =	vld [tilespmem:$0x1FFB0]  }
0x92: {  	v59 =	vor.u32 v63, v16;
	v32 =	vld [tilespmem:s22+$0x30];
	_ =	sdelay $0x1  }
0x93: {  	v24 =	vshll.u32 v29, $0x2  }
0x94: {  	v30 =	vld.idx.msk [tilespmem:v30+s3+$0x0], $0xffff;
	v29 =	vshll.u32 v33, $0x2  }
0x95: {  	[tilespmem:v56+s14+$0x0] =	vst.idx.msk $0xffff, v55;
	v27 =	vld.idx.msk [tilespmem:v34+s3+$0x0], $0xffff;
	v31 =	vshll.u32 v35, $0x2;
	v57 =	vor.u32 v8, v22  }
0x96: {  	v60 =	vor.u32 v63, v17;
	v37 =	vld [tilespmem:s24+$0xFFFFFFD0];
	[tilespmem:v59+s14+$0x0] =	vst.idx.msk $0xffff, v23;
	v32 =	vshll.u32 v32, $0x2  }
0x97: {  	v58 =	vor.u32 $0x1, v34;
	v38 =	vld [tilespmem:s24+$0x10]  }
0x98: {  	v48 =	vor.u32 v4, v20;
	v61 =	vld.idx.msk [tilespmem:v24+s3+$0x0], $0xffff  }
0x99: {  	v49 =	vor.u32 v4, v26;
	v51 =	vor.u32 $0x1, v24;
	v62 =	vld.idx.msk [tilespmem:v29+s3+$0x0], $0xffff  }
0x9a: {  	v53 =	vor.u32 v4, v19;
	v50 =	vld.idx.msk [tilespmem:v31+s3+$0x0], $0xffff;
	[tilespmem:v57+s14+$0x0] =	vst.idx.msk $0xffff, v27;
	v27 =	vor.u32 $0x1, v29  }
0x9b: {  	v54 =	vor.u32 $0x1, v31;
	[tilespmem:v60+s14+$0x0] =	vst.idx.msk $0xffff, v30;
	v30 =	vor.u32 v4, v18;
	v23 =	vld.idx.msk [tilespmem:v32+s3+$0x0], $0xffff  }
0x9c: {  	v55 =	vor.u32 v15, v22;
	v57 =	vor.u32 $0x1, v32;
	v35 =	vld.idx.msk [tilespmem:v58+s3+$0x0], $0xffff  }
0x9d: {  	v56 =	vor.u32 $0x2, v34;
	v39 =	vld [tilespmem:s24+$0x50];
	[tilespmem:v48+s14+$0x0] =	vst.idx.msk $0xffff, v61  }
0x9e: {  	v37 =	vshll.u32 v37, $0x2;
	v58 =	vor.u32 v5, v20;
	[tilespmem:v49+s14+$0x0] =	vst.idx.msk $0xffff, v62;
	v40 =	vld.idx.msk [tilespmem:v51+s3+$0x0], $0xffff  }
0x9f: {  	v42 =	vor.u32 v5, v26;
	v59 =	vor.u32 $0x2, v24;
	[tilespmem:v53+s14+$0x0] =	vst.idx.msk $0xffff, v50;
	v27 =	vld.idx.msk [tilespmem:v27+s3+$0x0], $0xffff  }
0xa0: {  	v60 =	vor.u32 $0x2, v29;
	v62 =	vor.u32 v5, v19;
	[tilespmem:v30+s14+$0x0] =	vst.idx.msk $0xffff, v23;
	v61 =	vld.idx.msk [tilespmem:v54+s3+$0x0], $0xffff  }
0xa1: {  	v53 =	vor.u32 $0x2, v31;
	v54 =	vor.u32 v5, v18;
	[tilespmem:v55+s14+$0x0] =	vst.idx.msk $0xffff, v35;
	v55 =	vld.idx.msk [tilespmem:v57+s3+$0x0], $0xffff  }
0xa2: {  	v38 =	vshll.u32 v38, $0x2;
	v30 =	vor.u32 v14, v22;
	v23 =	vld.idx.msk [tilespmem:v56+s3+$0x0], $0xffff  }
0xa3: {  	v57 =	vld.idx.msk [tilespmem:v37+s3+$0x0], $0xffff;
	v56 =	vor.u32 $0x2, v32;
	[tilespmem:v58+s14+$0x0] =	vst.idx.msk $0xffff, v40  }
0xa4: {  	v33 =	vshll.u32 v39, $0x2;
	v58 =	vor.u32 v8, v21;
	[tilespmem:v42+s14+$0x0] =	vst.idx.msk $0xffff, v27;
	v27 =	vld.idx.msk [tilespmem:v59+s3+$0x0], $0xffff  }
0xa5: {  	v34 =	vor.u32 $0x3, v34;
	[tilespmem:v62+s14+$0x0] =	vst.idx.msk $0xffff, v61;
	v59 =	vld.idx.msk [tilespmem:v60+s3+$0x0], $0xffff;
	v60 =	vor.u32 v6, v20  }
0xa6: {  	v61 =	vor.u32 v6, v26;
	v35 =	vld.idx.msk [tilespmem:v53+s3+$0x0], $0xffff;
	[tilespmem:v54+s14+$0x0] =	vst.idx.msk $0xffff, v55;
	v53 =	vor.u32 $0x1, v37  }
0xa7: {  	v24 =	vor.u32 $0x3, v24;
	v43 =	vld.idx.msk [tilespmem:v38+s3+$0x0], $0xffff;
	[tilespmem:v30+s14+$0x0] =	vst.idx.msk $0xffff, v23;
	v23 =	vor.u32 $0x3, v29;
	v29 =	vor.u32 v6, v19  }
0xa8: {  	v25 =	vor.u32 v52, v25;
	v54 =	vor.u32 v6, v18;
	v62 =	vld.idx.msk [tilespmem:v56+s3+$0x0], $0xffff  }
0xa9: {  	v31 =	vor.u32 $0x3, v31;
	v45 =	vld.idx.msk [tilespmem:v33+s3+$0x0], $0xffff;
	v56 =	vor.u32 v8, v16;
	[tilespmem:v58+s14+$0x0] =	vst.idx.msk $0xffff, v57  }
0xaa: {  	v55 =	vor.u32 $0x3, v32;
	v30 =	vld.idx.msk [tilespmem:v34+s3+$0x0], $0xffff;
	v58 =	vor.u32 v8, v17;
	[tilespmem:v60+s14+$0x0] =	vst.idx.msk $0xffff, v27  }
0xab: {  	v22 =	vor.u32 v12, v22;
	v57 =	vor.u32 $0x1, v38;
	[tilespmem:v61+s14+$0x0] =	vst.idx.msk $0xffff, v59;
	v53 =	vld.idx.msk [tilespmem:v53+s3+$0x0], $0xffff  }
0xac: {  	v46 =	vor.u32 $0x2, v37;
	v13 =	vor.u32 $0x3, v38;
	v59 =	vor.u32 v7, v20;
	v39 =	vld.idx.msk [tilespmem:v24+s3+$0x0], $0xffff;
	[tilespmem:v29+s14+$0x0] =	vst.idx.msk $0xffff, v35  }
0xad: {  	v26 =	vor.u32 v7, v26;
	v24 =	vor.u32 $0x3, v37;
	v37 =	vor.u32 $0x1, v33;
	v48 =	vld.idx.msk [tilespmem:v23+s3+$0x0], $0xffff;
	[tilespmem:v54+s14+$0x0] =	vst.idx.msk $0xffff, v62  }
0xae: {  	s30 =	simm.s32 $0xA;
	v27 =	vor.u32 $0x2, v33;
	v29 =	vor.u32 $0x2, v38;
	v54 =	vor.u32 v15, v21;
	[tilespmem:v56+s14+$0x0] =	vst.idx.msk $0xffff, v43;
	v31 =	vld.idx.msk [tilespmem:v31+s3+$0x0], $0xffff  }
0xaf: {  	v38 =	vor.u32 v7, v19;
	v56 =	vor.u32 v7, v18;
	v40 =	vld.idx.msk [tilespmem:v55+s3+$0x0], $0xffff;
	[tilespmem:v58+s14+$0x0] =	vst.idx.msk $0xffff, v45;
	v58 =	vmov s30  }
0xb0: {  	s25 =	simm.s32 $0x8;
	s24 =	simm.s32 $0x660;
	v61 =	vor.u32 $0x3, v33;
	v35 =	vor.u32 v14, v21;
	[tilespmem:v22+s14+$0x0] =	vst.idx.msk $0xffff, v30;
	v47 =	vld.idx.msk [tilespmem:v57+s3+$0x0], $0xffff;
	v45 =	vshll.u32 v58, $0x7  }
0xb1: {  	s29 =	simm.s32 $0x9;
	v30 =	vmov s25;
	v44 =	vand.u32 $0x300, v45;
	v45 =	vld [tilespmem:s24+$0x60];
	[tilespmem:v59+s14+$0x0] =	vst.idx.msk $0xffff, v39;
	v59 =	vor.u32 v15, v16  }
0xb2: {  	v55 =	vmov s29;
	v32 =	vshll.u32 v30, $0x8;
	v36 =	vld.idx.msk [tilespmem:v37+s3+$0x0], $0xffff;
	[tilespmem:v26+s14+$0x0] =	vst.idx.msk $0xffff, v48;
	v37 =	vor.u32 v15, v17  }
0xb3: {  	s31 =	sor.u32 $0x60, s23;
	v30 =	vshll.u32 v30, $0x7;
	v60 =	vshll.u32 v55, $0x7;
	v62 =	vshll.u32 v58, $0x8;
	[tilespmem:v54+s14+$0x0] =	vst.idx.msk $0xffff, v53;
	v41 =	vld [tilespmem:s22+$0xFFFFFFC0]  }
0xb4: {  	v57 =	vand.u32 $0x1800, v32;
	v33 =	vand.u32 $0x200, v30;
	v30 =	vshll.u32 v55, $0x8;
	v43 =	vld [tilespmem:s31+$0x400];
	[tilespmem:v38+s14+$0x0] =	vst.idx.msk $0xffff, v31  }
0xb5: {  	v26 =	vor.u32 v33, v57;
	v39 =	vor.u32 v11, v25;
	v31 =	vand.u32 $0x1800, v30;
	[tilespmem:v56+s14+$0x0] =	vst.idx.msk $0xffff, v40;
	v42 =	vld [tilespmem:s22+$0x0]  }
0xb6: {  	s26 =	simm.s32 $0xC;
	v38 =	vand.u32 $0x280, v60;
	v30 =	vand.u32 $0x1800, v62;
	v34 =	vld.idx.msk [tilespmem:v46+s3+$0x0], $0xffff;
	v40 =	vor.u32 v0, v26;
	[tilespmem:v59+s14+$0x0] =	vst.idx.msk $0xffff, v47  }
.LBB2_3:
0xb7: {  	v46 =	vld [tilespmem:s24+$0xFFFFFFA0];
	[tilespmem:v37+s14+$0x0] =	vst.idx.msk $0xffff, v36  }
0xb8: {  	v41 =	vshll.u32 v41, $0x2;
	v62 =	vld [tilespmem:s24+$0x20]  }
0xb9: {  	v60 =	vld [tilespmem:s24+$0xFFFFFFE0];
	v43 =	vshll.u32 v43, $0x2  }
0xba: {  	v29 =	vld.idx.msk [tilespmem:v29+s3+$0x0], $0xffff;
	v42 =	vshll.u32 v42, $0x2  }
0xbb: {  	v38 =	vor.u32 v38, v31;
	v31 =	vor.u32 v44, v30;
	s28 =	sadd.s32 $0x3, s25;
	v45 =	vshll.u32 v45, $0x2;
	v52 =	vld [tilespmem:s22+$0x40]  }
0xbc: {  	v55 =	vmov s28;
	v48 =	vor.u32 $0x1, v41;
	[tilespmem:v35+s14+$0x0] =	vst.idx.msk $0xffff, v34;
	v34 =	vshll.u32 v46, $0x2;
	v27 =	vld.idx.msk [tilespmem:v27+s3+$0x0], $0xffff  }
0xbd: {  	v49 =	vor.u32 $0x2, v41;
	v36 =	vor.u32 $0x3, v41;
	v41 =	vld.idx.msk [tilespmem:v41+s3+$0x0], $0xffff;
	v59 =	vshll.u32 v62, $0x2  }
0xbe: {  	v56 =	vor.u32 v11, v20;
	v57 =	vshll.u32 v55, $0x8;
	v55 =	vshll.u32 v55, $0x7;
	v54 =	vld.idx.msk [tilespmem:v43+s3+$0x0], $0xffff  }
0xbf: {  	v30 =	vmovc v33;
	v50 =	vor.u32 $0x1, v42;
	v51 =	vor.u32 $0x2, v42;
	v33 =	vor.u32 $0x3, v42;
	v42 =	vld.idx.msk [tilespmem:v42+s3+$0x0], $0xffff  }
0xc0: {  	v44 =	vor.u32 v14, v16;
	v8 =	vmovc v32;
	v9 =	vmovc v61;
	v32 =	vand.u32 $0x1800, v57;
	v55 =	vand.u32 $0x380, v55;
	v61 =	vld.idx.msk [tilespmem:v45+s3+$0x0], $0xffff  }
0xc1: {  	v47 =	vor.u32 v14, v17;
	[tilespmem:$0x1FF90] =	vst v8;
	v32 =	vor.u32 v55, v32;
	v37 =	vshll.u32 v60, $0x2;
	v55 =	vld.idx.msk [tilespmem:v34+s3+$0x0], $0xffff  }
0xc2: {  	v53 =	vor.u32 v11, v19;
	v58 =	vor.u32 $0x1, v43;
	[tilespmem:v39+s14+$0x0] =	vst.idx.msk $0xffff, v41;
	v41 =	vld.idx.msk [tilespmem:v59+s3+$0x0], $0xffff  }
0xc3: {  	v8 =	vmovc v10;
	v10 =	vmovc v63;
	v63 =	vor.u32 $0x1, v59;
	v23 =	vor.u32 $0x2, v59;
	[tilespmem:v56+s14+$0x0] =	vst.idx.msk $0xffff, v54;
	v54 =	vor.u32 $0x3, v59;
	v59 =	vld [tilespmem:$0x1FFA0]  }
0xc4: {  	v22 =	vor.u32 v0, v32  }
0xc5: {  	[tilespmem:v44+s14+$0x0] =	vst.idx.msk $0xffff, v29  }
0xc6: {  	v35 =	vor.u32 v0, v38;
	v28 =	vor.u32 $0x1, v45;
	v29 =	vld.idx.msk [tilespmem:v37+s3+$0x0], $0xffff  }
0xc7: {  	v46 =	vor.u32 v0, v31;
	v57 =	vor.u32 $0x1, v34;
	[tilespmem:v53+s14+$0x0] =	vst.idx.msk $0xffff, v42  }
0xc8: {  	v60 =	vor.u32 $0x1, v37;
	v42 =	vshll.u32 v52, $0x2;
	v39 =	vld.idx.msk [tilespmem:v58+s3+$0x0], $0xffff;
	[tilespmem:v47+s14+$0x0] =	vst.idx.msk $0xffff, v27;
	v52 =	vor.u32 v59, v20  }
0xc9: {  	v48 =	vld.idx.msk [tilespmem:v48+s3+$0x0], $0xffff;
	[tilespmem:v22+s14+$0x0] =	vst.idx.msk $0xffff, v61;
	v22 =	vor.u32 v59, v25  }
0xca: {  	v27 =	vld.idx.msk [tilespmem:v50+s3+$0x0], $0xffff;
	[tilespmem:v40+s14+$0x0] =	vst.idx.msk $0xffff, v55;
	v40 =	vor.u32 v59, v19  }
0xcb: {  	v58 =	vor.u32 $0x2, v43;
	[tilespmem:v35+s14+$0x0] =	vst.idx.msk $0xffff, v29;
	v28 =	vld.idx.msk [tilespmem:v28+s3+$0x0], $0xffff  }
0xcc: {  	v29 =	vor.u32 v1, v32;
	v50 =	vld.idx.msk [tilespmem:v57+s3+$0x0], $0xffff;
	[tilespmem:v46+s14+$0x0] =	vst.idx.msk $0xffff, v41  }
0xcd: {  	v35 =	vor.u32 v1, v26;
	v55 =	vld.idx.msk [tilespmem:v60+s3+$0x0], $0xffff;
	v57 =	vor.u32 $0x2, v45;
	[tilespmem:v52+s14+$0x0] =	vst.idx.msk $0xffff, v39  }
0xce: {  	v62 =	vor.u32 $0x2, v34;
	v46 =	vld.idx.msk [tilespmem:v63+s3+$0x0], $0xffff;
	v39 =	vor.u32 v1, v38;
	[tilespmem:v22+s14+$0x0] =	vst.idx.msk $0xffff, v48  }
0xcf: {  	v44 =	vor.u32 $0x2, v37;
	v48 =	vor.u32 v1, v31;
	[tilespmem:v40+s14+$0x0] =	vst.idx.msk $0xffff, v27;
	v27 =	vld.idx.msk [tilespmem:v42+s3+$0x0], $0xffff  }
0xd0: {  	v41 =	vld.idx.msk [tilespmem:v58+s3+$0x0], $0xffff  }
0xd1: {  	v22 =	vor.u32 v8, v20;
	[tilespmem:v29+s14+$0x0] =	vst.idx.msk $0xffff, v28;
	v28 =	vld.idx.msk [tilespmem:v49+s3+$0x0], $0xffff  }
0xd2: {  	v52 =	vor.u32 $0x3, v43;
	v29 =	vor.u32 v11, v18;
	[tilespmem:v35+s14+$0x0] =	vst.idx.msk $0xffff, v50;
	v57 =	vld.idx.msk [tilespmem:v57+s3+$0x0], $0xffff  }
0xd3: {  	v53 =	vor.u32 $0x1, v42;
	v58 =	vor.u32 v8, v25;
	v60 =	vld.idx.msk [tilespmem:v62+s3+$0x0], $0xffff;
	[tilespmem:v39+s14+$0x0] =	vst.idx.msk $0xffff, v55  }
0xd4: {  	v61 =	vor.u32 v2, v32;
	[tilespmem:v48+s14+$0x0] =	vst.idx.msk $0xffff, v46;
	v44 =	vld.idx.msk [tilespmem:v44+s3+$0x0], $0xffff  }
0xd5: {  	v45 =	vor.u32 $0x3, v45;
	v62 =	vor.u32 v2, v26;
	v23 =	vld.idx.msk [tilespmem:v23+s3+$0x0], $0xffff  }
0xd6: {  	v34 =	vor.u32 $0x3, v34;
	[tilespmem:v22+s14+$0x0] =	vst.idx.msk $0xffff, v41;
	v22 =	vor.u32 v2, v38;
	v46 =	vld.idx.msk [tilespmem:v51+s3+$0x0], $0xffff  }
0xd7: {  	v37 =	vor.u32 $0x3, v37;
	v63 =	vmov v10;
	[tilespmem:v29+s14+$0x0] =	vst.idx.msk $0xffff, v27;
	v29 =	vor.u32 v2, v31;
	v40 =	vld.idx.msk [tilespmem:v52+s3+$0x0], $0xffff  }
0xd8: {  	v49 =	vor.u32 v8, v19;
	v27 =	vor.u32 v63, v20;
	[tilespmem:v58+s14+$0x0] =	vst.idx.msk $0xffff, v28;
	v28 =	vld.idx.msk [tilespmem:v53+s3+$0x0], $0xffff  }
0xd9: {  	v10 =	vmov v8;
	v48 =	vor.u32 v59, v18;
	[tilespmem:v61+s14+$0x0] =	vst.idx.msk $0xffff, v57;
	v52 =	vor.u32 v8, v18;
	v8 =	vld [tilespmem:$0x1FFB0]  }
0xda: {  	v56 =	vor.u32 $0x2, v42;
	[tilespmem:v62+s14+$0x0] =	vst.idx.msk $0xffff, v60;
	v41 =	vld.idx.msk [tilespmem:v45+s3+$0x0], $0xffff  }
0xdb: {  	v34 =	vld.idx.msk [tilespmem:v34+s3+$0x0], $0xffff;
	[tilespmem:v22+s14+$0x0] =	vst.idx.msk $0xffff, v44;
	v22 =	vor.u32 v3, v32  }
0xdc: {  	v50 =	vor.u32 v3, v26;
	[tilespmem:v29+s14+$0x0] =	vst.idx.msk $0xffff, v23;
	v37 =	vld.idx.msk [tilespmem:v37+s3+$0x0], $0xffff  }
0xdd: {  	s30 =	sor.u32 $0x70, s23;
	[tilespmem:v27+s14+$0x0] =	vst.idx.msk $0xffff, v40;
	v27 =	vor.u32 v3, v38;
	v29 =	vld.idx.msk [tilespmem:v54+s3+$0x0], $0xffff  }
0xde: {  	[tilespmem:v48+s14+$0x0] =	vst.idx.msk $0xffff, v28;
	v23 =	vld [tilespmem:s30+$0x400]  }
0xdf: {  	s23 =	sadd.s32 $0x100, s23;
	v28 =	vor.u32 v3, v31;
	[tilespmem:v49+s14+$0x0] =	vst.idx.msk $0xffff, v46;
	v51 =	vld.idx.msk [tilespmem:v56+s3+$0x0], $0xffff  }
0xe0: {  	s31 =	sor.u32 $0x50, s23;
	[tilespmem:v22+s14+$0x0] =	vst.idx.msk $0xffff, v41;
	v22 =	vld.idx.msk [tilespmem:v36+s3+$0x0], $0xffff  }
0xe1: {  	[tilespmem:v50+s14+$0x0] =	vst.idx.msk $0xffff, v34;
	v53 =	vld [tilespmem:s31+$0x400]  }
0xe2: {  	v47 =	vor.u32 $0x3, v42;
	v54 =	vor.u32 v63, v25;
	v55 =	vld [tilespmem:s24+$0xFFFFFFB0];
	[tilespmem:v27+s14+$0x0] =	vst.idx.msk $0xffff, v37  }
0xe3: {  	v27 =	vld [tilespmem:s24+$0xFFFFFFF0]  }
0xe4: {  	[tilespmem:v28+s14+$0x0] =	vst.idx.msk $0xffff, v29;
	v28 =	vld.idx.msk [tilespmem:v33+s3+$0x0], $0xffff  }
0xe5: {  	v56 =	vor.u32 v63, v19;
	v23 =	vshll.u32 v23, $0x2;
	v29 =	vld [tilespmem:s24+$0x30]  }
0xe6: {  	[tilespmem:v52+s14+$0x0] =	vst.idx.msk $0xffff, v51  }
0xe7: {  	[tilespmem:v54+s14+$0x0] =	vst.idx.msk $0xffff, v22;
	v22 =	vld.idx.msk [tilespmem:v47+s3+$0x0], $0xffff;
	v36 =	vshll.u32 v53, $0x2  }
0xe8: {  	v57 =	vshll.u32 v55, $0x2;
	v59 =	vld [tilespmem:s22+$0xFFFFFFD0]  }
0xe9: {  	v35 =	vor.u32 v12, v21;
	v58 =	vor.u32 v63, v18;
	v62 =	vld.idx.msk [tilespmem:v24+s3+$0x0], $0xffff;
	v27 =	vshll.u32 v27, $0x2  }
0xea: {  	v60 =	vor.u32 v8, v20;
	v39 =	vld.idx.msk [tilespmem:v23+s3+$0x0], $0xffff;
	v29 =	vshll.u32 v29, $0x2;
	[tilespmem:v56+s14+$0x0] =	vst.idx.msk $0xffff, v28  }
0xeb: {  	v21 =	vmovc v25;
	v25 =	vor.u32 v4, v26;
	v40 =	vor.u32 v12, v16;
	v61 =	vor.u32 $0x1, v23;
	v28 =	vld.idx.msk [tilespmem:v13+s3+$0x0], $0xffff  }
0xec: {  	v16 =	vmovc v19;
	v19 =	vmovc v38;
	v41 =	vor.u32 $0x1, v57;
	v38 =	vor.u32 $0x2, v57;
	v47 =	vor.u32 $0x3, v57;
	v51 =	vld.idx.msk [tilespmem:v36+s3+$0x0], $0xffff  }
0xed: {  	v44 =	vor.u32 $0x1, v27;
	v48 =	vor.u32 $0x2, v27;
	v52 =	vld.idx.msk [tilespmem:v57+s3+$0x0], $0xffff;
	v57 =	vor.u32 v4, v32  }
0xee: {  	v33 =	vor.u32 $0x3, v27;
	v49 =	vor.u32 $0x1, v29;
	[tilespmem:v58+s14+$0x0] =	vst.idx.msk $0xffff, v22;
	v58 =	vor.u32 $0x1, v36;
	v22 =	vld.idx.msk [tilespmem:v27+s3+$0x0], $0xffff  }
0xef: {  	v50 =	vor.u32 $0x2, v29;
	v53 =	vor.u32 $0x3, v29;
	v27 =	vor.u32 v4, v19;
	[tilespmem:v60+s14+$0x0] =	vst.idx.msk $0xffff, v39;
	v29 =	vld.idx.msk [tilespmem:v29+s3+$0x0], $0xffff  }
0xf0: {  	v42 =	vshll.u32 v59, $0x2;
	[tilespmem:v35+s14+$0x0] =	vst.idx.msk $0xffff, v62;
	v43 =	vld.idx.msk [tilespmem:v61+s3+$0x0], $0xffff  }
0xf1: {  	v60 =	vor.u32 v4, v31;
	v61 =	vld [tilespmem:s22+$0x10];
	[tilespmem:v40+s14+$0x0] =	vst.idx.msk $0xffff, v28  }
0xf2: {  	v59 =	vor.u32 v15, v20;
	v28 =	vld [tilespmem:s22+$0x50];
	[tilespmem:v57+s14+$0x0] =	vst.idx.msk $0xffff, v51  }
0xf3: {  	v62 =	vor.u32 $0x2, v23;
	[tilespmem:v25+s14+$0x0] =	vst.idx.msk $0xffff, v52;
	v25 =	vld.idx.msk [tilespmem:v58+s3+$0x0], $0xffff  }
0xf4: {  	v39 =	vor.u32 $0x1, v42;
	v34 =	vor.u32 $0x2, v42;
	v40 =	vld.idx.msk [tilespmem:v41+s3+$0x0], $0xffff;
	[tilespmem:v27+s14+$0x0] =	vst.idx.msk $0xffff, v22;
	v22 =	vor.u32 v5, v32  }
0xf5: {  	v24 =	vor.u32 $0x3, v42;
	v41 =	vor.u32 v5, v26;
	v58 =	vor.u32 $0x2, v36;
	v42 =	vld.idx.msk [tilespmem:v42+s3+$0x0], $0xffff  }
0xf6: {  	v57 =	vor.u32 v5, v19;
	[tilespmem:v60+s14+$0x0] =	vst.idx.msk $0xffff, v29;
	v44 =	vld.idx.msk [tilespmem:v44+s3+$0x0], $0xffff  }
0xf7: {  	v35 =	vor.u32 v5, v31;
	[tilespmem:v59+s14+$0x0] =	vst.idx.msk $0xffff, v43;
	v46 =	vld.idx.msk [tilespmem:v49+s3+$0x0], $0xffff  }
0xf8: {  	v37 =	vor.u32 v8, v21;
	v45 =	vld.idx.msk [tilespmem:v62+s3+$0x0], $0xffff  }
0xf9: {  	v43 =	vshll.u32 v61, $0x2;
	v59 =	vor.u32 v14, v20;
	[tilespmem:v22+s14+$0x0] =	vst.idx.msk $0xffff, v25;
	v22 =	vld.idx.msk [tilespmem:v9+s3+$0x0], $0xffff  }
0xfa: {  	v56 =	vor.u32 v12, v17;
	v17 =	vmov v18;
	v23 =	vor.u32 $0x3, v23;
	[tilespmem:v41+s14+$0x0] =	vst.idx.msk $0xffff, v40;
	v25 =	vld.idx.msk [tilespmem:v58+s3+$0x0], $0xffff  }
0xfb: {  	v18 =	vmov v31;
	v28 =	vshll.u32 v28, $0x2;
	v31 =	vld.idx.msk [tilespmem:v38+s3+$0x0], $0xffff;
	[tilespmem:v57+s14+$0x0] =	vst.idx.msk $0xffff, v44;
	v57 =	vor.u32 v6, v32  }
0xfc: {  	v58 =	vor.u32 v6, v26;
	[tilespmem:v35+s14+$0x0] =	vst.idx.msk $0xffff, v46;
	v44 =	vld.idx.msk [tilespmem:v48+s3+$0x0], $0xffff  }
0xfd: {  	v36 =	vor.u32 $0x3, v36;
	[tilespmem:v37+s14+$0x0] =	vst.idx.msk $0xffff, v42;
	v35 =	vld.idx.msk [tilespmem:v50+s3+$0x0], $0xffff  }
0xfe: {  	[tilespmem:v59+s14+$0x0] =	vst.idx.msk $0xffff, v45;
	v59 =	vor.u32 v6, v19;
	v48 =	vld.idx.msk [tilespmem:v43+s3+$0x0], $0xffff  }
0xff: {  	v62 =	vor.u32 v6, v18;
	v23 =	vld.idx.msk [tilespmem:v23+s3+$0x0], $0xffff;
	[tilespmem:v56+s14+$0x0] =	vst.idx.msk $0xffff, v22  }
0x100: {  	v60 =	vor.u32 v12, v20;
	[tilespmem:v57+s14+$0x0] =	vst.idx.msk $0xffff, v25;
	v25 =	vld.idx.msk [tilespmem:v28+s3+$0x0], $0xffff  }
0x101: {  	v49 =	vor.u32 $0x1, v43;
	v22 =	vor.u32 v8, v16;
	[tilespmem:v58+s14+$0x0] =	vst.idx.msk $0xffff, v31;
	v31 =	vor.u32 v8, v17;
	v8 =	vld [tilespmem:$0x1FF90]  }
0x102: {  	v20 =	vmovc v32;
	v55 =	vor.u32 $0x1, v28;
	v27 =	vor.u32 $0x2, v28;
	v61 =	vor.u32 $0x3, v28;
	v28 =	vld.idx.msk [tilespmem:v36+s3+$0x0], $0xffff  }
0x103: {  	v51 =	vor.u32 v7, v20;
	v50 =	vld.idx.msk [tilespmem:v47+s3+$0x0], $0xffff;
	[tilespmem:v59+s14+$0x0] =	vst.idx.msk $0xffff, v44  }
0x104: {  	v52 =	vor.u32 v7, v19;
	v26 =	vor.u32 v7, v26;
	[tilespmem:v62+s14+$0x0] =	vst.idx.msk $0xffff, v35;
	v54 =	vld.idx.msk [tilespmem:v39+s3+$0x0], $0xffff  }
0x105: {  	v29 =	vor.u32 $0x2, v43;
	v37 =	vor.u32 v15, v17;
	v40 =	vld.idx.msk [tilespmem:v33+s3+$0x0], $0xffff;
	[tilespmem:v60+s14+$0x0] =	vst.idx.msk $0xffff, v23  }
0x106: {  	v57 =	vor.u32 v15, v21;
	v58 =	vor.u32 v7, v18;
	v23 =	vmov s26;
	v56 =	vld.idx.msk [tilespmem:v53+s3+$0x0], $0xffff;
	[tilespmem:v22+s14+$0x0] =	vst.idx.msk $0xffff, v48  }
0x107: {  	s29 =	sadd.s32 $0x1, s26;
	v13 =	vor.u32 $0x3, v43;
	v35 =	vor.u32 v14, v21;
	v32 =	vshll.u32 v23, $0x8;
	v59 =	vld.idx.msk [tilespmem:v49+s3+$0x0], $0xffff;
	[tilespmem:v31+s14+$0x0] =	vst.idx.msk $0xffff, v25  }
0x108: {  	p1 =	slt.u32 s26, $0x1C;
	s30 =	sadd.s32 $0x2, s26;
	s31 =	sor.u32 $0x60, s23;
	v22 =	vshll.u32 v23, $0x7;
	v23 =	vmov s29;
	[tilespmem:v51+s14+$0x0] =	vst.idx.msk $0xffff, v28;
	v28 =	vor.u32 v15, v16;
	v36 =	vld.idx.msk [tilespmem:v55+s3+$0x0], $0xffff  }
.Ltmp3:
0x109: {  	v25 =	vand.u32 $0x1800, v32;
	v31 =	vmov s30;
	v33 =	vand.u32 $0x200, v22;
	[tilespmem:v26+s14+$0x0] =	vst.idx.msk $0xffff, v50;
	v43 =	vld [tilespmem:s31+$0x400];
	(pc) =	sbr.rel @p1 .LBB2_3-.Ltmp3, $4  }
0x10a: {  	v22 =	vshll.u32 v23, $0x8;
	v23 =	vshll.u32 v23, $0x7;
	v60 =	vshll.u32 v31, $0x8;
	v41 =	vld [tilespmem:s24+$0xFFFFFFC0];
	[tilespmem:v52+s14+$0x0] =	vst.idx.msk $0xffff, v40  }
0x10b: {  	v62 =	vshll.u32 v31, $0x7;
	v26 =	vor.u32 v33, v25;
	v31 =	vand.u32 $0x1800, v22;
	[tilespmem:v57+s14+$0x0] =	vst.idx.msk $0xffff, v54;
	v42 =	vld [tilespmem:s24+$0x0]  }
0x10c: {  	s22 =	smov.u32 s24;
	v25 =	vor.u32 v30, v8;
	v38 =	vand.u32 $0x280, v23;
	v30 =	vand.u32 $0x1800, v60;
	[tilespmem:v58+s14+$0x0] =	vst.idx.msk $0xffff, v56;
	s24 =	sadd.s32 $0x100, s24;
	v34 =	vld.idx.msk [tilespmem:v34+s3+$0x0], $0xffff  }
0x10d: {  	s25 =	smov.u32 s26;
	s26 =	sadd.s32 $0x4, s26;
	v40 =	vor.u32 v0, v26;
	v44 =	vand.u32 $0x300, v62;
	v39 =	vor.u32 v11, v25;
	v45 =	vld [tilespmem:s24+$0x60];
	[tilespmem:v28+s14+$0x0] =	vst.idx.msk $0xffff, v59  }
0x10e: {  	_ =	sdelay $0x1  }
0x10f: {  	v28 =	vld [tilespmem:s24+$0xFFFFFFA0]  }
0x110: {  	v47 =	vld [tilespmem:s24+$0x20]  }
0x111: {  	s25 =	sadd.s32 $0x3, s25;
	v46 =	vld [tilespmem:s24+$0xFFFFFFE0];
	v23 =	vshll.u32 v45, $0x2  }
0x112: {  	v22 =	vmov s25  }
0x113: {  	v56 =	vshll.u32 v22, $0x8;
	v22 =	vshll.u32 v22, $0x7  }
0x114: {  	v22 =	vand.u32 $0x380, v22;
	v45 =	vand.u32 $0x1800, v56;
	v28 =	vshll.u32 v28, $0x2  }
0x115: {  	v22 =	vor.u32 v22, v45;
	v47 =	vshll.u32 v47, $0x2  }
0x116: {  	v46 =	vshll.u32 v46, $0x2;
	v48 =	vor.u32 v0, v22;
	v57 =	vld.idx.msk [tilespmem:v23+s3+$0x0], $0xffff  }
0x117: {  	v49 =	vor.u32 $0x1, v23;
	_ =	sdelay $0x1  }
0x118: {  	v30 =	vor.u32 v44, v30;
	v60 =	vld.idx.msk [tilespmem:v28+s3+$0x0], $0xffff  }
0x119: {  	v31 =	vor.u32 v38, v31;
	v52 =	vor.u32 v0, v30;
	v50 =	vor.u32 $0x1, v28;
	v54 =	vld.idx.msk [tilespmem:v47+s3+$0x0], $0xffff  }
0x11a: {  	v62 =	vor.u32 v0, v31;
	v55 =	vor.u32 $0x1, v47;
	v51 =	vld.idx.msk [tilespmem:v46+s3+$0x0], $0xffff;
	[tilespmem:v48+s14+$0x0] =	vst.idx.msk $0xffff, v57  }
0x11b: {  	v58 =	vor.u32 v1, v22;
	v53 =	vor.u32 $0x1, v46;
	v45 =	vld.idx.msk [tilespmem:v49+s3+$0x0], $0xffff;
	_ =	sdelay $0x1  }
0x11c: {  	v59 =	vor.u32 $0x2, v23;
	[tilespmem:v40+s14+$0x0] =	vst.idx.msk $0xffff, v60  }
0x11d: {  	v40 =	vor.u32 v1, v26;
	[tilespmem:v52+s14+$0x0] =	vst.idx.msk $0xffff, v54;
	v38 =	vld.idx.msk [tilespmem:v50+s3+$0x0], $0xffff  }
0x11e: {  	[tilespmem:v62+s14+$0x0] =	vst.idx.msk $0xffff, v51;
	v60 =	vor.u32 v1, v30;
	v52 =	vld.idx.msk [tilespmem:v55+s3+$0x0], $0xffff  }
0x11f: {  	v44 =	vor.u32 $0x2, v28;
	v57 =	vld.idx.msk [tilespmem:v53+s3+$0x0], $0xffff;
	[tilespmem:v58+s14+$0x0] =	vst.idx.msk $0xffff, v45;
	v58 =	vor.u32 v1, v31  }
0x120: {  	v62 =	vor.u32 $0x2, v47  }
0x121: {  	v48 =	vor.u32 v2, v22;
	v45 =	vld.idx.msk [tilespmem:v59+s3+$0x0], $0xffff;
	v59 =	vor.u32 $0x2, v46  }
0x122: {  	v23 =	vor.u32 $0x3, v23;
	[tilespmem:v40+s14+$0x0] =	vst.idx.msk $0xffff, v38  }
0x123: {  	[tilespmem:v60+s14+$0x0] =	vst.idx.msk $0xffff, v52  }
0x124: {  	v56 =	vld.idx.msk [tilespmem:v44+s3+$0x0], $0xffff;
	[tilespmem:v58+s14+$0x0] =	vst.idx.msk $0xffff, v57;
	v57 =	vor.u32 v2, v26  }
0x125: {  	v28 =	vor.u32 $0x3, v28;
	v60 =	vld.idx.msk [tilespmem:v62+s3+$0x0], $0xffff;
	v62 =	vor.u32 v2, v30  }
0x126: {  	v47 =	vor.u32 $0x3, v47;
	[tilespmem:v48+s14+$0x0] =	vst.idx.msk $0xffff, v45;
	v58 =	vld.idx.msk [tilespmem:v59+s3+$0x0], $0xffff;
	v59 =	vor.u32 v2, v31  }
0x127: {  	v55 =	vor.u32 v3, v22;
	v40 =	vshll.u32 v43, $0x2;
	v23 =	vld.idx.msk [tilespmem:v23+s3+$0x0], $0xffff  }
0x128: {  	v46 =	vor.u32 $0x3, v46  }
0x129: {  	[tilespmem:v57+s14+$0x0] =	vst.idx.msk $0xffff, v56  }
0x12a: {  	[tilespmem:v62+s14+$0x0] =	vst.idx.msk $0xffff, v60;
	v57 =	vor.u32 v3, v26;
	v28 =	vld.idx.msk [tilespmem:v28+s3+$0x0], $0xffff  }
0x12b: {  	v47 =	vld.idx.msk [tilespmem:v47+s3+$0x0], $0xffff;
	[tilespmem:v59+s14+$0x0] =	vst.idx.msk $0xffff, v58;
	v59 =	vor.u32 v3, v30  }
0x12c: {  	v41 =	vshll.u32 v41, $0x2;
	v54 =	vld.idx.msk [tilespmem:v40+s3+$0x0], $0xffff;
	[tilespmem:v55+s14+$0x0] =	vst.idx.msk $0xffff, v23;
	v55 =	vor.u32 v11, v20  }
0x12d: {  	v58 =	vor.u32 v3, v31;
	v46 =	vld.idx.msk [tilespmem:v46+s3+$0x0], $0xffff  }
0x12e: {  	s28 =	sadd.s32 $0x100, s23  }
0x12f: {  	s26 =	sor.u32 $0x50, s28;
	[tilespmem:v57+s14+$0x0] =	vst.idx.msk $0xffff, v28  }
0x130: {  	v23 =	vld [tilespmem:s26+$0x400];
	[tilespmem:v59+s14+$0x0] =	vst.idx.msk $0xffff, v47  }
0x131: {  	v50 =	vld.idx.msk [tilespmem:v41+s3+$0x0], $0xffff;
	v38 =	vshll.u32 v42, $0x2;
	[tilespmem:v55+s14+$0x0] =	vst.idx.msk $0xffff, v54  }
0x132: {  	v28 =	vld [tilespmem:s24+$0xFFFFFFB0];
	[tilespmem:v58+s14+$0x0] =	vst.idx.msk $0xffff, v46  }
0x133: {  	v56 =	vor.u32 $0x1, v40;
	v9 =	vld [tilespmem:$0x1FFA0]  }
0x134: {  	v43 =	vor.u32 $0x1, v41;
	v60 =	vld [tilespmem:s24+$0xFFFFFFF0]  }
0x135: {  	v58 =	vld [tilespmem:s22+$0x40];
	v23 =	vshll.u32 v23, $0x2  }
0x136: {  	v51 =	vld.idx.msk [tilespmem:v38+s3+$0x0], $0xffff  }
0x137: {  	v44 =	vor.u32 v11, v19;
	v57 =	vld [tilespmem:s24+$0x30];
	v28 =	vshll.u32 v28, $0x2  }
0x138: {  	v62 =	vor.u32 $0x1, v38;
	v42 =	vld.idx.msk [tilespmem:v56+s3+$0x0], $0xffff;
	[tilespmem:v39+s14+$0x0] =	vst.idx.msk $0xffff, v50;
	v56 =	vor.u32 v9, v20  }
0x139: {  	v39 =	vld.idx.msk [tilespmem:v43+s3+$0x0], $0xffff;
	v43 =	vshll.u32 v60, $0x2  }
0x13a: {  	v50 =	vor.u32 v4, v22;
	v45 =	vshll.u32 v58, $0x2;
	v49 =	vld.idx.msk [tilespmem:v23+s3+$0x0], $0xffff  }
0x13b: {  	v59 =	vor.u32 $0x2, v40;
	v60 =	vor.u32 v9, v25  }
0x13c: {  	[tilespmem:v44+s14+$0x0] =	vst.idx.msk $0xffff, v51;
	v51 =	vor.u32 v4, v26;
	v53 =	vor.u32 $0x1, v23;
	v52 =	vld.idx.msk [tilespmem:v28+s3+$0x0], $0xffff  }
0x13d: {  	v44 =	vld.idx.msk [tilespmem:v62+s3+$0x0], $0xffff;
	[tilespmem:v56+s14+$0x0] =	vst.idx.msk $0xffff, v42;
	v42 =	vshll.u32 v57, $0x2  }
0x13e: {  	v54 =	vor.u32 $0x1, v28;
	v55 =	vld.idx.msk [tilespmem:v43+s3+$0x0], $0xffff;
	v56 =	vor.u32 v4, v31  }
0x13f: {  	v46 =	vld.idx.msk [tilespmem:v45+s3+$0x0], $0xffff;
	[tilespmem:v50+s14+$0x0] =	vst.idx.msk $0xffff, v49;
	v49 =	vor.u32 v11, v18  }
0x140: {  	v48 =	vor.u32 $0x2, v41;
	[tilespmem:v60+s14+$0x0] =	vst.idx.msk $0xffff, v39;
	v39 =	vor.u32 v10, v20;
	v47 =	vld.idx.msk [tilespmem:v59+s3+$0x0], $0xffff  }
0x141: {  	v40 =	vor.u32 $0x3, v40;
	v62 =	vor.u32 v5, v22;
	[tilespmem:v51+s14+$0x0] =	vst.idx.msk $0xffff, v52;
	v51 =	vld.idx.msk [tilespmem:v53+s3+$0x0], $0xffff  }
0x142: {  	v57 =	vor.u32 $0x1, v43;
	v59 =	vor.u32 v4, v30;
	v58 =	vld.idx.msk [tilespmem:v42+s3+$0x0], $0xffff  }
0x143: {  	v53 =	vld.idx.msk [tilespmem:v54+s3+$0x0], $0xffff;
	[tilespmem:v56+s14+$0x0] =	vst.idx.msk $0xffff, v55;
	v54 =	vor.u32 v5, v26;
	v55 =	vor.u32 $0x2, v23  }
0x144: {  	v60 =	vor.u32 $0x1, v42;
	[tilespmem:v49+s14+$0x0] =	vst.idx.msk $0xffff, v46  }
0x145: {  	v50 =	vor.u32 $0x1, v45;
	v48 =	vld.idx.msk [tilespmem:v48+s3+$0x0], $0xffff;
	v46 =	vor.u32 v9, v19;
	[tilespmem:v39+s14+$0x0] =	vst.idx.msk $0xffff, v47  }
0x146: {  	v56 =	vor.u32 $0x2, v28;
	v40 =	vld.idx.msk [tilespmem:v40+s3+$0x0], $0xffff;
	[tilespmem:v62+s14+$0x0] =	vst.idx.msk $0xffff, v51;
	v62 =	vor.u32 v63, v20  }
0x147: {  	v57 =	vld.idx.msk [tilespmem:v57+s3+$0x0], $0xffff;
	v51 =	vor.u32 $0x2, v38;
	[tilespmem:v59+s14+$0x0] =	vst.idx.msk $0xffff, v58;
	v58 =	vor.u32 v5, v31  }
0x148: {  	v39 =	vor.u32 $0x2, v43;
	[tilespmem:v54+s14+$0x0] =	vst.idx.msk $0xffff, v53;
	v53 =	vld.idx.msk [tilespmem:v55+s3+$0x0], $0xffff;
	v54 =	vor.u32 v6, v22  }
0x149: {  	v23 =	vor.u32 $0x3, v23;
	v47 =	vor.u32 v5, v30;
	v59 =	vld.idx.msk [tilespmem:v60+s3+$0x0], $0xffff  }
0x14a: {  	v52 =	vor.u32 v10, v25;
	v50 =	vld.idx.msk [tilespmem:v50+s3+$0x0], $0xffff;
	[tilespmem:v46+s14+$0x0] =	vst.idx.msk $0xffff, v44;
	v60 =	vor.u32 $0x2, v42  }
0x14b: {  	v55 =	vld.idx.msk [tilespmem:v56+s3+$0x0], $0xffff;
	v56 =	vor.u32 v6, v26;
	[tilespmem:v62+s14+$0x0] =	vst.idx.msk $0xffff, v40  }
0x14c: {  	v28 =	vor.u32 $0x3, v28;
	v49 =	vld.idx.msk [tilespmem:v51+s3+$0x0], $0xffff;
	v62 =	vor.u32 v9, v18;
	[tilespmem:v58+s14+$0x0] =	vst.idx.msk $0xffff, v57  }
0x14d: {  	v51 =	vor.u32 $0x2, v45;
	v58 =	vor.u32 v6, v31;
	[tilespmem:v54+s14+$0x0] =	vst.idx.msk $0xffff, v53;
	v39 =	vld.idx.msk [tilespmem:v39+s3+$0x0], $0xffff  }
0x14e: {  	v43 =	vor.u32 $0x3, v43;
	v57 =	vor.u32 v7, v22;
	[tilespmem:v47+s14+$0x0] =	vst.idx.msk $0xffff, v59;
	v23 =	vld.idx.msk [tilespmem:v23+s3+$0x0], $0xffff  }
0x14f: {  	[tilespmem:v52+s14+$0x0] =	vst.idx.msk $0xffff, v48;
	v59 =	vld.idx.msk [tilespmem:v60+s3+$0x0], $0xffff;
	v60 =	vor.u32 v6, v30  }
0x150: {  	v42 =	vor.u32 $0x3, v42;
	[tilespmem:v56+s14+$0x0] =	vst.idx.msk $0xffff, v55  }
0x151: {  	v41 =	vor.u32 $0x3, v41;
	v28 =	vld.idx.msk [tilespmem:v28+s3+$0x0], $0xffff;
	[tilespmem:v62+s14+$0x0] =	vst.idx.msk $0xffff, v50;
	v50 =	vor.u32 v10, v19  }
0x152: {  	v48 =	vld.idx.msk [tilespmem:v51+s3+$0x0], $0xffff;
	[tilespmem:v58+s14+$0x0] =	vst.idx.msk $0xffff, v39;
	v58 =	vor.u32 v7, v26  }
0x153: {  	s30 =	sor.u32 $0x60, s28;
	v54 =	vor.u32 v10, v18;
	[tilespmem:v57+s14+$0x0] =	vst.idx.msk $0xffff, v23;
	v39 =	vld.idx.msk [tilespmem:v43+s3+$0x0], $0xffff  }
0x154: {  	[tilespmem:v60+s14+$0x0] =	vst.idx.msk $0xffff, v59;
	v59 =	vor.u32 v7, v31;
	v51 =	vld [tilespmem:s30+$0x400]  }
0x155: {  	[tilespmem:v37+s14+$0x0] =	vst.idx.msk $0xffff, v36;
	v62 =	vor.u32 v7, v30;
	v60 =	vld.idx.msk [tilespmem:v42+s3+$0x0], $0xffff  }
0x156: {  	s29 =	sor.u32 $0x70, s23;
	v41 =	vld.idx.msk [tilespmem:v41+s3+$0x0], $0xffff;
	v57 =	vor.u32 v63, v25;
	[tilespmem:v50+s14+$0x0] =	vst.idx.msk $0xffff, v49  }
0x157: {  	v53 =	vld [tilespmem:s29+$0x400];
	[tilespmem:v58+s14+$0x0] =	vst.idx.msk $0xffff, v28  }
0x158: {  	[tilespmem:v54+s14+$0x0] =	vst.idx.msk $0xffff, v48;
	v55 =	vld [tilespmem:s24+$0xFFFFFFC0]  }
0x159: {  	v29 =	vld.idx.msk [tilespmem:v29+s3+$0x0], $0xffff;
	[tilespmem:v59+s14+$0x0] =	vst.idx.msk $0xffff, v39;
	v23 =	vshll.u32 v51, $0x2  }
0x15a: {  	v52 =	vor.u32 $0x3, v38;
	v43 =	vld [tilespmem:s24+$0x0];
	[tilespmem:v62+s14+$0x0] =	vst.idx.msk $0xffff, v60  }
0x15b: {  	v56 =	vor.u32 $0x3, v45;
	[tilespmem:v57+s14+$0x0] =	vst.idx.msk $0xffff, v41;
	v58 =	vld [tilespmem:s24+$0x40]  }
0x15c: {  	v42 =	vshll.u32 v53, $0x2;
	v8 =	vld [tilespmem:$0x1FFB0]  }
0x15d: {  	v27 =	vld.idx.msk [tilespmem:v27+s3+$0x0], $0xffff;
	v36 =	vshll.u32 v55, $0x2  }
0x15e: {  	v26 =	vor.u32 v33, v32;
	v62 =	vor.u32 v11, v22;
	v32 =	vld.idx.msk [tilespmem:v23+s3+$0x0], $0xffff  }
0x15f: {  	v28 =	vld.idx.msk [tilespmem:v52+s3+$0x0], $0xffff;
	v38 =	vshll.u32 v43, $0x2  }
0x160: {  	v37 =	vld.idx.msk [tilespmem:v56+s3+$0x0], $0xffff;
	v40 =	vshll.u32 v58, $0x2  }
0x161: {  	v59 =	vld.idx.msk [tilespmem:v42+s3+$0x0], $0xffff;
	v60 =	vor.u32 v8, v20  }
0x162: {  	v45 =	vor.u32 v11, v26;
	v47 =	vor.u32 $0x1, v23;
	v46 =	vld.idx.msk [tilespmem:v36+s3+$0x0], $0xffff  }
0x163: {  	v44 =	vor.u32 $0x1, v42;
	v41 =	vld [tilespmem:s22+$0xFFFFFFD0];
	[tilespmem:v62+s14+$0x0] =	vst.idx.msk $0xffff, v32;
	v62 =	vor.u32 v63, v18  }
0x164: {  	v55 =	vor.u32 v11, v31;
	v54 =	vor.u32 $0x1, v36;
	v56 =	vld.idx.msk [tilespmem:v38+s3+$0x0], $0xffff  }
0x165: {  	[tilespmem:v35+s14+$0x0] =	vst.idx.msk $0xffff, v34;
	v34 =	vor.u32 $0x1, v38;
	v58 =	vor.u32 v11, v30;
	v57 =	vld.idx.msk [tilespmem:v40+s3+$0x0], $0xffff  }
0x166: {  	v24 =	vld.idx.msk [tilespmem:v24+s3+$0x0], $0xffff;
	[tilespmem:v60+s14+$0x0] =	vst.idx.msk $0xffff, v59;
	v59 =	vor.u32 v63, v19;
	v60 =	vor.u32 $0x1, v40  }
0x167: {  	v53 =	vor.u32 v9, v22;
	v52 =	vld.idx.msk [tilespmem:v47+s3+$0x0], $0xffff;
	[tilespmem:v45+s14+$0x0] =	vst.idx.msk $0xffff, v46  }
0x168: {  	v33 =	vld.idx.msk [tilespmem:v44+s3+$0x0], $0xffff;
	[tilespmem:v62+s14+$0x0] =	vst.idx.msk $0xffff, v37  }
0x169: {  	[tilespmem:v55+s14+$0x0] =	vst.idx.msk $0xffff, v56;
	v46 =	vld.idx.msk [tilespmem:v54+s3+$0x0], $0xffff;
	v54 =	vor.u32 $0x2, v23;
	v55 =	vor.u32 v9, v26  }
0x16a: {  	v56 =	vor.u32 $0x2, v36;
	v34 =	vld.idx.msk [tilespmem:v34+s3+$0x0], $0xffff;
	[tilespmem:v58+s14+$0x0] =	vst.idx.msk $0xffff, v57;
	v57 =	vor.u32 v9, v31  }
0x16b: {  	[tilespmem:v59+s14+$0x0] =	vst.idx.msk $0xffff, v28;
	v28 =	vor.u32 $0x2, v38;
	v59 =	vor.u32 v9, v30;
	v58 =	vld.idx.msk [tilespmem:v60+s3+$0x0], $0xffff  }
0x16c: {  	v62 =	vor.u32 $0x2, v40;
	[tilespmem:v53+s14+$0x0] =	vst.idx.msk $0xffff, v52;
	v53 =	vld [tilespmem:s22+$0x50];
	v60 =	vor.u32 v15, v20  }
0x16d: {  	v41 =	vshll.u32 v41, $0x2;
	v37 =	vld [tilespmem:s22+$0x10]  }
0x16e: {  	v52 =	vor.u32 $0x2, v42;
	[tilespmem:v55+s14+$0x0] =	vst.idx.msk $0xffff, v46;
	v54 =	vld.idx.msk [tilespmem:v54+s3+$0x0], $0xffff;
	v55 =	vor.u32 v10, v22  }
0x16f: {  	v23 =	vor.u32 $0x3, v23;
	[tilespmem:v57+s14+$0x0] =	vst.idx.msk $0xffff, v34;
	v56 =	vld.idx.msk [tilespmem:v56+s3+$0x0], $0xffff;
	v57 =	vor.u32 v10, v26  }
0x170: {  	v36 =	vor.u32 $0x3, v36;
	[tilespmem:v59+s14+$0x0] =	vst.idx.msk $0xffff, v58;
	v28 =	vld.idx.msk [tilespmem:v28+s3+$0x0], $0xffff;
	v58 =	vor.u32 v10, v31  }
0x171: {  	[tilespmem:v60+s14+$0x0] =	vst.idx.msk $0xffff, v33;
	v59 =	vor.u32 $0x3, v38;
	v60 =	vld.idx.msk [tilespmem:v62+s3+$0x0], $0xffff;
	v62 =	vor.u32 v10, v30  }
0x172: {  	v40 =	vor.u32 $0x3, v40;
	v46 =	vld.idx.msk [tilespmem:v41+s3+$0x0], $0xffff  }
0x173: {  	v48 =	vor.u32 v14, v16;
	v34 =	vshll.u32 v53, $0x2;
	v43 =	vld.idx.msk [tilespmem:v52+s3+$0x0], $0xffff;
	[tilespmem:v55+s14+$0x0] =	vst.idx.msk $0xffff, v54  }
0x174: {  	v49 =	vor.u32 v63, v22;
	v37 =	vshll.u32 v37, $0x2;
	[tilespmem:v57+s14+$0x0] =	vst.idx.msk $0xffff, v56;
	v23 =	vld.idx.msk [tilespmem:v23+s3+$0x0], $0xffff  }
0x175: {  	v51 =	vor.u32 v63, v26;
	[tilespmem:v58+s14+$0x0] =	vst.idx.msk $0xffff, v28;
	v50 =	vld.idx.msk [tilespmem:v36+s3+$0x0], $0xffff  }
0x176: {  	v52 =	vor.u32 v63, v31;
	v32 =	vld.idx.msk [tilespmem:v59+s3+$0x0], $0xffff;
	[tilespmem:v62+s14+$0x0] =	vst.idx.msk $0xffff, v60  }
0x177: {  	v53 =	vor.u32 v63, v30;
	v33 =	vld.idx.msk [tilespmem:v40+s3+$0x0], $0xffff  }
0x178: {  	v21 =	vor.u32 v12, v21;
	[tilespmem:v48+s14+$0x0] =	vst.idx.msk $0xffff, v29;
	v55 =	vld.idx.msk [tilespmem:v34+s3+$0x0], $0xffff  }
0x179: {  	s31 =	sor.u32 $0x70, s28;
	v54 =	vor.u32 v14, v17;
	v29 =	vld.idx.msk [tilespmem:v37+s3+$0x0], $0xffff;
	[tilespmem:v49+s14+$0x0] =	vst.idx.msk $0xffff, v23  }
0x17a: {  	v57 =	vor.u32 v8, v25;
	v35 =	vld [tilespmem:s31+$0x400];
	[tilespmem:v51+s14+$0x0] =	vst.idx.msk $0xffff, v50  }
0x17b: {  	v56 =	vor.u32 v14, v20;
	v60 =	vor.u32 $0x1, v41;
	v59 =	vld [tilespmem:s24+$0xFFFFFFD0];
	[tilespmem:v52+s14+$0x0] =	vst.idx.msk $0xffff, v32  }
0x17c: {  	v58 =	vor.u32 $0x3, v42;
	v62 =	vor.u32 v8, v19;
	[tilespmem:v53+s14+$0x0] =	vst.idx.msk $0xffff, v33;
	v45 =	vld [tilespmem:s24+$0x10]  }
0x17d: {  	v48 =	vor.u32 v8, v18;
	[tilespmem:v21+s14+$0x0] =	vst.idx.msk $0xffff, v24;
	v47 =	vor.u32 $0x1, v37;
	v49 =	vld [tilespmem:s24+$0x50]  }
0x17e: {  	v16 =	vor.u32 v12, v16;
	[tilespmem:v54+s14+$0x0] =	vst.idx.msk $0xffff, v27;
	v50 =	vld.idx.msk [tilespmem:v13+s3+$0x0], $0xffff;
	v51 =	vor.u32 $0x1, v34  }
0x17f: {  	v17 =	vor.u32 v12, v17;
	[tilespmem:v57+s14+$0x0] =	vst.idx.msk $0xffff, v46;
	v52 =	vld.idx.msk [tilespmem:v61+s3+$0x0], $0xffff;
	v35 =	vshll.u32 v35, $0x2  }
0x180: {  	v54 =	vor.u32 v15, v25;
	[tilespmem:v56+s14+$0x0] =	vst.idx.msk $0xffff, v43;
	v32 =	vld.idx.msk [tilespmem:v60+s3+$0x0], $0xffff;
	v28 =	vshll.u32 v59, $0x2  }
0x181: {  	v36 =	vld.idx.msk [tilespmem:v58+s3+$0x0], $0xffff;
	[tilespmem:v62+s14+$0x0] =	vst.idx.msk $0xffff, v29;
	v53 =	vor.u32 v12, v20;
	v29 =	vshll.u32 v45, $0x2  }
0x182: {  	[tilespmem:v48+s14+$0x0] =	vst.idx.msk $0xffff, v55;
	v55 =	vor.u32 v15, v19;
	v27 =	vld.idx.msk [tilespmem:v47+s3+$0x0], $0xffff;
	v38 =	vshll.u32 v49, $0x2  }
0x183: {  	v56 =	vor.u32 $0x2, v41;
	v57 =	vor.u32 v15, v18;
	[tilespmem:v16+s14+$0x0] =	vst.idx.msk $0xffff, v50;
	v16 =	vld.idx.msk [tilespmem:v51+s3+$0x0], $0xffff  }
0x184: {  	v58 =	vor.u32 $0x2, v37;
	[tilespmem:v17+s14+$0x0] =	vst.idx.msk $0xffff, v52;
	v59 =	vor.u32 v8, v22;
	v17 =	vld.idx.msk [tilespmem:v35+s3+$0x0], $0xffff  }
0x185: {  	v61 =	vor.u32 v8, v26;
	v60 =	vor.u32 $0x1, v35;
	[tilespmem:v54+s14+$0x0] =	vst.idx.msk $0xffff, v32;
	v62 =	vld.idx.msk [tilespmem:v28+s3+$0x0], $0xffff  }
0x186: {  	v50 =	vor.u32 v8, v31;
	[tilespmem:v53+s14+$0x0] =	vst.idx.msk $0xffff, v36;
	v48 =	vor.u32 $0x1, v28;
	v49 =	vld.idx.msk [tilespmem:v29+s3+$0x0], $0xffff  }
0x187: {  	[tilespmem:v55+s14+$0x0] =	vst.idx.msk $0xffff, v27;
	v53 =	vor.u32 v8, v30;
	v51 =	vor.u32 $0x1, v29;
	v52 =	vld.idx.msk [tilespmem:v38+s3+$0x0], $0xffff  }
0x188: {  	v39 =	vld.idx.msk [tilespmem:v56+s3+$0x0], $0xffff;
	v54 =	vor.u32 $0x1, v38;
	[tilespmem:v57+s14+$0x0] =	vst.idx.msk $0xffff, v16;
	v16 =	vor.u32 v14, v25  }
0x189: {  	v55 =	vor.u32 v14, v19;
	v24 =	vld.idx.msk [tilespmem:v58+s3+$0x0], $0xffff;
	[tilespmem:v59+s14+$0x0] =	vst.idx.msk $0xffff, v17;
	v17 =	vor.u32 $0x2, v34  }
0x18a: {  	v56 =	vor.u32 $0x3, v41;
	v57 =	vor.u32 v15, v22;
	[tilespmem:v61+s14+$0x0] =	vst.idx.msk $0xffff, v62;
	v20 =	vld.idx.msk [tilespmem:v60+s3+$0x0], $0xffff  }
0x18b: {  	v58 =	vor.u32 $0x2, v35;
	v59 =	vor.u32 v15, v26;
	[tilespmem:v50+s14+$0x0] =	vst.idx.msk $0xffff, v49;
	v32 =	vld.idx.msk [tilespmem:v48+s3+$0x0], $0xffff  }
0x18c: {  	v60 =	vor.u32 $0x2, v28;
	v61 =	vor.u32 v15, v31;
	[tilespmem:v53+s14+$0x0] =	vst.idx.msk $0xffff, v52;
	v27 =	vld.idx.msk [tilespmem:v51+s3+$0x0], $0xffff  }
0x18d: {  	[tilespmem:v16+s14+$0x0] =	vst.idx.msk $0xffff, v39;
	v16 =	vor.u32 $0x2, v29;
	v62 =	vor.u32 v15, v30;
	v21 =	vld.idx.msk [tilespmem:v54+s3+$0x0], $0xffff  }
0x18e: {  	v44 =	vor.u32 v14, v18;
	v45 =	vor.u32 $0x2, v38;
	[tilespmem:v55+s14+$0x0] =	vst.idx.msk $0xffff, v24;
	v17 =	vld.idx.msk [tilespmem:v17+s3+$0x0], $0xffff  }
0x18f: {  	v46 =	vor.u32 $0x3, v37;
	v47 =	vor.u32 v12, v25;
	v36 =	vld.idx.msk [tilespmem:v56+s3+$0x0], $0xffff;
	[tilespmem:v57+s14+$0x0] =	vst.idx.msk $0xffff, v20  }
0x190: {  	v48 =	vor.u32 $0x3, v34;
	v50 =	vor.u32 v14, v22;
	[tilespmem:v59+s14+$0x0] =	vst.idx.msk $0xffff, v32;
	v49 =	vld.idx.msk [tilespmem:v58+s3+$0x0], $0xffff  }
0x191: {  	v51 =	vor.u32 $0x3, v35;
	v52 =	vor.u32 v14, v26;
	[tilespmem:v61+s14+$0x0] =	vst.idx.msk $0xffff, v27;
	v33 =	vld.idx.msk [tilespmem:v60+s3+$0x0], $0xffff  }
0x192: {  	v53 =	vor.u32 $0x3, v28;
	v54 =	vor.u32 v14, v31;
	[tilespmem:v62+s14+$0x0] =	vst.idx.msk $0xffff, v21;
	v16 =	vld.idx.msk [tilespmem:v16+s3+$0x0], $0xffff  }
0x193: {  	v55 =	vor.u32 v14, v30;
	[tilespmem:v44+s14+$0x0] =	vst.idx.msk $0xffff, v17;
	v17 =	vor.u32 $0x3, v29;
	v24 =	vld.idx.msk [tilespmem:v45+s3+$0x0], $0xffff  }
0x194: {  	v56 =	vor.u32 v12, v19;
	[tilespmem:v47+s14+$0x0] =	vst.idx.msk $0xffff, v36;
	v20 =	vld.idx.msk [tilespmem:v46+s3+$0x0], $0xffff;
	v57 =	vor.u32 $0x3, v38  }
0x195: {  	v59 =	vor.u32 v12, v18;
	v58 =	vld.idx.msk [tilespmem:v48+s3+$0x0], $0xffff;
	[tilespmem:v50+s14+$0x0] =	vst.idx.msk $0xffff, v49  }
0x196: {  	v22 =	vor.u32 v12, v22;
	[tilespmem:v52+s14+$0x0] =	vst.idx.msk $0xffff, v33;
	v27 =	vld.idx.msk [tilespmem:v51+s3+$0x0], $0xffff  }
0x197: {  	[tilespmem:v54+s14+$0x0] =	vst.idx.msk $0xffff, v16;
	v16 =	vor.u32 v12, v26;
	v21 =	vld.idx.msk [tilespmem:v53+s3+$0x0], $0xffff  }
0x198: {  	v60 =	vor.u32 v12, v31;
	[tilespmem:v55+s14+$0x0] =	vst.idx.msk $0xffff, v24;
	v17 =	vld.idx.msk [tilespmem:v17+s3+$0x0], $0xffff  }
0x199: {  	v62 =	vor.u32 v12, v30;
	[tilespmem:v56+s14+$0x0] =	vst.idx.msk $0xffff, v20;
	v61 =	vld.idx.msk [tilespmem:v57+s3+$0x0], $0xffff  }
0x19a: {  	[tilespmem:v59+s14+$0x0] =	vst.idx.msk $0xffff, v58  }
0x19b: {  	[tilespmem:v22+s14+$0x0] =	vst.idx.msk $0xffff, v27  }
0x19c: {  	[tilespmem:v16+s14+$0x0] =	vst.idx.msk $0xffff, v21  }
0x19d: {  	[tilespmem:v60+s14+$0x0] =	vst.idx.msk $0xffff, v17  }
0x19e: {  	[tilespmem:v62+s14+$0x0] =	vst.idx.msk $0xffff, v61  }
0x19f: {  	[hbm4b:s8+s3] =	stream.linear.scatter [tilespmem:s14], [sflag:$0x5], $0x2000, $0x38;
	[tilespmem:$0x14400] =	vst v63  }
0x1a0: {  	_ =	swait.ge [sflag:s12], $0x2000  }
0x1a1: {  	[sflag:s12] =	ssyncset.done $0x0  }
0x1a2: {  	[sflag:s12] =	ssyncadd.s32 $0xFFFFE000  }
.LBB2_5:
.Ltmp4:
0x1a3: {  	(pc) =	sbr.rel .LBB2_6-.Ltmp4, $4  }
0x1a4: {  	s22 =	simm.s32 $0x0  }
0x1a5: {  	[tilespmem:s13], [sflag:$0x1] =	stream.linear.gather [hbm4b:s7+s22], $0x2000, $0x38;
	[tilespmem:$0x14400] =	vst v63  }
0x1a6: {  	_ = 	snop  }
0x1a7: {  	[tilespmem:s15], [sflag:$0x2] =	stream.linear.gather [hbm4b:s9+s22], $0x2000, $0x38;
	[tilespmem:$0x14400] =	vst v63  }
.LBB2_14:
0x1a8: {  	s22 =	sadd.s32 $0x1, s22  }
0x1a9: {  	p1 =	sne.s32 s22, $0xD  }
.Ltmp5:
0x1aa: {  	_ = 	snop;
	(pc) =	sbr.rel @!p1 .LBB2_15-.Ltmp5, $1  }
0x1ab: {  	_ =	sdelay $0x3  }
.LBB2_6:
0x1ac: {  	s23 =	sshll.u32 s22, $0x6  }
0x1ad: {  	s23 =	sor.u32 s4, s23  }
0x1ae: {  	p2 =	sgt.u32 s23, $0x30C  }
.Ltmp6:
0x1af: {  	_ = 	snop;
	(pc) =	sbr.rel @p2 .LBB2_10-.Ltmp6, $2  }
0x1b0: {  	_ =	sdelay $0x2  }
0x1b1: {  	p1 =	seq.s32 s22, $0x0  }
0x1b2: {  	_ =	swait.ge [sflag:s16], $0x2000  }
0x1b3: {  	[sflag:s16] =	ssyncset.done $0x0  }
0x1b4: {  	s24 =	simm.s32 @!p1 $0x3;
	[sflag:s16] =	ssyncadd.s32 $0xFFFFE000  }
0x1b5: {  	_ =	swait.ge @!p1 [sflag:s24], $0x8000  }
0x1b6: {  	[sflag:s24] =	ssyncset.done @!p1 $0x0  }
0x1b7: {  	s26 =	simm.s32 $0x460;
	[sflag:s24] =	ssyncadd.s32 @!p1 $0xFFFF8000  }
0x1b8: {  	v16 =	vld [tilespmem:s26+$0x60]  }
0x1b9: {  	v17 =	vld [tilespmem:s26+$0xFFFFFFA0]  }
0x1ba: {  	s30 =	simm.s32 $0x0;
	s31 =	simm.s32 $0x1;
	s25 =	simm.s32 $0x2;
	v20 =	vld [tilespmem:s26+$0xFFFFFFE0]  }
0x1bb: {  	v19 =	vmov s30;
	v21 =	vmov s31;
	v23 =	vmov s25  }
0x1bc: {  	v18 =	vshll.u32 v19, $0x8;
	v19 =	vshll.u32 v19, $0x7;
	v24 =	vshll.u32 v21, $0x8  }
0x1bd: {  	s30 =	simm.s32 $0x3;
	v28 =	vshll.u32 v23, $0x8;
	v22 =	vand.u32 $0x7800, v18;
	v25 =	vld [tilespmem:s26+$0x20];
	v26 =	vshll.u32 v16, $0x2  }
0x1be: {  	v16 =	vshll.u32 v21, $0x7;
	v21 =	vshll.u32 v17, $0x2;
	v17 =	vmov s30  }
0x1bf: {  	v27 =	vshll.u32 v20, $0x2;
	v20 =	vshll.u32 v17, $0x8;
	v17 =	vshll.u32 v17, $0x7  }
0x1c0: {  	v19 =	vand.u32 $0x200, v19;
	v29 =	vand.u32 $0x7800, v20;
	v17 =	vand.u32 $0x380, v17  }
0x1c1: {  	v24 =	vand.u32 $0x7800, v24;
	v20 =	vor.u32 v19, v22;
	v22 =	vor.u32 v17, v29  }
0x1c2: {  	v25 =	vshll.u32 v25, $0x2;
	v16 =	vand.u32 $0x280, v16;
	v30 =	vor.u32 v0, v22;
	v29 =	vld.idx.msk [tilespmem:v26+s3+$0x0], $0xffff  }
0x1c3: {  	v32 =	vor.u32 $0x1, v26;
	v16 =	vor.u32 v16, v24;
	v31 =	vor.u32 v0, v20;
	v24 =	vld.idx.msk [tilespmem:v21+s3+$0x0], $0xffff  }
0x1c4: {  	v33 =	vor.u32 $0x1, v21;
	v17 =	vshll.u32 v23, $0x7;
	v23 =	vor.u32 v0, v16;
	v34 =	vld.idx.msk [tilespmem:v27+s3+$0x0], $0xffff  }
0x1c5: {  	v28 =	vand.u32 $0x7800, v28;
	v17 =	vand.u32 $0x300, v17  }
0x1c6: {  	v17 =	vor.u32 v17, v28  }
0x1c7: {  	v35 =	vor.u32 $0x1, v27;
	v36 =	vld.idx.msk [tilespmem:v25+s3+$0x0], $0xffff;
	v28 =	vor.u32 v0, v17;
	[tilespmem:v30+s14+$0x0] =	vst.idx.msk $0xffff, v29  }
0x1c8: {  	v29 =	vor.u32 $0x1, v25;
	[tilespmem:v31+s14+$0x0] =	vst.idx.msk $0xffff, v24;
	v30 =	vor.u32 v1, v22;
	v24 =	vld.idx.msk [tilespmem:v32+s3+$0x0], $0xffff  }
0x1c9: {  	v55 =	vor.u32 $0x2, v26;
	[tilespmem:v23+s14+$0x0] =	vst.idx.msk $0xffff, v34;
	v23 =	vor.u32 v1, v20;
	v31 =	vld.idx.msk [tilespmem:v33+s3+$0x0], $0xffff  }
0x1ca: {  	v56 =	vor.u32 $0x2, v21;
	_ =	sdelay $0x1  }
0x1cb: {  	v57 =	vor.u32 v1, v16;
	v34 =	vld.idx.msk [tilespmem:v35+s3+$0x0], $0xffff;
	[tilespmem:v28+s14+$0x0] =	vst.idx.msk $0xffff, v36  }
0x1cc: {  	v37 =	vor.u32 $0x2, v27;
	v28 =	vld.idx.msk [tilespmem:v29+s3+$0x0], $0xffff;
	v29 =	vor.u32 v1, v17;
	[tilespmem:v30+s14+$0x0] =	vst.idx.msk $0xffff, v24  }
0x1cd: {  	v24 =	vor.u32 $0x2, v25;
	[tilespmem:v23+s14+$0x0] =	vst.idx.msk $0xffff, v31;
	v30 =	vor.u32 v2, v22;
	v23 =	vld.idx.msk [tilespmem:v55+s3+$0x0], $0xffff  }
0x1ce: {  	v58 =	vor.u32 v2, v20;
	v26 =	vor.u32 $0x3, v26;
	v31 =	vld.idx.msk [tilespmem:v56+s3+$0x0], $0xffff  }
0x1cf: {  	v21 =	vor.u32 $0x3, v21  }
0x1d0: {  	[tilespmem:v57+s14+$0x0] =	vst.idx.msk $0xffff, v34  }
0x1d1: {  	v60 =	vor.u32 v2, v16;
	v59 =	vld.idx.msk [tilespmem:v37+s3+$0x0], $0xffff;
	[tilespmem:v29+s14+$0x0] =	vst.idx.msk $0xffff, v28  }
0x1d2: {  	v27 =	vor.u32 $0x3, v27;
	v28 =	vor.u32 v2, v17;
	v24 =	vld.idx.msk [tilespmem:v24+s3+$0x0], $0xffff;
	[tilespmem:v30+s14+$0x0] =	vst.idx.msk $0xffff, v23  }
0x1d3: {  	v23 =	vor.u32 $0x3, v25;
	[tilespmem:v58+s14+$0x0] =	vst.idx.msk $0xffff, v31;
	v25 =	vld.idx.msk [tilespmem:v26+s3+$0x0], $0xffff;
	v26 =	vor.u32 v3, v22  }
0x1d4: {  	v29 =	vor.u32 v3, v20;
	v21 =	vld.idx.msk [tilespmem:v21+s3+$0x0], $0xffff;
	_ =	sdelay $0x1  }
0x1d5: {  	[tilespmem:v60+s14+$0x0] =	vst.idx.msk $0xffff, v59  }
0x1d6: {  	s25 =	simm.s32 $0xC0;
	v30 =	vor.u32 v3, v16;
	v27 =	vld.idx.msk [tilespmem:v27+s3+$0x0], $0xffff;
	[tilespmem:v28+s14+$0x0] =	vst.idx.msk $0xffff, v24  }
0x1d7: {  	s31 =	sor.u32 $0x50, s25;
	v24 =	vor.u32 v3, v17;
	v23 =	vld.idx.msk [tilespmem:v23+s3+$0x0], $0xffff;
	[tilespmem:v26+s14+$0x0] =	vst.idx.msk $0xffff, v25  }
0x1d8: {  	[tilespmem:v29+s14+$0x0] =	vst.idx.msk $0xffff, v21;
	v21 =	vld [tilespmem:s31+$0x400]  }
0x1d9: {  	v25 =	vld [tilespmem:s26+$0xFFFFFFB0];
	_ =	sdelay $0x1  }
0x1da: {  	[tilespmem:v30+s14+$0x0] =	vst.idx.msk $0xffff, v27  }
0x1db: {  	v26 =	vld [tilespmem:s26+$0xFFFFFFF0];
	[tilespmem:v24+s14+$0x0] =	vst.idx.msk $0xffff, v23  }
0x1dc: {  	v23 =	vld [tilespmem:s26+$0x30];
	v21 =	vshll.u32 v21, $0x2  }
0x1dd: {  	v24 =	vshll.u32 v25, $0x2;
	_ =	sdelay $0x2  }
0x1de: {  	v25 =	vshll.u32 v26, $0x2  }
0x1df: {  	v27 =	vor.u32 v4, v22;
	v23 =	vshll.u32 v23, $0x2;
	v26 =	vld.idx.msk [tilespmem:v21+s3+$0x0], $0xffff  }
0x1e0: {  	v28 =	vor.u32 v4, v20;
	v30 =	vor.u32 $0x1, v21;
	v29 =	vld.idx.msk [tilespmem:v24+s3+$0x0], $0xffff  }
0x1e1: {  	v31 =	vor.u32 $0x1, v24;
	_ =	sdelay $0x1  }
0x1e2: {  	v62 =	vor.u32 v4, v16;
	v61 =	vld.idx.msk [tilespmem:v25+s3+$0x0], $0xffff  }
0x1e3: {  	v42 =	vor.u32 v4, v17;
	v40 =	vor.u32 $0x1, v25;
	v41 =	vld.idx.msk [tilespmem:v23+s3+$0x0], $0xffff;
	[tilespmem:v27+s14+$0x0] =	vst.idx.msk $0xffff, v26  }
0x1e4: {  	v26 =	vor.u32 $0x1, v23;
	[tilespmem:v28+s14+$0x0] =	vst.idx.msk $0xffff, v29;
	v28 =	vor.u32 v5, v22;
	v27 =	vld.idx.msk [tilespmem:v30+s3+$0x0], $0xffff  }
0x1e5: {  	v29 =	vld.idx.msk [tilespmem:v31+s3+$0x0], $0xffff;
	v30 =	vor.u32 v5, v20;
	v31 =	vor.u32 $0x2, v21  }
0x1e6: {  	v43 =	vor.u32 $0x2, v24  }
0x1e7: {  	[tilespmem:v62+s14+$0x0] =	vst.idx.msk $0xffff, v61  }
0x1e8: {  	v44 =	vor.u32 v5, v16;
	v33 =	vld.idx.msk [tilespmem:v40+s3+$0x0], $0xffff;
	[tilespmem:v42+s14+$0x0] =	vst.idx.msk $0xffff, v41  }
0x1e9: {  	v46 =	vor.u32 v5, v17;
	v45 =	vor.u32 $0x2, v25;
	v26 =	vld.idx.msk [tilespmem:v26+s3+$0x0], $0xffff;
	[tilespmem:v28+s14+$0x0] =	vst.idx.msk $0xffff, v27  }
0x1ea: {  	v27 =	vor.u32 $0x2, v23;
	[tilespmem:v30+s14+$0x0] =	vst.idx.msk $0xffff, v29;
	v29 =	vor.u32 v6, v22;
	v28 =	vld.idx.msk [tilespmem:v31+s3+$0x0], $0xffff  }
0x1eb: {  	v21 =	vor.u32 $0x3, v21;
	v30 =	vld.idx.msk [tilespmem:v43+s3+$0x0], $0xffff;
	v31 =	vor.u32 v6, v20  }
0x1ec: {  	v24 =	vor.u32 $0x3, v24  }
0x1ed: {  	[tilespmem:v44+s14+$0x0] =	vst.idx.msk $0xffff, v33  }
0x1ee: {  	v48 =	vor.u32 v6, v16;
	v47 =	vld.idx.msk [tilespmem:v45+s3+$0x0], $0xffff;
	[tilespmem:v46+s14+$0x0] =	vst.idx.msk $0xffff, v26  }
0x1ef: {  	v25 =	vor.u32 $0x3, v25;
	v26 =	vld.idx.msk [tilespmem:v27+s3+$0x0], $0xffff;
	v27 =	vor.u32 v6, v17;
	[tilespmem:v29+s14+$0x0] =	vst.idx.msk $0xffff, v28  }
0x1f0: {  	v23 =	vor.u32 $0x3, v23;
	[tilespmem:v31+s14+$0x0] =	vst.idx.msk $0xffff, v30;
	v28 =	vor.u32 v7, v22;
	v21 =	vld.idx.msk [tilespmem:v21+s3+$0x0], $0xffff  }
0x1f1: {  	s24 =	simm.s32 $0x560;
	v20 =	vor.u32 v7, v20;
	v24 =	vld.idx.msk [tilespmem:v24+s3+$0x0], $0xffff  }
0x1f2: {  	v50 =	vld [tilespmem:s24+$0xFFFFFFA0]  }
0x1f3: {  	v38 =	vld [tilespmem:s24+$0x20];
	[tilespmem:v48+s14+$0x0] =	vst.idx.msk $0xffff, v47  }
0x1f4: {  	v29 =	vor.u32 v7, v16;
	v25 =	vld.idx.msk [tilespmem:v25+s3+$0x0], $0xffff;
	[tilespmem:v27+s14+$0x0] =	vst.idx.msk $0xffff, v26  }
0x1f5: {  	s30 =	sor.u32 $0x60, s25;
	v27 =	vld.idx.msk [tilespmem:v23+s3+$0x0], $0xffff;
	[tilespmem:v28+s14+$0x0] =	vst.idx.msk $0xffff, v21  }
0x1f6: {  	[tilespmem:v20+s14+$0x0] =	vst.idx.msk $0xffff, v24;
	v20 =	vld [tilespmem:s30+$0x400]  }
0x1f7: {  	v23 =	vld [tilespmem:s26+$0xFFFFFFC0]  }
0x1f8: {  	s28 =	simm.s32 $0x4;
	v38 =	vshll.u32 v38, $0x2;
	v39 =	vor.u32 v11, v22  }
0x1f9: {  	v33 =	vshll.u32 v50, $0x2;
	v30 =	vld [tilespmem:s24+$0x60];
	v21 =	vmov s28;
	[tilespmem:v29+s14+$0x0] =	vst.idx.msk $0xffff, v25;
	s28 =	simm.s32 $0x5;
	v29 =	vor.u32 v7, v17  }
0x1fa: {  	v25 =	vshll.u32 v21, $0x8;
	v24 =	vld [tilespmem:s26+$0x0];
	v21 =	vshll.u32 v21, $0x7;
	v26 =	vmov s28;
	s28 =	simm.s32 $0x6  }
0x1fb: {  	v31 =	vand.u32 $0x7800, v25;
	v49 =	vmov s28;
	v35 =	vshll.u32 v20, $0x2;
	v20 =	vld [tilespmem:s24+$0xFFFFFFE0]  }
0x1fc: {  	v28 =	vand.u32 $0x200, v21;
	v21 =	vshll.u32 v26, $0x8;
	v37 =	vshll.u32 v23, $0x2  }
0x1fd: {  	v51 =	vshll.u32 v26, $0x7;
	v52 =	vshll.u32 v49, $0x8;
	v32 =	vshll.u32 v49, $0x7  }
0x1fe: {  	v26 =	vor.u32 v28, v31;
	v31 =	vand.u32 $0x7800, v21;
	v21 =	vor.u32 v19, v18  }
0x1ff: {  	s28 =	simm.s32 $0x7;
	v18 =	vand.u32 $0x280, v51;
	v23 =	vshll.u32 v24, $0x2;
	v24 =	vshll.u32 v30, $0x2  }
0x200: {  	v19 =	vmov s28;
	v46 =	vor.u32 v0, v26;
	v53 =	vld.idx.msk [tilespmem:v35+s3+$0x0], $0xffff;
	v36 =	vshll.u32 v20, $0x2  }
0x201: {  	[tilespmem:v29+s14+$0x0] =	vst.idx.msk $0xffff, v27;
	v29 =	vor.u32 v11, v21;
	v40 =	vld.idx.msk [tilespmem:v37+s3+$0x0], $0xffff;
	v20 =	vshll.u32 v19, $0x8;
	v19 =	vshll.u32 v19, $0x7  }
0x202: {  	v48 =	vld.idx.msk [tilespmem:v33+s3+$0x0], $0xffff;
	v32 =	vand.u32 $0x300, v32;
	v20 =	vand.u32 $0x7800, v20;
	v19 =	vand.u32 $0x380, v19  }
0x203: {  	v27 =	vand.u32 $0x7800, v52;
	v30 =	vld [tilespmem:s26+$0x40];
	v41 =	vor.u32 $0x1, v35;
	v20 =	vor.u32 v19, v20  }
0x204: {  	v50 =	vor.u32 $0x1, v24;
	v45 =	vld.idx.msk [tilespmem:v24+s3+$0x0], $0xffff;
	v19 =	vor.u32 v18, v31;
	v49 =	vor.u32 v0, v20  }
0x205: {  	v18 =	vor.u32 v32, v27;
	v27 =	vor.u32 v0, v19;
	v31 =	vld.idx.msk [tilespmem:v36+s3+$0x0], $0xffff;
	[tilespmem:v39+s14+$0x0] =	vst.idx.msk $0xffff, v53  }
0x206: {  	v54 =	vor.u32 $0x1, v33;
	v42 =	vld.idx.msk [tilespmem:v23+s3+$0x0], $0xffff;
	[tilespmem:v29+s14+$0x0] =	vst.idx.msk $0xffff, v40  }
0x207: {  	v44 =	vor.u32 v11, v16;
	v43 =	vor.u32 $0x1, v37;
	v9 =	vld [tilespmem:$0x1FFA0]  }
0x208: {  	v47 =	vor.u32 $0x1, v23;
	v29 =	vld.idx.msk [tilespmem:v38+s3+$0x0], $0xffff;
	[tilespmem:v46+s14+$0x0] =	vst.idx.msk $0xffff, v48  }
0x209: {  	v55 =	vor.u32 $0x1, v36;
	v52 =	vor.u32 v0, v18;
	v34 =	vld.idx.msk [tilespmem:v41+s3+$0x0], $0xffff;
	[tilespmem:v49+s14+$0x0] =	vst.idx.msk $0xffff, v45  }
0x20a: {  	v58 =	vor.u32 $0x1, v38;
	v60 =	vld.idx.msk [tilespmem:v50+s3+$0x0], $0xffff;
	[tilespmem:v27+s14+$0x0] =	vst.idx.msk $0xffff, v31;
	v27 =	vor.u32 v1, v20  }
0x20b: {  	v30 =	vshll.u32 v30, $0x2;
	v32 =	vld.idx.msk [tilespmem:v54+s3+$0x0], $0xffff;
	v31 =	vor.u32 v1, v26  }
0x20c: {  	v62 =	vor.u32 $0x2, v24;
	[tilespmem:v44+s14+$0x0] =	vst.idx.msk $0xffff, v42;
	v53 =	vld.idx.msk [tilespmem:v43+s3+$0x0], $0xffff;
	v56 =	vor.u32 v9, v22  }
0x20d: {  	v57 =	vor.u32 $0x2, v35;
	v45 =	vld.idx.msk [tilespmem:v47+s3+$0x0], $0xffff;
	v59 =	vor.u32 v9, v21  }
0x20e: {  	v61 =	vor.u32 $0x2, v37;
	v40 =	vor.u32 v1, v19;
	[tilespmem:v52+s14+$0x0] =	vst.idx.msk $0xffff, v29;
	v39 =	vld.idx.msk [tilespmem:v55+s3+$0x0], $0xffff  }
0x20f: {  	v55 =	vld.idx.msk [tilespmem:v58+s3+$0x0], $0xffff;
	v51 =	vor.u32 v9, v16;
	[tilespmem:v27+s14+$0x0] =	vst.idx.msk $0xffff, v60  }
0x210: {  	v54 =	vor.u32 $0x2, v36;
	v58 =	vld.idx.msk [tilespmem:v30+s3+$0x0], $0xffff;
	v60 =	vor.u32 v11, v17;
	[tilespmem:v31+s14+$0x0] =	vst.idx.msk $0xffff, v32  }
0x211: {  	v49 =	vor.u32 v2, v20;
	[tilespmem:v56+s14+$0x0] =	vst.idx.msk $0xffff, v34;
	v34 =	vor.u32 $0x2, v33;
	v31 =	vld.idx.msk [tilespmem:v62+s3+$0x0], $0xffff  }
0x212: {  	v56 =	vor.u32 v10, v22;
	[tilespmem:v59+s14+$0x0] =	vst.idx.msk $0xffff, v53;
	v62 =	vor.u32 $0x2, v23;
	v29 =	vld.idx.msk [tilespmem:v57+s3+$0x0], $0xffff  }
0x213: {  	[tilespmem:v40+s14+$0x0] =	vst.idx.msk $0xffff, v39;
	v57 =	vor.u32 v1, v18;
	v27 =	vld.idx.msk [tilespmem:v61+s3+$0x0], $0xffff;
	v61 =	vor.u32 $0x1, v30  }
0x214: {  	v59 =	vor.u32 $0x2, v38;
	[tilespmem:v51+s14+$0x0] =	vst.idx.msk $0xffff, v45  }
0x215: {  	v24 =	vor.u32 $0x3, v24;
	v53 =	vor.u32 v2, v19;
	v41 =	vld.idx.msk [tilespmem:v54+s3+$0x0], $0xffff;
	[tilespmem:v60+s14+$0x0] =	vst.idx.msk $0xffff, v58  }
0x216: {  	v35 =	vor.u32 $0x3, v35;
	v52 =	vor.u32 v2, v26;
	v34 =	vld.idx.msk [tilespmem:v34+s3+$0x0], $0xffff;
	[tilespmem:v49+s14+$0x0] =	vst.idx.msk $0xffff, v31  }
0x217: {  	v36 =	vor.u32 $0x3, v36;
	v31 =	vld.idx.msk [tilespmem:v62+s3+$0x0], $0xffff;
	v62 =	vor.u32 v10, v21;
	[tilespmem:v56+s14+$0x0] =	vst.idx.msk $0xffff, v29  }
0x218: {  	[tilespmem:v57+s14+$0x0] =	vst.idx.msk $0xffff, v55;
	v56 =	vld.idx.msk [tilespmem:v61+s3+$0x0], $0xffff;
	v57 =	vor.u32 v9, v17  }
0x219: {  	v29 =	vor.u32 $0x3, v33;
	v55 =	vor.u32 v2, v18;
	v42 =	vld.idx.msk [tilespmem:v59+s3+$0x0], $0xffff  }
0x21a: {  	v58 =	vor.u32 $0x2, v30;
	v24 =	vld.idx.msk [tilespmem:v24+s3+$0x0], $0xffff;
	[tilespmem:v53+s14+$0x0] =	vst.idx.msk $0xffff, v41;
	v59 =	vor.u32 v3, v20  }
0x21b: {  	v38 =	vor.u32 $0x3, v38;
	v54 =	vor.u32 v63, v22;
	v35 =	vld.idx.msk [tilespmem:v35+s3+$0x0], $0xffff;
	[tilespmem:v52+s14+$0x0] =	vst.idx.msk $0xffff, v34  }
0x21c: {  	v61 =	vor.u32 v3, v19;
	v36 =	vld.idx.msk [tilespmem:v36+s3+$0x0], $0xffff;
	[tilespmem:v62+s14+$0x0] =	vst.idx.msk $0xffff, v27  }
0x21d: {  	[tilespmem:v57+s14+$0x0] =	vst.idx.msk $0xffff, v56  }
0x21e: {  	v60 =	vor.u32 v3, v26;
	v29 =	vld.idx.msk [tilespmem:v29+s3+$0x0], $0xffff;
	[tilespmem:v55+s14+$0x0] =	vst.idx.msk $0xffff, v42  }
0x21f: {  	v37 =	vor.u32 $0x3, v37;
	v39 =	vld.idx.msk [tilespmem:v58+s3+$0x0], $0xffff;
	[tilespmem:v59+s14+$0x0] =	vst.idx.msk $0xffff, v24;
	v24 =	vor.u32 v10, v16  }
0x220: {  	s25 =	sor.u32 $0x70, s25;
	v45 =	vor.u32 v3, v18;
	[tilespmem:v54+s14+$0x0] =	vst.idx.msk $0xffff, v35;
	v38 =	vld.idx.msk [tilespmem:v38+s3+$0x0], $0xffff  }
0x221: {  	v27 =	vor.u32 v10, v17;
	[tilespmem:v61+s14+$0x0] =	vst.idx.msk $0xffff, v36;
	v44 =	vld [tilespmem:s25+$0x400];
	s25 =	simm.s32 $0x1C0  }
0x222: {  	v35 =	vld [tilespmem:s24+$0xFFFFFFF0];
	s28 =	sor.u32 $0x50, s25  }
0x223: {  	v23 =	vor.u32 $0x3, v23;
	[tilespmem:v60+s14+$0x0] =	vst.idx.msk $0xffff, v29;
	v29 =	vld [tilespmem:s28+$0x400]  }
0x224: {  	v47 =	vor.u32 v63, v21;
	v30 =	vor.u32 $0x3, v30;
	v46 =	vld.idx.msk [tilespmem:v37+s3+$0x0], $0xffff;
	[tilespmem:v24+s14+$0x0] =	vst.idx.msk $0xffff, v31  }
0x225: {  	v33 =	vld [tilespmem:s24+$0xFFFFFFB0];
	[tilespmem:v45+s14+$0x0] =	vst.idx.msk $0xffff, v38  }
0x226: {  	[tilespmem:v27+s14+$0x0] =	vst.idx.msk $0xffff, v39;
	v34 =	vshll.u32 v44, $0x2;
	v32 =	vld [tilespmem:s24+$0x30]  }
0x227: {  	v31 =	vshll.u32 v35, $0x2;
	v51 =	vld [tilespmem:$0x1FFB0]  }
0x228: {  	v53 =	vor.u32 v63, v16;
	v23 =	vld.idx.msk [tilespmem:v23+s3+$0x0], $0xffff;
	v24 =	vshll.u32 v29, $0x2  }
0x229: {  	v30 =	vld.idx.msk [tilespmem:v30+s3+$0x0], $0xffff;
	[tilespmem:v47+s14+$0x0] =	vst.idx.msk $0xffff, v46  }
0x22a: {  	v54 =	vor.u32 v63, v17;
	v37 =	vld [tilespmem:s26+$0xFFFFFFD0];
	v29 =	vshll.u32 v33, $0x2  }
0x22b: {  	v27 =	vld.idx.msk [tilespmem:v34+s3+$0x0], $0xffff  }
0x22c: {  	v59 =	vld.idx.msk [tilespmem:v31+s3+$0x0], $0xffff;
	v50 =	vor.u32 v51, v22;
	v32 =	vshll.u32 v32, $0x2  }
0x22d: {  	v57 =	vor.u32 v4, v20;
	v52 =	vor.u32 $0x1, v34;
	[tilespmem:v53+s14+$0x0] =	vst.idx.msk $0xffff, v23;
	v55 =	vld.idx.msk [tilespmem:v24+s3+$0x0], $0xffff  }
0x22e: {  	v61 =	vor.u32 v4, v19;
	v60 =	vor.u32 $0x1, v24;
	v38 =	vld [tilespmem:s26+$0x10]  }
0x22f: {  	v58 =	vor.u32 v4, v26;
	v62 =	vor.u32 $0x1, v31;
	[tilespmem:v54+s14+$0x0] =	vst.idx.msk $0xffff, v30;
	v56 =	vld.idx.msk [tilespmem:v29+s3+$0x0], $0xffff  }
0x230: {  	v39 =	vld [tilespmem:s26+$0x50];
	v37 =	vshll.u32 v37, $0x2  }
0x231: {  	v30 =	vor.u32 v4, v18;
	[tilespmem:v50+s14+$0x0] =	vst.idx.msk $0xffff, v27;
	v27 =	vor.u32 $0x1, v29;
	v23 =	vld.idx.msk [tilespmem:v32+s3+$0x0], $0xffff  }
0x232: {  	v48 =	vor.u32 v15, v22;
	v50 =	vor.u32 $0x1, v32;
	v35 =	vld.idx.msk [tilespmem:v52+s3+$0x0], $0xffff;
	[tilespmem:v57+s14+$0x0] =	vst.idx.msk $0xffff, v55  }
0x233: {  	v49 =	vor.u32 $0x2, v34;
	[tilespmem:v61+s14+$0x0] =	vst.idx.msk $0xffff, v59;
	v40 =	vld.idx.msk [tilespmem:v60+s3+$0x0], $0xffff  }
0x234: {  	v38 =	vshll.u32 v38, $0x2;
	v57 =	vor.u32 v5, v19;
	[tilespmem:v58+s14+$0x0] =	vst.idx.msk $0xffff, v56;
	v56 =	vld.idx.msk [tilespmem:v62+s3+$0x0], $0xffff  }
0x235: {  	v52 =	vor.u32 v5, v20;
	v58 =	vor.u32 $0x2, v31;
	v62 =	vld.idx.msk [tilespmem:v37+s3+$0x0], $0xffff  }
0x236: {  	v53 =	vor.u32 v5, v26;
	v54 =	vor.u32 $0x2, v24;
	v27 =	vld.idx.msk [tilespmem:v27+s3+$0x0], $0xffff;
	[tilespmem:v30+s14+$0x0] =	vst.idx.msk $0xffff, v23  }
0x237: {  	v59 =	vor.u32 v5, v18;
	v55 =	vor.u32 $0x2, v29;
	[tilespmem:v48+s14+$0x0] =	vst.idx.msk $0xffff, v35;
	v60 =	vld.idx.msk [tilespmem:v50+s3+$0x0], $0xffff  }
0x238: {  	v25 =	vor.u32 v28, v25;
	v33 =	vshll.u32 v39, $0x2;
	v30 =	vor.u32 v14, v22;
	v23 =	vld.idx.msk [tilespmem:v49+s3+$0x0], $0xffff  }
0x239: {  	v34 =	vor.u32 $0x3, v34;
	v43 =	vld.idx.msk [tilespmem:v38+s3+$0x0], $0xffff;
	v49 =	vor.u32 v51, v21;
	[tilespmem:v57+s14+$0x0] =	vst.idx.msk $0xffff, v56  }
0x23a: {  	v61 =	vor.u32 $0x2, v32;
	[tilespmem:v52+s14+$0x0] =	vst.idx.msk $0xffff, v40;
	v57 =	vor.u32 v51, v16;
	v35 =	vld.idx.msk [tilespmem:v58+s3+$0x0], $0xffff  }
0x23b: {  	v52 =	vor.u32 v6, v20;
	[tilespmem:v53+s14+$0x0] =	vst.idx.msk $0xffff, v27;
	v27 =	vld.idx.msk [tilespmem:v54+s3+$0x0], $0xffff;
	v54 =	vor.u32 $0x1, v37  }
0x23c: {  	v24 =	vor.u32 $0x3, v24;
	v53 =	vor.u32 v6, v26;
	v50 =	vld.idx.msk [tilespmem:v55+s3+$0x0], $0xffff;
	[tilespmem:v59+s14+$0x0] =	vst.idx.msk $0xffff, v60  }
0x23d: {  	v58 =	vld.idx.msk [tilespmem:v33+s3+$0x0], $0xffff;
	v60 =	vor.u32 v51, v17;
	[tilespmem:v30+s14+$0x0] =	vst.idx.msk $0xffff, v23;
	v23 =	vor.u32 $0x3, v29  }
0x23e: {  	v13 =	vmov v63;
	v59 =	vor.u32 $0x1, v38;
	v29 =	vor.u32 v6, v19;
	[tilespmem:v49+s14+$0x0] =	vst.idx.msk $0xffff, v62;
	v30 =	vld.idx.msk [tilespmem:v34+s3+$0x0], $0xffff  }
0x23f: {  	v46 =	vor.u32 $0x2, v37;
	v31 =	vor.u32 $0x3, v31;
	v22 =	vor.u32 v12, v22;
	v34 =	vld.idx.msk [tilespmem:v61+s3+$0x0], $0xffff;
	[tilespmem:v57+s14+$0x0] =	vst.idx.msk $0xffff, v43  }
0x240: {  	v56 =	vor.u32 $0x3, v32;
	v55 =	vor.u32 v6, v18;
	v61 =	vor.u32 $0x1, v33;
	[tilespmem:v52+s14+$0x0] =	vst.idx.msk $0xffff, v27;
	v54 =	vld.idx.msk [tilespmem:v54+s3+$0x0], $0xffff  }
0x241: {  	v26 =	vor.u32 v7, v26;
	v52 =	vor.u32 v7, v20;
	[tilespmem:v53+s14+$0x0] =	vst.idx.msk $0xffff, v50;
	v39 =	vld.idx.msk [tilespmem:v24+s3+$0x0], $0xffff  }
0x242: {  	v57 =	vor.u32 v7, v18;
	v27 =	vor.u32 $0x2, v33;
	v24 =	vor.u32 $0x3, v37;
	[tilespmem:v60+s14+$0x0] =	vst.idx.msk $0xffff, v58;
	v62 =	vld.idx.msk [tilespmem:v23+s3+$0x0], $0xffff  }
0x243: {  	s30 =	simm.s32 $0xA;
	v53 =	vor.u32 v7, v19;
	v47 =	vld.idx.msk [tilespmem:v59+s3+$0x0], $0xffff;
	v60 =	vor.u32 v15, v16;
	[tilespmem:v29+s14+$0x0] =	vst.idx.msk $0xffff, v35  }
0x244: {  	v8 =	vmovc v5;
	v59 =	vmov s30;
	v37 =	vor.u32 v15, v17;
	v29 =	vor.u32 $0x2, v38;
	v31 =	vld.idx.msk [tilespmem:v31+s3+$0x0], $0xffff;
	[tilespmem:v22+s14+$0x0] =	vst.idx.msk $0xffff, v30  }
0x245: {  	s28 =	simm.s32 $0x8;
	v23 =	vor.u32 $0x3, v38;
	v45 =	vshll.u32 v59, $0x7;
	[tilespmem:v55+s14+$0x0] =	vst.idx.msk $0xffff, v34;
	v55 =	vor.u32 v15, v21;
	v36 =	vld.idx.msk [tilespmem:v61+s3+$0x0], $0xffff  }
0x246: {  	s31 =	simm.s32 $0x9;
	v10 =	vmovc v9;
	s26 =	simm.s32 $0x660;
	v35 =	vor.u32 v14, v21;
	v30 =	vmov s28;
	v22 =	vor.u32 $0x3, v33;
	v40 =	vld.idx.msk [tilespmem:v56+s3+$0x0], $0xffff;
	[tilespmem:v52+s14+$0x0] =	vst.idx.msk $0xffff, v39  }
0x247: {  	v9 =	vmovc v6;
	v5 =	vmovc v2;
	v44 =	vand.u32 $0x300, v45;
	v45 =	vld [tilespmem:s26+$0x60];
	v32 =	vshll.u32 v30, $0x8;
	v56 =	vmov s31;
	[tilespmem:v26+s14+$0x0] =	vst.idx.msk $0xffff, v62  }
0x248: {  	v6 =	vmovc v3;
	v7 =	vmovc v4;
	v30 =	vshll.u32 v30, $0x7;
	s31 =	sor.u32 $0x60, s25;
	v58 =	vand.u32 $0x7800, v32;
	v61 =	vshll.u32 v56, $0x7;
	[tilespmem:v60+s14+$0x0] =	vst.idx.msk $0xffff, v47;
	v41 =	vld [tilespmem:s24+$0xFFFFFFC0]  }
0x249: {  	v4 =	vmovc v1;
	v15 =	vmovc v51;
	v33 =	vand.u32 $0x200, v30;
	v30 =	vshll.u32 v56, $0x8;
	v38 =	vand.u32 $0x280, v61;
	v43 =	vld [tilespmem:s31+$0x400];
	[tilespmem:v53+s14+$0x0] =	vst.idx.msk $0xffff, v31  }
0x24a: {  	v39 =	vor.u32 v11, v25;
	v62 =	vshll.u32 v59, $0x8;
	v26 =	vor.u32 v33, v58;
	[tilespmem:v55+s14+$0x0] =	vst.idx.msk $0xffff, v54;
	v42 =	vld [tilespmem:s24+$0x0]  }
0x24b: {  	s29 =	simm.s32 $0xC;
	v31 =	vand.u32 $0x7800, v30;
	v30 =	vand.u32 $0x7800, v62;
	[tilespmem:v57+s14+$0x0] =	vst.idx.msk $0xffff, v40;
	v34 =	vld.idx.msk [tilespmem:v46+s3+$0x0], $0xffff;
	v40 =	vor.u32 v0, v26  }
.LBB2_8:
0x24c: {  	v46 =	vld [tilespmem:s26+$0xFFFFFFA0];
	v38 =	vor.u32 v38, v31  }
0x24d: {  	v31 =	vor.u32 v44, v30;
	v62 =	vld [tilespmem:s26+$0xFFFFFFE0];
	v44 =	vor.u32 v14, v16;
	v41 =	vshll.u32 v41, $0x2  }
0x24e: {  	v47 =	vor.u32 v14, v17;
	v29 =	vld.idx.msk [tilespmem:v29+s3+$0x0], $0xffff;
	s30 =	sadd.s32 $0x3, s28;
	v43 =	vshll.u32 v43, $0x2;
	[tilespmem:v37+s14+$0x0] =	vst.idx.msk $0xffff, v36  }
0x24f: {  	v53 =	vor.u32 v11, v19;
	v55 =	vmov s30;
	v42 =	vshll.u32 v42, $0x2;
	v63 =	vld [tilespmem:s26+$0x20]  }
0x250: {  	v56 =	vor.u32 v11, v20;
	v57 =	vshll.u32 v55, $0x8;
	v45 =	vshll.u32 v45, $0x2;
	v52 =	vld [tilespmem:s24+$0x40]  }
0x251: {  	v55 =	vshll.u32 v55, $0x7;
	v48 =	vor.u32 $0x1, v41;
	[tilespmem:v35+s14+$0x0] =	vst.idx.msk $0xffff, v34;
	v34 =	vshll.u32 v46, $0x2;
	v27 =	vld.idx.msk [tilespmem:v27+s3+$0x0], $0xffff  }
0x252: {  	v49 =	vor.u32 $0x2, v41;
	v36 =	vor.u32 $0x3, v41;
	v37 =	vshll.u32 v62, $0x2;
	v41 =	vld.idx.msk [tilespmem:v41+s3+$0x0], $0xffff  }
0x253: {  	v28 =	vmovc v32;
	v32 =	vand.u32 $0x7800, v57;
	v55 =	vand.u32 $0x380, v55;
	v50 =	vor.u32 $0x1, v42;
	v54 =	vld.idx.msk [tilespmem:v43+s3+$0x0], $0xffff  }
0x254: {  	v30 =	vmovc v33;
	v51 =	vor.u32 $0x2, v42;
	v33 =	vor.u32 $0x3, v42;
	v58 =	vor.u32 $0x1, v43;
	v42 =	vld.idx.msk [tilespmem:v42+s3+$0x0], $0xffff  }
0x255: {  	v3 =	vmovc v0;
	v35 =	vor.u32 v0, v38;
	v32 =	vor.u32 v55, v32;
	v61 =	vld.idx.msk [tilespmem:v45+s3+$0x0], $0xffff;
	v59 =	vshll.u32 v63, $0x2  }
0x256: {  	v46 =	vor.u32 v0, v31;
	v0 =	vor.u32 v0, v32;
	[tilespmem:v44+s14+$0x0] =	vst.idx.msk $0xffff, v29;
	v55 =	vld.idx.msk [tilespmem:v34+s3+$0x0], $0xffff  }
0x257: {  	v2 =	vor.u32 $0x1, v45;
	v29 =	vld.idx.msk [tilespmem:v37+s3+$0x0], $0xffff;
	[tilespmem:v39+s14+$0x0] =	vst.idx.msk $0xffff, v41  }
0x258: {  	v57 =	vor.u32 $0x1, v34;
	[tilespmem:v56+s14+$0x0] =	vst.idx.msk $0xffff, v54;
	v48 =	vld.idx.msk [tilespmem:v48+s3+$0x0], $0xffff  }
0x259: {  	[tilespmem:v53+s14+$0x0] =	vst.idx.msk $0xffff, v42;
	v42 =	vshll.u32 v52, $0x2;
	v52 =	vor.u32 v10, v20;
	v39 =	vld.idx.msk [tilespmem:v58+s3+$0x0], $0xffff  }
0x25a: {  	v60 =	vor.u32 $0x1, v37;
	v41 =	vld.idx.msk [tilespmem:v59+s3+$0x0], $0xffff;
	[tilespmem:v47+s14+$0x0] =	vst.idx.msk $0xffff, v27  }
0x25b: {  	v58 =	vor.u32 $0x2, v43;
	[tilespmem:v0+s14+$0x0] =	vst.idx.msk $0xffff, v61;
	v0 =	vor.u32 v10, v25;
	v27 =	vld.idx.msk [tilespmem:v50+s3+$0x0], $0xffff  }
0x25c: {  	v63 =	vor.u32 $0x1, v59;
	[tilespmem:v40+s14+$0x0] =	vst.idx.msk $0xffff, v55;
	v40 =	vor.u32 v10, v19;
	v2 =	vld.idx.msk [tilespmem:v2+s3+$0x0], $0xffff  }
0x25d: {  	[tilespmem:v35+s14+$0x0] =	vst.idx.msk $0xffff, v29;
	v29 =	vor.u32 v4, v32;
	v50 =	vld.idx.msk [tilespmem:v57+s3+$0x0], $0xffff  }
0x25e: {  	[tilespmem:v52+s14+$0x0] =	vst.idx.msk $0xffff, v39;
	v52 =	vld [tilespmem:$0x1FFE0]  }
0x25f: {  	v35 =	vor.u32 v4, v26;
	v55 =	vld.idx.msk [tilespmem:v60+s3+$0x0], $0xffff;
	[tilespmem:v46+s14+$0x0] =	vst.idx.msk $0xffff, v41  }
0x260: {  	v61 =	vor.u32 v4, v38;
	v60 =	vor.u32 $0x2, v45;
	[tilespmem:v0+s14+$0x0] =	vst.idx.msk $0xffff, v48;
	v41 =	vld.idx.msk [tilespmem:v58+s3+$0x0], $0xffff  }
0x261: {  	v62 =	vor.u32 $0x2, v34;
	v48 =	vor.u32 v4, v31;
	[tilespmem:v40+s14+$0x0] =	vst.idx.msk $0xffff, v27;
	v46 =	vld.idx.msk [tilespmem:v63+s3+$0x0], $0xffff  }
0x262: {  	v1 =	vor.u32 $0x2, v59;
	v27 =	vld.idx.msk [tilespmem:v42+s3+$0x0], $0xffff;
	[tilespmem:v29+s14+$0x0] =	vst.idx.msk $0xffff, v2;
	v29 =	vor.u32 v11, v18  }
0x263: {  	v44 =	vor.u32 $0x2, v37;
	v0 =	vor.u32 v52, v20  }
0x264: {  	v54 =	vor.u32 $0x3, v59;
	v53 =	vor.u32 $0x1, v42;
	v2 =	vld.idx.msk [tilespmem:v49+s3+$0x0], $0xffff;
	[tilespmem:v35+s14+$0x0] =	vst.idx.msk $0xffff, v50;
	v59 =	vor.u32 v52, v25  }
0x265: {  	v63 =	vor.u32 $0x3, v43;
	[tilespmem:v61+s14+$0x0] =	vst.idx.msk $0xffff, v55;
	v61 =	vor.u32 v5, v32;
	v58 =	vld.idx.msk [tilespmem:v60+s3+$0x0], $0xffff  }
0x266: {  	v60 =	vld.idx.msk [tilespmem:v62+s3+$0x0], $0xffff;
	v62 =	vor.u32 v5, v26;
	[tilespmem:v48+s14+$0x0] =	vst.idx.msk $0xffff, v46  }
0x267: {  	v45 =	vor.u32 $0x3, v45;
	v1 =	vld.idx.msk [tilespmem:v1+s3+$0x0], $0xffff;
	[tilespmem:v29+s14+$0x0] =	vst.idx.msk $0xffff, v27;
	v29 =	vor.u32 v5, v31  }
0x268: {  	v34 =	vor.u32 $0x3, v34;
	v44 =	vld.idx.msk [tilespmem:v44+s3+$0x0], $0xffff;
	[tilespmem:v0+s14+$0x0] =	vst.idx.msk $0xffff, v41;
	v0 =	vor.u32 v5, v38  }
0x269: {  	[tilespmem:v59+s14+$0x0] =	vst.idx.msk $0xffff, v2;
	v2 =	vld.idx.msk [tilespmem:v53+s3+$0x0], $0xffff  }
0x26a: {  	v37 =	vor.u32 $0x3, v37;
	v46 =	vor.u32 v10, v18;
	v40 =	vld.idx.msk [tilespmem:v63+s3+$0x0], $0xffff;
	[tilespmem:v61+s14+$0x0] =	vst.idx.msk $0xffff, v58  }
0x26b: {  	v56 =	vor.u32 $0x2, v42;
	v27 =	vor.u32 v13, v20;
	v63 =	vld.idx.msk [tilespmem:v51+s3+$0x0], $0xffff;
	[tilespmem:v62+s14+$0x0] =	vst.idx.msk $0xffff, v60  }
0x26c: {  	v48 =	vor.u32 v52, v19;
	v41 =	vld.idx.msk [tilespmem:v45+s3+$0x0], $0xffff;
	[tilespmem:v29+s14+$0x0] =	vst.idx.msk $0xffff, v1  }
0x26d: {  	v34 =	vld.idx.msk [tilespmem:v34+s3+$0x0], $0xffff;
	[tilespmem:v0+s14+$0x0] =	vst.idx.msk $0xffff, v44;
	v0 =	vor.u32 v6, v32  }
0x26e: {  	v49 =	vor.u32 v6, v26;
	v29 =	vld.idx.msk [tilespmem:v54+s3+$0x0], $0xffff  }
0x26f: {  	[tilespmem:v46+s14+$0x0] =	vst.idx.msk $0xffff, v2;
	v2 =	vor.u32 v6, v31;
	v37 =	vld.idx.msk [tilespmem:v37+s3+$0x0], $0xffff  }
0x270: {  	s31 =	sor.u32 $0x70, s25;
	[tilespmem:v27+s14+$0x0] =	vst.idx.msk $0xffff, v40;
	v27 =	vor.u32 v6, v38;
	v50 =	vld.idx.msk [tilespmem:v56+s3+$0x0], $0xffff  }
0x271: {  	s25 =	sadd.s32 $0x100, s25;
	[tilespmem:v48+s14+$0x0] =	vst.idx.msk $0xffff, v63;
	v1 =	vld [tilespmem:s31+$0x400]  }
0x272: {  	v51 =	vor.u32 v52, v18;
	s31 =	sor.u32 $0x50, s25;
	[tilespmem:v0+s14+$0x0] =	vst.idx.msk $0xffff, v41;
	v0 =	vld.idx.msk [tilespmem:v36+s3+$0x0], $0xffff  }
0x273: {  	v47 =	vor.u32 $0x3, v42;
	v53 =	vor.u32 v13, v25;
	[tilespmem:v49+s14+$0x0] =	vst.idx.msk $0xffff, v34;
	v52 =	vld [tilespmem:s31+$0x400]  }
0x274: {  	[tilespmem:v2+s14+$0x0] =	vst.idx.msk $0xffff, v29;
	v54 =	vld [tilespmem:s26+$0xFFFFFFB0]  }
0x275: {  	[tilespmem:v27+s14+$0x0] =	vst.idx.msk $0xffff, v37;
	v29 =	vld [tilespmem:s26+$0x30]  }
0x276: {  	v55 =	vor.u32 v13, v19;
	v1 =	vshll.u32 v1, $0x2;
	v2 =	vld.idx.msk [tilespmem:v33+s3+$0x0], $0xffff  }
0x277: {  	[tilespmem:v51+s14+$0x0] =	vst.idx.msk $0xffff, v50;
	v27 =	vld [tilespmem:s26+$0xFFFFFFF0]  }
0x278: {  	[tilespmem:v53+s14+$0x0] =	vst.idx.msk $0xffff, v0;
	v0 =	vld.idx.msk [tilespmem:v47+s3+$0x0], $0xffff;
	v36 =	vshll.u32 v52, $0x2  }
0x279: {  	v57 =	vor.u32 v13, v18;
	v56 =	vshll.u32 v54, $0x2;
	v59 =	vld [tilespmem:s24+$0xFFFFFFD0]  }
0x27a: {  	v63 =	vld.idx.msk [tilespmem:v24+s3+$0x0], $0xffff;
	v29 =	vshll.u32 v29, $0x2  }
0x27b: {  	v58 =	vld.idx.msk [tilespmem:v1+s3+$0x0], $0xffff;
	[tilespmem:v55+s14+$0x0] =	vst.idx.msk $0xffff, v2  }
0x27c: {  	v61 =	vor.u32 v15, v20;
	v27 =	vshll.u32 v27, $0x2;
	v2 =	vld.idx.msk [tilespmem:v23+s3+$0x0], $0xffff  }
0x27d: {  	v35 =	vor.u32 v12, v21;
	v62 =	vor.u32 $0x1, v1;
	v50 =	vld.idx.msk [tilespmem:v36+s3+$0x0], $0xffff  }
0x27e: {  	v40 =	vor.u32 v12, v16;
	v53 =	vor.u32 v7, v32;
	[tilespmem:v57+s14+$0x0] =	vst.idx.msk $0xffff, v0;
	v51 =	vld.idx.msk [tilespmem:v56+s3+$0x0], $0xffff  }
0x27f: {  	v21 =	vmovc v25;
	v49 =	vor.u32 $0x2, v29;
	v52 =	vor.u32 $0x3, v29;
	v23 =	vor.u32 $0x1, v29;
	v29 =	vld.idx.msk [tilespmem:v29+s3+$0x0], $0xffff  }
0x280: {  	v16 =	vmovc v19;
	v19 =	vmovc v38;
	v41 =	vor.u32 $0x1, v56;
	v38 =	vor.u32 $0x2, v56;
	v47 =	vor.u32 $0x3, v56;
	v56 =	vld [tilespmem:$0x1FFC0]  }
0x281: {  	v25 =	vor.u32 v7, v26;
	v60 =	vor.u32 $0x1, v36;
	v44 =	vor.u32 $0x1, v27;
	v0 =	vld.idx.msk [tilespmem:v27+s3+$0x0], $0xffff;
	[tilespmem:v61+s14+$0x0] =	vst.idx.msk $0xffff, v58  }
0x282: {  	v48 =	vor.u32 $0x2, v27;
	v33 =	vor.u32 $0x3, v27;
	v27 =	vor.u32 v7, v19;
	v43 =	vld.idx.msk [tilespmem:v62+s3+$0x0], $0xffff  }
0x283: {  	v42 =	vshll.u32 v59, $0x2;
	[tilespmem:v35+s14+$0x0] =	vst.idx.msk $0xffff, v63;
	v62 =	vld [tilespmem:s24+$0x10]  }
0x284: {  	v61 =	vor.u32 v7, v31;
	[tilespmem:v40+s14+$0x0] =	vst.idx.msk $0xffff, v2;
	v2 =	vld [tilespmem:s24+$0x50]  }
0x285: {  	v45 =	vor.u32 v56, v20;
	[tilespmem:v53+s14+$0x0] =	vst.idx.msk $0xffff, v50;
	v50 =	vld [tilespmem:$0x1FFF0]  }
0x286: {  	v63 =	vor.u32 $0x2, v1;
	[tilespmem:v25+s14+$0x0] =	vst.idx.msk $0xffff, v51;
	v25 =	vld.idx.msk [tilespmem:v60+s3+$0x0], $0xffff  }
0x287: {  	v39 =	vor.u32 $0x1, v42;
	v34 =	vor.u32 $0x2, v42;
	v57 =	vld.idx.msk [tilespmem:v41+s3+$0x0], $0xffff;
	[tilespmem:v27+s14+$0x0] =	vst.idx.msk $0xffff, v0;
	v0 =	vor.u32 v8, v32  }
0x288: {  	v24 =	vor.u32 $0x3, v42;
	v58 =	vor.u32 v8, v26;
	v60 =	vor.u32 $0x2, v36;
	v42 =	vld.idx.msk [tilespmem:v42+s3+$0x0], $0xffff  }
0x289: {  	v59 =	vor.u32 v8, v19;
	[tilespmem:v61+s14+$0x0] =	vst.idx.msk $0xffff, v29;
	v44 =	vld.idx.msk [tilespmem:v44+s3+$0x0], $0xffff  }
0x28a: {  	v37 =	vor.u32 v15, v21;
	[tilespmem:v45+s14+$0x0] =	vst.idx.msk $0xffff, v43;
	v43 =	vshll.u32 v62, $0x2;
	v62 =	vld.idx.msk [tilespmem:v23+s3+$0x0], $0xffff  }
0x28b: {  	v61 =	vor.u32 v8, v31;
	v45 =	vld.idx.msk [tilespmem:v63+s3+$0x0], $0xffff  }
0x28c: {  	v63 =	vor.u32 v14, v20;
	[tilespmem:v0+s14+$0x0] =	vst.idx.msk $0xffff, v25;
	v0 =	vld.idx.msk [tilespmem:v22+s3+$0x0], $0xffff  }
0x28d: {  	v1 =	vor.u32 $0x3, v1;
	v51 =	vor.u32 v12, v17;
	v17 =	vmov v18;
	[tilespmem:v58+s14+$0x0] =	vst.idx.msk $0xffff, v57;
	v25 =	vld.idx.msk [tilespmem:v60+s3+$0x0], $0xffff  }
0x28e: {  	v18 =	vmov v31;
	v2 =	vshll.u32 v2, $0x2;
	v57 =	vor.u32 v9, v32;
	v31 =	vld.idx.msk [tilespmem:v38+s3+$0x0], $0xffff;
	[tilespmem:v59+s14+$0x0] =	vst.idx.msk $0xffff, v44  }
0x28f: {  	v36 =	vor.u32 $0x3, v36;
	v58 =	vor.u32 v9, v26;
	[tilespmem:v37+s14+$0x0] =	vst.idx.msk $0xffff, v42;
	v44 =	vld.idx.msk [tilespmem:v48+s3+$0x0], $0xffff  }
0x290: {  	v59 =	vor.u32 v9, v19;
	[tilespmem:v61+s14+$0x0] =	vst.idx.msk $0xffff, v62;
	v62 =	vld.idx.msk [tilespmem:v43+s3+$0x0], $0xffff  }
0x291: {  	v61 =	vor.u32 v9, v18;
	[tilespmem:v63+s14+$0x0] =	vst.idx.msk $0xffff, v45;
	v35 =	vld.idx.msk [tilespmem:v49+s3+$0x0], $0xffff  }
0x292: {  	v55 =	vor.u32 $0x1, v2;
	[tilespmem:v51+s14+$0x0] =	vst.idx.msk $0xffff, v0;
	v0 =	vor.u32 v15, v16;
	v1 =	vld.idx.msk [tilespmem:v1+s3+$0x0], $0xffff  }
0x293: {  	v27 =	vor.u32 $0x2, v2;
	v22 =	vor.u32 $0x3, v2;
	v60 =	vor.u32 v12, v20;
	[tilespmem:v57+s14+$0x0] =	vst.idx.msk $0xffff, v25;
	v2 =	vld.idx.msk [tilespmem:v2+s3+$0x0], $0xffff  }
0x294: {  	v53 =	vor.u32 $0x1, v43;
	[tilespmem:v58+s14+$0x0] =	vst.idx.msk $0xffff, v31;
	v31 =	vor.u32 v15, v17;
	v25 =	vld.idx.msk [tilespmem:v36+s3+$0x0], $0xffff  }
0x295: {  	v29 =	vor.u32 $0x2, v43;
	v26 =	vor.u32 v50, v26;
	v20 =	vmov v32;
	v63 =	vld.idx.msk [tilespmem:v47+s3+$0x0], $0xffff;
	[tilespmem:v59+s14+$0x0] =	vst.idx.msk $0xffff, v44  }
0x296: {  	v37 =	vor.u32 v56, v17;
	v51 =	vor.u32 v50, v20;
	v54 =	vld.idx.msk [tilespmem:v39+s3+$0x0], $0xffff;
	[tilespmem:v61+s14+$0x0] =	vst.idx.msk $0xffff, v35  }
0x297: {  	v58 =	vor.u32 v56, v21;
	v44 =	vor.u32 v50, v19;
	v40 =	vld.idx.msk [tilespmem:v33+s3+$0x0], $0xffff;
	[tilespmem:v0+s14+$0x0] =	vst.idx.msk $0xffff, v62  }
0x298: {  	v59 =	vor.u32 v50, v18;
	v61 =	vor.u32 v56, v16;
	[tilespmem:v60+s14+$0x0] =	vst.idx.msk $0xffff, v1;
	v1 =	vmov s29;
	v57 =	vld.idx.msk [tilespmem:v52+s3+$0x0], $0xffff  }
0x299: {  	s31 =	sadd.s32 $0x1, s29;
	v23 =	vor.u32 $0x3, v43;
	v35 =	vor.u32 v14, v21;
	v60 =	vld.idx.msk [tilespmem:v53+s3+$0x0], $0xffff;
	[tilespmem:v31+s14+$0x0] =	vst.idx.msk $0xffff, v2;
	v32 =	vshll.u32 v1, $0x8  }
0x29a: {  	p2 =	slt.u32 s29, $0x7C;
	v0 =	vshll.u32 v1, $0x7;
	v1 =	vmov s31;
	s31 =	sadd.s32 $0x2, s29;
	v36 =	vld.idx.msk [tilespmem:v55+s3+$0x0], $0xffff;
	[tilespmem:v26+s14+$0x0] =	vst.idx.msk $0xffff, v63;
	v2 =	vand.u32 $0x7800, v32  }
.Ltmp7:
0x29b: {  	[tilespmem:v51+s14+$0x0] =	vst.idx.msk $0xffff, v25;
	v31 =	vmov s31;
	s31 =	sor.u32 $0x60, s25;
	v33 =	vand.u32 $0x200, v0;
	v25 =	vshll.u32 v1, $0x8;
	v41 =	vld [tilespmem:s26+$0xFFFFFFC0];
	(pc) =	sbr.rel @p2 .LBB2_8-.Ltmp7, $4  }
0x29c: {  	v1 =	vshll.u32 v1, $0x7;
	[tilespmem:v44+s14+$0x0] =	vst.idx.msk $0xffff, v40;
	v43 =	vld [tilespmem:s31+$0x400];
	v62 =	vshll.u32 v31, $0x8;
	v63 =	vshll.u32 v31, $0x7  }
0x29d: {  	[tilespmem:v58+s14+$0x0] =	vst.idx.msk $0xffff, v54;
	v26 =	vor.u32 v33, v2;
	v31 =	vand.u32 $0x7800, v25;
	v25 =	vor.u32 v30, v28;
	v42 =	vld [tilespmem:s26+$0x0]  }
0x29e: {  	s24 =	smov.u32 s26;
	v38 =	vand.u32 $0x280, v1;
	s26 =	sadd.s32 $0x100, s26;
	v34 =	vld.idx.msk [tilespmem:v34+s3+$0x0], $0xffff;
	v0 =	vmov v3;
	v30 =	vand.u32 $0x7800, v62;
	[tilespmem:v59+s14+$0x0] =	vst.idx.msk $0xffff, v57  }
0x29f: {  	s28 =	smov.u32 s29;
	s29 =	sadd.s32 $0x4, s29;
	v40 =	vor.u32 v3, v26;
	v44 =	vand.u32 $0x300, v63;
	v45 =	vld [tilespmem:s26+$0x60];
	v39 =	vor.u32 v11, v25;
	[tilespmem:v61+s14+$0x0] =	vst.idx.msk $0xffff, v60  }
0x2a0: {  	_ =	sdelay $0x1  }
0x2a1: {  	v2 =	vld [tilespmem:s26+$0xFFFFFFA0]  }
0x2a2: {  	v46 =	vld [tilespmem:s26+$0x20]  }
0x2a3: {  	s28 =	sadd.s32 $0x3, s28;
	v62 =	vld [tilespmem:s26+$0xFFFFFFE0];
	v0 =	vshll.u32 v45, $0x2  }
0x2a4: {  	v1 =	vmov s28  }
0x2a5: {  	v28 =	vshll.u32 v1, $0x8;
	v1 =	vshll.u32 v1, $0x7  }
0x2a6: {  	v28 =	vand.u32 $0x7800, v28;
	v1 =	vand.u32 $0x380, v1;
	v2 =	vshll.u32 v2, $0x2  }
0x2a7: {  	v28 =	vor.u32 v1, v28;
	v46 =	vshll.u32 v46, $0x2  }
0x2a8: {  	v47 =	vor.u32 v3, v28;
	v45 =	vshll.u32 v62, $0x2;
	v1 =	vld.idx.msk [tilespmem:v0+s3+$0x0], $0xffff  }
0x2a9: {  	v48 =	vor.u32 $0x1, v0;
	_ =	sdelay $0x1  }
0x2aa: {  	v30 =	vor.u32 v44, v30;
	v58 =	vld.idx.msk [tilespmem:v2+s3+$0x0], $0xffff  }
0x2ab: {  	v31 =	vor.u32 v38, v31;
	v51 =	vor.u32 v3, v30;
	v53 =	vld.idx.msk [tilespmem:v46+s3+$0x0], $0xffff  }
0x2ac: {  	v59 =	vor.u32 v3, v31;
	v54 =	vor.u32 $0x1, v46;
	v50 =	vld.idx.msk [tilespmem:v45+s3+$0x0], $0xffff;
	[tilespmem:v47+s14+$0x0] =	vst.idx.msk $0xffff, v1  }
0x2ad: {  	v63 =	vor.u32 v4, v28;
	v49 =	vor.u32 $0x1, v2;
	v1 =	vld.idx.msk [tilespmem:v48+s3+$0x0], $0xffff  }
0x2ae: {  	v57 =	vor.u32 $0x2, v0  }
0x2af: {  	v52 =	vor.u32 $0x1, v45;
	[tilespmem:v40+s14+$0x0] =	vst.idx.msk $0xffff, v58  }
0x2b0: {  	[tilespmem:v51+s14+$0x0] =	vst.idx.msk $0xffff, v53  }
0x2b1: {  	[tilespmem:v59+s14+$0x0] =	vst.idx.msk $0xffff, v50;
	v58 =	vor.u32 v4, v30;
	v51 =	vld.idx.msk [tilespmem:v54+s3+$0x0], $0xffff  }
0x2b2: {  	v61 =	vor.u32 v4, v26;
	v59 =	vor.u32 $0x2, v46;
	v38 =	vld.idx.msk [tilespmem:v49+s3+$0x0], $0xffff;
	[tilespmem:v63+s14+$0x0] =	vst.idx.msk $0xffff, v1  }
0x2b3: {  	v60 =	vor.u32 v5, v28;
	v62 =	vor.u32 $0x2, v2;
	v1 =	vld.idx.msk [tilespmem:v57+s3+$0x0], $0xffff  }
0x2b4: {  	v56 =	vor.u32 v4, v31;
	v0 =	vor.u32 $0x3, v0;
	v63 =	vld.idx.msk [tilespmem:v52+s3+$0x0], $0xffff  }
0x2b5: {  	v57 =	vor.u32 $0x2, v45  }
0x2b6: {  	[tilespmem:v58+s14+$0x0] =	vst.idx.msk $0xffff, v51  }
0x2b7: {  	v53 =	vor.u32 v5, v30;
	[tilespmem:v61+s14+$0x0] =	vst.idx.msk $0xffff, v38;
	v52 =	vld.idx.msk [tilespmem:v59+s3+$0x0], $0xffff  }
0x2b8: {  	v40 =	vshll.u32 v43, $0x2;
	v61 =	vor.u32 v5, v26;
	[tilespmem:v60+s14+$0x0] =	vst.idx.msk $0xffff, v1;
	v60 =	vld.idx.msk [tilespmem:v62+s3+$0x0], $0xffff  }
0x2b9: {  	v2 =	vor.u32 $0x3, v2;
	[tilespmem:v56+s14+$0x0] =	vst.idx.msk $0xffff, v63;
	v1 =	vor.u32 v6, v28;
	v0 =	vld.idx.msk [tilespmem:v0+s3+$0x0], $0xffff  }
0x2ba: {  	v46 =	vor.u32 $0x3, v46;
	v63 =	vor.u32 v5, v31;
	v62 =	vld.idx.msk [tilespmem:v57+s3+$0x0], $0xffff  }
0x2bb: {  	v45 =	vor.u32 $0x3, v45  }
0x2bc: {  	v38 =	vshll.u32 v42, $0x2;
	[tilespmem:v53+s14+$0x0] =	vst.idx.msk $0xffff, v52  }
0x2bd: {  	v54 =	vld.idx.msk [tilespmem:v40+s3+$0x0], $0xffff;
	[tilespmem:v61+s14+$0x0] =	vst.idx.msk $0xffff, v60  }
0x2be: {  	v57 =	vor.u32 v6, v26;
	[tilespmem:v1+s14+$0x0] =	vst.idx.msk $0xffff, v0;
	v1 =	vshll.u32 v41, $0x2;
	v2 =	vld.idx.msk [tilespmem:v2+s3+$0x0], $0xffff  }
0x2bf: {  	v55 =	vor.u32 v11, v20;
	v46 =	vld.idx.msk [tilespmem:v46+s3+$0x0], $0xffff;
	[tilespmem:v63+s14+$0x0] =	vst.idx.msk $0xffff, v62  }
0x2c0: {  	s30 =	sadd.s32 $0x100, s25;
	v58 =	vor.u32 v6, v31;
	v56 =	vor.u32 $0x1, v40;
	v45 =	vld.idx.msk [tilespmem:v45+s3+$0x0], $0xffff  }
0x2c1: {  	s29 =	sor.u32 $0x50, s30;
	v59 =	vor.u32 v6, v30;
	v61 =	vld.idx.msk [tilespmem:v38+s3+$0x0], $0xffff  }
0x2c2: {  	v0 =	vld [tilespmem:s29+$0x400]  }
0x2c3: {  	v60 =	vld.idx.msk [tilespmem:v1+s3+$0x0], $0xffff;
	[tilespmem:v57+s14+$0x0] =	vst.idx.msk $0xffff, v2  }
0x2c4: {  	[tilespmem:v55+s14+$0x0] =	vst.idx.msk $0xffff, v54;
	v62 =	vor.u32 $0x1, v1;
	v2 =	vld [tilespmem:s26+$0xFFFFFFB0]  }
0x2c5: {  	v41 =	vld.idx.msk [tilespmem:v56+s3+$0x0], $0xffff;
	[tilespmem:v58+s14+$0x0] =	vst.idx.msk $0xffff, v45  }
0x2c6: {  	v63 =	vor.u32 v11, v19;
	[tilespmem:v59+s14+$0x0] =	vst.idx.msk $0xffff, v46;
	v54 =	vld [tilespmem:s26+$0xFFFFFFF0]  }
0x2c7: {  	v55 =	vor.u32 $0x1, v38;
	v56 =	vor.u32 v10, v20;
	v57 =	vld [tilespmem:s26+$0x30]  }
0x2c8: {  	v58 =	vld [tilespmem:s24+$0x40];
	v0 =	vshll.u32 v0, $0x2;
	[tilespmem:v39+s14+$0x0] =	vst.idx.msk $0xffff, v60  }
0x2c9: {  	v60 =	vor.u32 v10, v25;
	v2 =	vshll.u32 v2, $0x2;
	v39 =	vld.idx.msk [tilespmem:v62+s3+$0x0], $0xffff;
	_ =	sdelay $0x1  }
0x2ca: {  	[tilespmem:v63+s14+$0x0] =	vst.idx.msk $0xffff, v61;
	v42 =	vshll.u32 v54, $0x2  }
0x2cb: {  	v43 =	vld.idx.msk [tilespmem:v55+s3+$0x0], $0xffff;
	[tilespmem:v56+s14+$0x0] =	vst.idx.msk $0xffff, v41;
	v41 =	vshll.u32 v57, $0x2  }
0x2cc: {  	v49 =	vor.u32 v7, v28;
	v44 =	vshll.u32 v58, $0x2;
	v48 =	vld.idx.msk [tilespmem:v0+s3+$0x0], $0xffff  }
0x2cd: {  	v50 =	vor.u32 v7, v26;
	v52 =	vor.u32 $0x1, v0;
	v51 =	vld.idx.msk [tilespmem:v2+s3+$0x0], $0xffff;
	[tilespmem:v60+s14+$0x0] =	vst.idx.msk $0xffff, v39  }
0x2ce: {  	v59 =	vor.u32 $0x2, v40;
	v60 =	vld [tilespmem:$0x1FFE0]  }
0x2cf: {  	v55 =	vor.u32 v7, v31;
	v53 =	vor.u32 $0x1, v2;
	v54 =	vld.idx.msk [tilespmem:v42+s3+$0x0], $0xffff  }
0x2d0: {  	v58 =	vor.u32 v7, v30;
	v57 =	vld.idx.msk [tilespmem:v41+s3+$0x0], $0xffff  }
0x2d1: {  	v62 =	vor.u32 v11, v18;
	v45 =	vld.idx.msk [tilespmem:v44+s3+$0x0], $0xffff;
	[tilespmem:v49+s14+$0x0] =	vst.idx.msk $0xffff, v48  }
0x2d2: {  	v63 =	vor.u32 v8, v28;
	v56 =	vor.u32 $0x1, v42;
	[tilespmem:v50+s14+$0x0] =	vst.idx.msk $0xffff, v51;
	v50 =	vld.idx.msk [tilespmem:v52+s3+$0x0], $0xffff  }
0x2d3: {  	v46 =	vld.idx.msk [tilespmem:v59+s3+$0x0], $0xffff;
	v59 =	vor.u32 $0x1, v41;
	v61 =	vor.u32 v60, v20  }
0x2d4: {  	[tilespmem:v55+s14+$0x0] =	vst.idx.msk $0xffff, v54;
	v54 =	vor.u32 $0x2, v0;
	v52 =	vld.idx.msk [tilespmem:v53+s3+$0x0], $0xffff;
	v53 =	vor.u32 v8, v26  }
0x2d5: {  	v40 =	vor.u32 $0x3, v40;
	[tilespmem:v58+s14+$0x0] =	vst.idx.msk $0xffff, v57  }
0x2d6: {  	[tilespmem:v62+s14+$0x0] =	vst.idx.msk $0xffff, v45;
	v45 =	vor.u32 v10, v19;
	v55 =	vor.u32 $0x2, v2  }
0x2d7: {  	v57 =	vor.u32 v8, v31;
	v56 =	vld.idx.msk [tilespmem:v56+s3+$0x0], $0xffff;
	[tilespmem:v63+s14+$0x0] =	vst.idx.msk $0xffff, v50  }
0x2d8: {  	v58 =	vld.idx.msk [tilespmem:v59+s3+$0x0], $0xffff;
	[tilespmem:v61+s14+$0x0] =	vst.idx.msk $0xffff, v46;
	v61 =	vor.u32 v8, v30  }
0x2d9: {  	[tilespmem:v53+s14+$0x0] =	vst.idx.msk $0xffff, v52;
	v52 =	vld.idx.msk [tilespmem:v54+s3+$0x0], $0xffff;
	v53 =	vor.u32 v9, v28  }
0x2da: {  	v63 =	vor.u32 v13, v20;
	v40 =	vld.idx.msk [tilespmem:v40+s3+$0x0], $0xffff  }
0x2db: {  	v59 =	vor.u32 v9, v26;
	[tilespmem:v45+s14+$0x0] =	vst.idx.msk $0xffff, v43;
	v54 =	vld.idx.msk [tilespmem:v55+s3+$0x0], $0xffff  }
0x2dc: {  	[tilespmem:v57+s14+$0x0] =	vst.idx.msk $0xffff, v56  }
0x2dd: {  	v39 =	vor.u32 $0x2, v42;
	[tilespmem:v61+s14+$0x0] =	vst.idx.msk $0xffff, v58  }
0x2de: {  	v47 =	vor.u32 $0x2, v1;
	[tilespmem:v53+s14+$0x0] =	vst.idx.msk $0xffff, v52  }
0x2df: {  	v62 =	vor.u32 $0x2, v41;
	[tilespmem:v63+s14+$0x0] =	vst.idx.msk $0xffff, v40  }
0x2e0: {  	v49 =	vor.u32 $0x1, v44;
	[tilespmem:v59+s14+$0x0] =	vst.idx.msk $0xffff, v54  }
0x2e1: {  	v0 =	vor.u32 $0x3, v0;
	v54 =	vld [tilespmem:$0x1FFF0]  }
0x2e2: {  	v2 =	vor.u32 $0x3, v2;
	v39 =	vld.idx.msk [tilespmem:v39+s3+$0x0], $0xffff;
	v61 =	vor.u32 v9, v31  }
0x2e3: {  	v47 =	vld.idx.msk [tilespmem:v47+s3+$0x0], $0xffff;
	v58 =	vor.u32 v60, v25  }
0x2e4: {  	v42 =	vor.u32 $0x3, v42;
	v43 =	vld.idx.msk [tilespmem:v62+s3+$0x0], $0xffff;
	v62 =	vor.u32 v9, v30  }
0x2e5: {  	v41 =	vor.u32 $0x3, v41;
	v49 =	vld.idx.msk [tilespmem:v49+s3+$0x0], $0xffff;
	v63 =	vor.u32 v10, v18  }
0x2e6: {  	v50 =	vor.u32 $0x2, v38;
	v0 =	vld.idx.msk [tilespmem:v0+s3+$0x0], $0xffff;
	v59 =	vor.u32 v54, v28  }
0x2e7: {  	s31 =	sor.u32 $0x70, s25;
	v2 =	vld.idx.msk [tilespmem:v2+s3+$0x0], $0xffff;
	[tilespmem:v61+s14+$0x0] =	vst.idx.msk $0xffff, v39;
	v61 =	vor.u32 v54, v26  }
0x2e8: {  	v1 =	vor.u32 $0x3, v1;
	v52 =	vld [tilespmem:s31+$0x400];
	[tilespmem:v58+s14+$0x0] =	vst.idx.msk $0xffff, v47  }
0x2e9: {  	[tilespmem:v62+s14+$0x0] =	vst.idx.msk $0xffff, v43;
	v39 =	vld.idx.msk [tilespmem:v42+s3+$0x0], $0xffff;
	v62 =	vor.u32 v54, v31  }
0x2ea: {  	[tilespmem:v63+s14+$0x0] =	vst.idx.msk $0xffff, v49;
	v63 =	vld.idx.msk [tilespmem:v41+s3+$0x0], $0xffff;
	v49 =	vor.u32 v54, v30  }
0x2eb: {  	s29 =	sor.u32 $0x60, s30;
	v48 =	vld.idx.msk [tilespmem:v50+s3+$0x0], $0xffff;
	[tilespmem:v59+s14+$0x0] =	vst.idx.msk $0xffff, v0  }
0x2ec: {  	v0 =	vor.u32 v60, v19;
	[tilespmem:v61+s14+$0x0] =	vst.idx.msk $0xffff, v2;
	v2 =	vld [tilespmem:s29+$0x400]  }
0x2ed: {  	v1 =	vld.idx.msk [tilespmem:v1+s3+$0x0], $0xffff;
	v41 =	vshll.u32 v52, $0x2;
	v61 =	vor.u32 v13, v25  }
0x2ee: {  	[tilespmem:v62+s14+$0x0] =	vst.idx.msk $0xffff, v39;
	v58 =	vld [tilespmem:s26+$0xFFFFFFC0]  }
0x2ef: {  	v57 =	vor.u32 $0x2, v44;
	[tilespmem:v49+s14+$0x0] =	vst.idx.msk $0xffff, v63;
	v42 =	vld [tilespmem:s26+$0x0]  }
0x2f0: {  	v62 =	vld [tilespmem:s26+$0x40]  }
0x2f1: {  	[tilespmem:v0+s14+$0x0] =	vst.idx.msk $0xffff, v48;
	v0 =	vshll.u32 v2, $0x2  }
0x2f2: {  	v56 =	vor.u32 $0x3, v38;
	v63 =	vor.u32 v15, v20;
	[tilespmem:v61+s14+$0x0] =	vst.idx.msk $0xffff, v1;
	v1 =	vld.idx.msk [tilespmem:v41+s3+$0x0], $0xffff  }
0x2f3: {  	[tilespmem:v37+s14+$0x0] =	vst.idx.msk $0xffff, v36;
	v36 =	vshll.u32 v58, $0x2  }
0x2f4: {  	v55 =	vld.idx.msk [tilespmem:v57+s3+$0x0], $0xffff;
	v57 =	vor.u32 v60, v18;
	v38 =	vshll.u32 v42, $0x2  }
0x2f5: {  	v39 =	vshll.u32 v62, $0x2  }
0x2f6: {  	v26 =	vor.u32 v33, v32;
	v52 =	vor.u32 v11, v28;
	v59 =	vor.u32 $0x3, v44;
	v32 =	vld.idx.msk [tilespmem:v0+s3+$0x0], $0xffff  }
0x2f7: {  	v2 =	vld.idx.msk [tilespmem:v56+s3+$0x0], $0xffff;
	[tilespmem:v63+s14+$0x0] =	vst.idx.msk $0xffff, v1;
	v1 =	vor.u32 v13, v19  }
0x2f8: {  	v53 =	vor.u32 v11, v26;
	v45 =	vld.idx.msk [tilespmem:v36+s3+$0x0], $0xffff  }
0x2f9: {  	v43 =	vor.u32 $0x1, v41;
	[tilespmem:v57+s14+$0x0] =	vst.idx.msk $0xffff, v55;
	v57 =	vor.u32 v11, v31;
	v58 =	vld.idx.msk [tilespmem:v38+s3+$0x0], $0xffff  }
0x2fa: {  	[tilespmem:v35+s14+$0x0] =	vst.idx.msk $0xffff, v34;
	v62 =	vor.u32 v11, v30;
	v55 =	vor.u32 $0x1, v0;
	v61 =	vld.idx.msk [tilespmem:v39+s3+$0x0], $0xffff  }
0x2fb: {  	v37 =	vld.idx.msk [tilespmem:v59+s3+$0x0], $0xffff;
	v56 =	vor.u32 $0x1, v36;
	[tilespmem:v52+s14+$0x0] =	vst.idx.msk $0xffff, v32;
	v52 =	vor.u32 v13, v18  }
0x2fc: {  	v29 =	vld.idx.msk [tilespmem:v29+s3+$0x0], $0xffff;
	[tilespmem:v1+s14+$0x0] =	vst.idx.msk $0xffff, v2  }
0x2fd: {  	v40 =	vld [tilespmem:s24+$0xFFFFFFD0];
	v59 =	vor.u32 $0x1, v38;
	[tilespmem:v53+s14+$0x0] =	vst.idx.msk $0xffff, v45  }
0x2fe: {  	v63 =	vor.u32 $0x1, v39;
	v33 =	vld.idx.msk [tilespmem:v43+s3+$0x0], $0xffff;
	[tilespmem:v57+s14+$0x0] =	vst.idx.msk $0xffff, v58  }
0x2ff: {  	[tilespmem:v62+s14+$0x0] =	vst.idx.msk $0xffff, v61;
	v53 =	vld.idx.msk [tilespmem:v55+s3+$0x0], $0xffff;
	v55 =	vor.u32 v10, v28  }
0x300: {  	v45 =	vld.idx.msk [tilespmem:v56+s3+$0x0], $0xffff;
	v56 =	vor.u32 $0x2, v0;
	[tilespmem:v52+s14+$0x0] =	vst.idx.msk $0xffff, v37  }
0x301: {  	v57 =	vor.u32 v10, v26;
	v50 =	vld [tilespmem:$0x1FFC0]  }
0x302: {  	v58 =	vor.u32 $0x2, v36;
	v34 =	vld.idx.msk [tilespmem:v59+s3+$0x0], $0xffff;
	v59 =	vor.u32 v10, v31  }
0x303: {  	v1 =	vor.u32 $0x2, v38;
	v61 =	vor.u32 v10, v30;
	v2 =	vld.idx.msk [tilespmem:v63+s3+$0x0], $0xffff  }
0x304: {  	v63 =	vor.u32 $0x2, v39;
	v37 =	vld [tilespmem:s24+$0x10];
	[tilespmem:v55+s14+$0x0] =	vst.idx.msk $0xffff, v53  }
0x305: {  	v55 =	vor.u32 v60, v28;
	v53 =	vld.idx.msk [tilespmem:v56+s3+$0x0], $0xffff  }
0x306: {  	v40 =	vshll.u32 v40, $0x2;
	v52 =	vld [tilespmem:s24+$0x50];
	[tilespmem:v57+s14+$0x0] =	vst.idx.msk $0xffff, v45;
	v62 =	vor.u32 v50, v20  }
0x307: {  	v0 =	vor.u32 $0x3, v0;
	[tilespmem:v59+s14+$0x0] =	vst.idx.msk $0xffff, v34;
	v57 =	vor.u32 v60, v26;
	v56 =	vld.idx.msk [tilespmem:v58+s3+$0x0], $0xffff  }
0x308: {  	[tilespmem:v61+s14+$0x0] =	vst.idx.msk $0xffff, v2;
	v2 =	vor.u32 $0x3, v36;
	v1 =	vld.idx.msk [tilespmem:v1+s3+$0x0], $0xffff;
	v58 =	vor.u32 v60, v31  }
0x309: {  	v59 =	vor.u32 $0x3, v38;
	v61 =	vld.idx.msk [tilespmem:v63+s3+$0x0], $0xffff;
	v63 =	vor.u32 v14, v16  }
0x30a: {  	v27 =	vld.idx.msk [tilespmem:v27+s3+$0x0], $0xffff;
	[tilespmem:v55+s14+$0x0] =	vst.idx.msk $0xffff, v53  }
0x30b: {  	v51 =	vor.u32 $0x2, v41;
	v48 =	vld.idx.msk [tilespmem:v40+s3+$0x0], $0xffff;
	[tilespmem:v62+s14+$0x0] =	vst.idx.msk $0xffff, v33;
	v62 =	vor.u32 v60, v30  }
0x30c: {  	v39 =	vor.u32 $0x3, v39;
	[tilespmem:v57+s14+$0x0] =	vst.idx.msk $0xffff, v56;
	v0 =	vld.idx.msk [tilespmem:v0+s3+$0x0], $0xffff  }
0x30d: {  	v37 =	vshll.u32 v37, $0x2;
	[tilespmem:v58+s14+$0x0] =	vst.idx.msk $0xffff, v1;
	v1 =	vld.idx.msk [tilespmem:v2+s3+$0x0], $0xffff  }
0x30e: {  	v49 =	vor.u32 v13, v28;
	v34 =	vshll.u32 v52, $0x2;
	[tilespmem:v63+s14+$0x0] =	vst.idx.msk $0xffff, v29;
	v32 =	vld.idx.msk [tilespmem:v59+s3+$0x0], $0xffff  }
0x30f: {  	v2 =	vor.u32 v13, v26;
	v46 =	vld.idx.msk [tilespmem:v23+s3+$0x0], $0xffff  }
0x310: {  	v42 =	vld.idx.msk [tilespmem:v51+s3+$0x0], $0xffff;
	v51 =	vor.u32 v13, v31;
	[tilespmem:v62+s14+$0x0] =	vst.idx.msk $0xffff, v61  }
0x311: {  	v52 =	vor.u32 v13, v30;
	v33 =	vld.idx.msk [tilespmem:v39+s3+$0x0], $0xffff  }
0x312: {  	v53 =	vor.u32 v14, v17;
	v55 =	vld.idx.msk [tilespmem:v37+s3+$0x0], $0xffff  }
0x313: {  	s30 =	sor.u32 $0x70, s30;
	v63 =	vor.u32 v15, v18;
	v56 =	vld.idx.msk [tilespmem:v34+s3+$0x0], $0xffff;
	[tilespmem:v49+s14+$0x0] =	vst.idx.msk $0xffff, v0  }
0x314: {  	v0 =	vor.u32 v14, v20;
	[tilespmem:v2+s14+$0x0] =	vst.idx.msk $0xffff, v1;
	v35 =	vld [tilespmem:s30+$0x400]  }
0x315: {  	v1 =	vor.u32 v15, v25;
	v2 =	vor.u32 $0x3, v41;
	v57 =	vld [tilespmem:s26+$0xFFFFFFD0];
	[tilespmem:v51+s14+$0x0] =	vst.idx.msk $0xffff, v32  }
0x316: {  	v16 =	vor.u32 v12, v16;
	v47 =	vor.u32 $0x1, v34;
	v61 =	vld [tilespmem:s26+$0x10];
	[tilespmem:v52+s14+$0x0] =	vst.idx.msk $0xffff, v33  }
0x317: {  	v58 =	vor.u32 $0x1, v40;
	v59 =	vor.u32 v15, v19;
	[tilespmem:v53+s14+$0x0] =	vst.idx.msk $0xffff, v27;
	v44 =	vld [tilespmem:s26+$0x50]  }
0x318: {  	v21 =	vor.u32 v12, v21;
	v24 =	vld.idx.msk [tilespmem:v24+s3+$0x0], $0xffff;
	v62 =	vor.u32 $0x1, v37;
	[tilespmem:v63+s14+$0x0] =	vst.idx.msk $0xffff, v56  }
0x319: {  	v17 =	vor.u32 v12, v17;
	[tilespmem:v0+s14+$0x0] =	vst.idx.msk $0xffff, v42;
	v0 =	vld.idx.msk [tilespmem:v22+s3+$0x0], $0xffff;
	v22 =	vshll.u32 v35, $0x2  }
0x31a: {  	[tilespmem:v1+s14+$0x0] =	vst.idx.msk $0xffff, v48;
	v1 =	vor.u32 v12, v20;
	v2 =	vld.idx.msk [tilespmem:v2+s3+$0x0], $0xffff;
	v20 =	vshll.u32 v57, $0x2  }
0x31b: {  	v53 =	vor.u32 v50, v18;
	[tilespmem:v16+s14+$0x0] =	vst.idx.msk $0xffff, v46;
	v16 =	vld.idx.msk [tilespmem:v47+s3+$0x0], $0xffff;
	v29 =	vshll.u32 v61, $0x2  }
0x31c: {  	v49 =	vor.u32 v50, v25;
	[tilespmem:v59+s14+$0x0] =	vst.idx.msk $0xffff, v55;
	v48 =	vld.idx.msk [tilespmem:v58+s3+$0x0], $0xffff;
	v35 =	vshll.u32 v44, $0x2  }
0x31d: {  	[tilespmem:v21+s14+$0x0] =	vst.idx.msk $0xffff, v24;
	v51 =	vor.u32 v50, v19;
	v27 =	vld.idx.msk [tilespmem:v62+s3+$0x0], $0xffff;
	v52 =	vor.u32 $0x2, v40  }
0x31e: {  	v55 =	vor.u32 $0x2, v37;
	[tilespmem:v17+s14+$0x0] =	vst.idx.msk $0xffff, v0;
	v17 =	vor.u32 v15, v28;
	v0 =	vld.idx.msk [tilespmem:v22+s3+$0x0], $0xffff  }
0x31f: {  	[tilespmem:v1+s14+$0x0] =	vst.idx.msk $0xffff, v2;
	v1 =	vor.u32 $0x1, v22;
	v2 =	vor.u32 v15, v26;
	v56 =	vld.idx.msk [tilespmem:v20+s3+$0x0], $0xffff  }
0x320: {  	v59 =	vor.u32 v15, v31;
	v57 =	vor.u32 $0x1, v20;
	[tilespmem:v53+s14+$0x0] =	vst.idx.msk $0xffff, v16;
	v58 =	vld.idx.msk [tilespmem:v29+s3+$0x0], $0xffff  }
0x321: {  	v63 =	vor.u32 v15, v30;
	[tilespmem:v49+s14+$0x0] =	vst.idx.msk $0xffff, v48;
	v61 =	vor.u32 $0x1, v29;
	v62 =	vld.idx.msk [tilespmem:v35+s3+$0x0], $0xffff  }
0x322: {  	v16 =	vor.u32 v14, v25;
	[tilespmem:v51+s14+$0x0] =	vst.idx.msk $0xffff, v27;
	v36 =	vld.idx.msk [tilespmem:v52+s3+$0x0], $0xffff;
	v44 =	vor.u32 $0x1, v35  }
0x323: {  	v23 =	vld.idx.msk [tilespmem:v55+s3+$0x0], $0xffff;
	[tilespmem:v17+s14+$0x0] =	vst.idx.msk $0xffff, v0;
	v0 =	vor.u32 $0x2, v34;
	v17 =	vor.u32 v14, v19  }
0x324: {  	v45 =	vor.u32 v50, v28;
	[tilespmem:v2+s14+$0x0] =	vst.idx.msk $0xffff, v56;
	v2 =	vor.u32 $0x3, v40;
	v1 =	vld.idx.msk [tilespmem:v1+s3+$0x0], $0xffff  }
0x325: {  	v47 =	vor.u32 v50, v26;
	v46 =	vor.u32 $0x2, v22;
	v24 =	vld.idx.msk [tilespmem:v57+s3+$0x0], $0xffff;
	[tilespmem:v59+s14+$0x0] =	vst.idx.msk $0xffff, v58  }
0x326: {  	v48 =	vor.u32 $0x2, v20;
	v49 =	vor.u32 v50, v31;
	v27 =	vld.idx.msk [tilespmem:v61+s3+$0x0], $0xffff;
	[tilespmem:v63+s14+$0x0] =	vst.idx.msk $0xffff, v62  }
0x327: {  	v51 =	vor.u32 v50, v30;
	[tilespmem:v16+s14+$0x0] =	vst.idx.msk $0xffff, v36;
	v16 =	vor.u32 $0x2, v29;
	v21 =	vld.idx.msk [tilespmem:v44+s3+$0x0], $0xffff  }
0x328: {  	v52 =	vor.u32 $0x2, v35;
	[tilespmem:v17+s14+$0x0] =	vst.idx.msk $0xffff, v23;
	v17 =	vor.u32 v14, v18;
	v0 =	vld.idx.msk [tilespmem:v0+s3+$0x0], $0xffff  }
0x329: {  	v53 =	vor.u32 v12, v25;
	v2 =	vld.idx.msk [tilespmem:v2+s3+$0x0], $0xffff;
	[tilespmem:v45+s14+$0x0] =	vst.idx.msk $0xffff, v1;
	v1 =	vor.u32 $0x3, v37  }
0x32a: {  	v55 =	vor.u32 $0x3, v34;
	v56 =	vor.u32 v14, v28;
	[tilespmem:v47+s14+$0x0] =	vst.idx.msk $0xffff, v24;
	v32 =	vld.idx.msk [tilespmem:v46+s3+$0x0], $0xffff  }
0x32b: {  	v22 =	vor.u32 $0x3, v22;
	v58 =	vor.u32 v14, v26;
	v57 =	vld.idx.msk [tilespmem:v48+s3+$0x0], $0xffff;
	[tilespmem:v49+s14+$0x0] =	vst.idx.msk $0xffff, v27  }
0x32c: {  	v20 =	vor.u32 $0x3, v20;
	v59 =	vor.u32 v14, v31;
	v16 =	vld.idx.msk [tilespmem:v16+s3+$0x0], $0xffff;
	[tilespmem:v51+s14+$0x0] =	vst.idx.msk $0xffff, v21  }
0x32d: {  	[tilespmem:v17+s14+$0x0] =	vst.idx.msk $0xffff, v0;
	v0 =	vor.u32 $0x3, v29;
	v17 =	vor.u32 v14, v30;
	v23 =	vld.idx.msk [tilespmem:v52+s3+$0x0], $0xffff  }
0x32e: {  	v61 =	vor.u32 $0x3, v35;
	[tilespmem:v53+s14+$0x0] =	vst.idx.msk $0xffff, v2;
	v2 =	vor.u32 v12, v19;
	v1 =	vld.idx.msk [tilespmem:v1+s3+$0x0], $0xffff  }
0x32f: {  	v62 =	vor.u32 v12, v18;
	v24 =	vld.idx.msk [tilespmem:v55+s3+$0x0], $0xffff;
	[tilespmem:v56+s14+$0x0] =	vst.idx.msk $0xffff, v32  }
0x330: {  	v63 =	vor.u32 v12, v28;
	[tilespmem:v58+s14+$0x0] =	vst.idx.msk $0xffff, v57;
	v22 =	vld.idx.msk [tilespmem:v22+s3+$0x0], $0xffff  }
0x331: {  	v20 =	vld.idx.msk [tilespmem:v20+s3+$0x0], $0xffff;
	[tilespmem:v59+s14+$0x0] =	vst.idx.msk $0xffff, v16;
	v16 =	vor.u32 v12, v26  }
0x332: {  	v0 =	vld.idx.msk [tilespmem:v0+s3+$0x0], $0xffff;
	[tilespmem:v17+s14+$0x0] =	vst.idx.msk $0xffff, v23;
	v17 =	vor.u32 v12, v31  }
0x333: {  	[tilespmem:v2+s14+$0x0] =	vst.idx.msk $0xffff, v1;
	v2 =	vor.u32 v12, v30;
	v1 =	vld.idx.msk [tilespmem:v61+s3+$0x0], $0xffff  }
0x334: {  	[tilespmem:v62+s14+$0x0] =	vst.idx.msk $0xffff, v24  }
0x335: {  	[tilespmem:v63+s14+$0x0] =	vst.idx.msk $0xffff, v22  }
0x336: {  	[tilespmem:v16+s14+$0x0] =	vst.idx.msk $0xffff, v20  }
0x337: {  	s31 =	sshll.u32 s23, $0xC;
	[tilespmem:v17+s14+$0x0] =	vst.idx.msk $0xffff, v0  }
0x338: {  	p2 =	sgt.u32 s23, $0x2CC;
	s24 =	sadd.s32 s2, s31;
	[tilespmem:v2+s14+$0x0] =	vst.idx.msk $0xffff, v1  }
0x339: {  	[hbm4b:s24+s3] =	stream.linear.scatter [tilespmem:s14], [sflag:$0x3], $0x8000, $0x38;
	[tilespmem:$0x14400] =	vst v63  }
0x33a: {  	v10 =	vmov v60;
	s24 =	sshll.u32 @!p2 s23, $0xA  }
0x33b: {  	s25 =	simm.s32 @!p2 $0x0;
	s26 =	simm.s32 @!p2 $0x400;
	v15 =	vmovc v50;
	v63 =	vmovc v13;
	v0 =	vmov v3;
	v3 =	vmov v6;
	v6 =	vmov v9;
	s24 =	sadd.s32 @!p2 s24, s10  }
0x33c: {  	v1 =	vmovc v4;
	v2 =	vmovc v5;
	v4 =	vmov v7;
	v5 =	vmov v8;
	v7 =	vmov v54;
	[tilespmem:s26], [sflag:$0x1] =	stream.linear.gather @!p2 [hbm4b:s24+s25], $0x2000, $0x38;
	[tilespmem:$0x14400] =	vst v63  }
.LBB2_10:
0x33d: {  	s23 =	sor.u32 $0x20, s23  }
0x33e: {  	p2 =	sgt.u32 s23, $0x30C  }
.Ltmp8:
0x33f: {  	_ = 	snop;
	(pc) =	sbr.rel @p2 .LBB2_14-.Ltmp8, $1  }
0x340: {  	_ =	sdelay $0x3  }
0x341: {  	_ =	swait.ge [sflag:s17], $0x2000  }
0x342: {  	[sflag:s17] =	ssyncset.done $0x0  }
0x343: {  	s24 =	simm.s32 @!p1 $0x4;
	[sflag:s17] =	ssyncadd.s32 $0xFFFFE000  }
0x344: {  	_ =	swait.ge @!p1 [sflag:s24], $0x8000  }
0x345: {  	[sflag:s24] =	ssyncset.done @!p1 $0x0  }
0x346: {  	s26 =	simm.s32 $0x2460;
	[sflag:s24] =	ssyncadd.s32 @!p1 $0xFFFF8000  }
0x347: {  	v51 =	vmov v6;
	v6 =	vmov v3;
	v3 =	vmov v0;
	v0 =	vld [tilespmem:s26+$0x60]  }
0x348: {  	v13 =	vmovc v10;
	v10 =	vmov v7;
	v7 =	vmov v4;
	v4 =	vmov v1;
	v1 =	vld [tilespmem:s26+$0xFFFFFFA0]  }
0x349: {  	s30 =	simm.s32 $0x0;
	s31 =	simm.s32 $0x1;
	s25 =	simm.s32 $0x2;
	v16 =	vld [tilespmem:s26+$0xFFFFFFE0]  }
0x34a: {  	v8 =	vmovc v5;
	v5 =	vmovc v2;
	v2 =	vmov s30;
	v17 =	vmov s31;
	v21 =	vmov s25;
	s30 =	simm.s32 $0x3  }
0x34b: {  	v18 =	vshll.u32 v2, $0x8;
	v2 =	vshll.u32 v2, $0x7;
	v22 =	vmov s30  }
0x34c: {  	v25 =	vshll.u32 v21, $0x8;
	v20 =	vand.u32 $0x7800, v18;
	v23 =	vld [tilespmem:s26+$0x20];
	v0 =	vshll.u32 v0, $0x2  }
0x34d: {  	v19 =	vand.u32 $0x200, v2;
	v2 =	vshll.u32 v17, $0x8;
	v1 =	vshll.u32 v1, $0x2  }
0x34e: {  	v24 =	vshll.u32 v16, $0x2;
	v16 =	vshll.u32 v22, $0x8;
	v22 =	vshll.u32 v22, $0x7  }
0x34f: {  	v17 =	vshll.u32 v17, $0x7;
	v16 =	vand.u32 $0x7800, v16;
	v22 =	vand.u32 $0x380, v22  }
0x350: {  	v20 =	vor.u32 v19, v20;
	v2 =	vand.u32 $0x7800, v2;
	v22 =	vor.u32 v22, v16  }
0x351: {  	v23 =	vshll.u32 v23, $0x2;
	v16 =	vand.u32 $0x280, v17;
	v27 =	vor.u32 v3, v22;
	v26 =	vld.idx.msk [tilespmem:v0+s3+$0x0], $0xffff  }
0x352: {  	v28 =	vor.u32 v3, v20;
	v29 =	vor.u32 $0x1, v0;
	v16 =	vor.u32 v16, v2;
	v2 =	vld.idx.msk [tilespmem:v1+s3+$0x0], $0xffff  }
0x353: {  	v30 =	vor.u32 $0x1, v1;
	v17 =	vshll.u32 v21, $0x7;
	v21 =	vor.u32 v3, v16;
	v31 =	vld.idx.msk [tilespmem:v24+s3+$0x0], $0xffff  }
0x354: {  	v25 =	vand.u32 $0x7800, v25;
	v49 =	vld [tilespmem:$0x1FFB0];
	v32 =	vor.u32 $0x1, v24;
	v17 =	vand.u32 $0x300, v17  }
0x355: {  	v50 =	vld [tilespmem:$0x1FFA0];
	v17 =	vor.u32 v17, v25  }
0x356: {  	v25 =	vor.u32 v3, v17;
	v33 =	vld.idx.msk [tilespmem:v23+s3+$0x0], $0xffff;
	[tilespmem:v27+s18+$0x0] =	vst.idx.msk $0xffff, v26  }
0x357: {  	v26 =	vor.u32 $0x1, v23;
	[tilespmem:v28+s18+$0x0] =	vst.idx.msk $0xffff, v2;
	v27 =	vor.u32 v4, v22;
	v2 =	vld.idx.msk [tilespmem:v29+s3+$0x0], $0xffff  }
0x358: {  	[tilespmem:v21+s18+$0x0] =	vst.idx.msk $0xffff, v31;
	v21 =	vor.u32 v4, v20;
	v28 =	vld.idx.msk [tilespmem:v30+s3+$0x0], $0xffff;
	v29 =	vor.u32 $0x2, v0  }
0x359: {  	v42 =	vor.u32 v4, v16;
	v30 =	vor.u32 $0x2, v1;
	v31 =	vld.idx.msk [tilespmem:v32+s3+$0x0], $0xffff  }
0x35a: {  	v34 =	vor.u32 $0x2, v24  }
0x35b: {  	[tilespmem:v25+s18+$0x0] =	vst.idx.msk $0xffff, v33  }
0x35c: {  	v25 =	vld.idx.msk [tilespmem:v26+s3+$0x0], $0xffff;
	v26 =	vor.u32 v4, v17;
	[tilespmem:v27+s18+$0x0] =	vst.idx.msk $0xffff, v2  }
0x35d: {  	v2 =	vor.u32 $0x2, v23;
	[tilespmem:v21+s18+$0x0] =	vst.idx.msk $0xffff, v28;
	v27 =	vor.u32 v5, v22;
	v21 =	vld.idx.msk [tilespmem:v29+s3+$0x0], $0xffff  }
0x35e: {  	v0 =	vor.u32 $0x3, v0;
	[tilespmem:v42+s18+$0x0] =	vst.idx.msk $0xffff, v31;
	v28 =	vld.idx.msk [tilespmem:v30+s3+$0x0], $0xffff;
	v29 =	vor.u32 v5, v20  }
0x35f: {  	v1 =	vor.u32 $0x3, v1;
	v31 =	vor.u32 v5, v16;
	v30 =	vld.idx.msk [tilespmem:v34+s3+$0x0], $0xffff  }
0x360: {  	v24 =	vor.u32 $0x3, v24  }
0x361: {  	[tilespmem:v26+s18+$0x0] =	vst.idx.msk $0xffff, v25  }
0x362: {  	v25 =	vor.u32 v5, v17;
	v2 =	vld.idx.msk [tilespmem:v2+s3+$0x0], $0xffff;
	[tilespmem:v27+s18+$0x0] =	vst.idx.msk $0xffff, v21  }
0x363: {  	v21 =	vor.u32 $0x3, v23;
	[tilespmem:v29+s18+$0x0] =	vst.idx.msk $0xffff, v28;
	v23 =	vor.u32 v6, v22;
	v0 =	vld.idx.msk [tilespmem:v0+s3+$0x0], $0xffff  }
0x364: {  	v26 =	vor.u32 v6, v20;
	[tilespmem:v31+s18+$0x0] =	vst.idx.msk $0xffff, v30;
	v1 =	vld.idx.msk [tilespmem:v1+s3+$0x0], $0xffff  }
0x365: {  	v27 =	vor.u32 v6, v16;
	v24 =	vld.idx.msk [tilespmem:v24+s3+$0x0], $0xffff;
	_ =	sdelay $0x1  }
0x366: {  	s25 =	simm.s32 $0xC0;
	[tilespmem:v25+s18+$0x0] =	vst.idx.msk $0xffff, v2  }
0x367: {  	s31 =	sor.u32 $0x50, s25;
	v2 =	vld.idx.msk [tilespmem:v21+s3+$0x0], $0xffff;
	v21 =	vor.u32 v6, v17;
	[tilespmem:v23+s18+$0x0] =	vst.idx.msk $0xffff, v0  }
0x368: {  	[tilespmem:v26+s18+$0x0] =	vst.idx.msk $0xffff, v1;
	v0 =	vld [tilespmem:s31+$0x2400]  }
0x369: {  	[tilespmem:v27+s18+$0x0] =	vst.idx.msk $0xffff, v24;
	v1 =	vld [tilespmem:s26+$0xFFFFFFB0]  }
0x36a: {  	v23 =	vld [tilespmem:s26+$0xFFFFFFF0];
	_ =	sdelay $0x1  }
0x36b: {  	[tilespmem:v21+s18+$0x0] =	vst.idx.msk $0xffff, v2  }
0x36c: {  	v2 =	vld [tilespmem:s26+$0x30];
	v0 =	vshll.u32 v0, $0x2  }
0x36d: {  	v1 =	vshll.u32 v1, $0x2  }
0x36e: {  	v21 =	vshll.u32 v23, $0x2;
	_ =	sdelay $0x2  }
0x36f: {  	v24 =	vor.u32 v7, v22;
	v2 =	vshll.u32 v2, $0x2;
	v23 =	vld.idx.msk [tilespmem:v0+s3+$0x0], $0xffff  }
0x370: {  	v25 =	vor.u32 v7, v20;
	v27 =	vor.u32 $0x1, v0;
	v26 =	vld.idx.msk [tilespmem:v1+s3+$0x0], $0xffff  }
0x371: {  	v30 =	vor.u32 v7, v16;
	v28 =	vor.u32 $0x1, v1;
	v29 =	vld.idx.msk [tilespmem:v21+s3+$0x0], $0xffff  }
0x372: {  	v31 =	vor.u32 $0x1, v21;
	_ =	sdelay $0x1  }
0x373: {  	v44 =	vor.u32 v7, v17;
	v43 =	vld.idx.msk [tilespmem:v2+s3+$0x0], $0xffff;
	[tilespmem:v24+s18+$0x0] =	vst.idx.msk $0xffff, v23  }
0x374: {  	v23 =	vor.u32 $0x1, v2;
	[tilespmem:v25+s18+$0x0] =	vst.idx.msk $0xffff, v26;
	v25 =	vor.u32 v8, v22;
	v24 =	vld.idx.msk [tilespmem:v27+s3+$0x0], $0xffff  }
0x375: {  	[tilespmem:v30+s18+$0x0] =	vst.idx.msk $0xffff, v29;
	v26 =	vld.idx.msk [tilespmem:v28+s3+$0x0], $0xffff;
	v27 =	vor.u32 v8, v20;
	v28 =	vor.u32 $0x2, v0  }
0x376: {  	v29 =	vor.u32 $0x2, v1;
	v30 =	vld.idx.msk [tilespmem:v31+s3+$0x0], $0xffff;
	v31 =	vor.u32 v8, v16  }
0x377: {  	v45 =	vor.u32 $0x2, v21  }
0x378: {  	[tilespmem:v44+s18+$0x0] =	vst.idx.msk $0xffff, v43  }
0x379: {  	v46 =	vor.u32 v8, v17;
	v23 =	vld.idx.msk [tilespmem:v23+s3+$0x0], $0xffff;
	[tilespmem:v25+s18+$0x0] =	vst.idx.msk $0xffff, v24  }
0x37a: {  	v24 =	vor.u32 $0x2, v2;
	[tilespmem:v27+s18+$0x0] =	vst.idx.msk $0xffff, v26;
	v26 =	vor.u32 v51, v22;
	v25 =	vld.idx.msk [tilespmem:v28+s3+$0x0], $0xffff  }
0x37b: {  	v0 =	vor.u32 $0x3, v0;
	[tilespmem:v31+s18+$0x0] =	vst.idx.msk $0xffff, v30;
	v27 =	vld.idx.msk [tilespmem:v29+s3+$0x0], $0xffff;
	v28 =	vor.u32 v51, v20  }
0x37c: {  	v1 =	vor.u32 $0x3, v1;
	v30 =	vor.u32 v51, v16;
	v29 =	vld.idx.msk [tilespmem:v45+s3+$0x0], $0xffff  }
0x37d: {  	v21 =	vor.u32 $0x3, v21  }
0x37e: {  	[tilespmem:v46+s18+$0x0] =	vst.idx.msk $0xffff, v23  }
0x37f: {  	v23 =	vld.idx.msk [tilespmem:v24+s3+$0x0], $0xffff;
	v24 =	vor.u32 v51, v17;
	[tilespmem:v26+s18+$0x0] =	vst.idx.msk $0xffff, v25  }
0x380: {  	v2 =	vor.u32 $0x3, v2;
	[tilespmem:v28+s18+$0x0] =	vst.idx.msk $0xffff, v27;
	v25 =	vor.u32 v10, v22;
	v0 =	vld.idx.msk [tilespmem:v0+s3+$0x0], $0xffff  }
0x381: {  	v20 =	vor.u32 v10, v20;
	[tilespmem:v30+s18+$0x0] =	vst.idx.msk $0xffff, v29;
	v1 =	vld.idx.msk [tilespmem:v1+s3+$0x0], $0xffff  }
0x382: {  	s24 =	simm.s32 $0x2560;
	v26 =	vor.u32 v10, v16;
	v21 =	vld.idx.msk [tilespmem:v21+s3+$0x0], $0xffff  }
0x383: {  	v47 =	vld [tilespmem:s24+$0xFFFFFFE0]  }
0x384: {  	v27 =	vld [tilespmem:s24+$0x60];
	[tilespmem:v24+s18+$0x0] =	vst.idx.msk $0xffff, v23  }
0x385: {  	s30 =	sor.u32 $0x60, s25;
	v24 =	vor.u32 v10, v17;
	v2 =	vld.idx.msk [tilespmem:v2+s3+$0x0], $0xffff;
	[tilespmem:v25+s18+$0x0] =	vst.idx.msk $0xffff, v0  }
0x386: {  	s28 =	simm.s32 $0x4;
	[tilespmem:v20+s18+$0x0] =	vst.idx.msk $0xffff, v1;
	v0 =	vld [tilespmem:s30+$0x2400]  }
0x387: {  	v1 =	vmov s28;
	[tilespmem:v26+s18+$0x0] =	vst.idx.msk $0xffff, v21;
	v20 =	vld [tilespmem:s26+$0xFFFFFFC0]  }
0x388: {  	v25 =	vshll.u32 v1, $0x8;
	v21 =	vld [tilespmem:s26+$0x0];
	v1 =	vshll.u32 v1, $0x7  }
0x389: {  	v35 =	vor.u32 v11, v22;
	v41 =	vor.u32 v11, v16;
	s28 =	simm.s32 $0x5;
	v28 =	vand.u32 $0x200, v1;
	v1 =	vld [tilespmem:s24+$0xFFFFFFA0]  }
0x38a: {  	v32 =	vshll.u32 v47, $0x2;
	v23 =	vmov s28;
	s28 =	simm.s32 $0x6;
	[tilespmem:v24+s18+$0x0] =	vst.idx.msk $0xffff, v2;
	v2 =	vshll.u32 v27, $0x2  }
0x38b: {  	v26 =	vand.u32 $0x7800, v25;
	v29 =	vmov s28;
	v0 =	vshll.u32 v0, $0x2  }
0x38c: {  	v30 =	vshll.u32 v23, $0x8;
	v31 =	vshll.u32 v23, $0x7;
	v34 =	vshll.u32 v20, $0x2;
	v20 =	vld [tilespmem:s24+$0x20]  }
0x38d: {  	v48 =	vshll.u32 v29, $0x8;
	v29 =	vshll.u32 v29, $0x7;
	v23 =	vshll.u32 v21, $0x2  }
0x38e: {  	v26 =	vor.u32 v28, v26;
	v30 =	vand.u32 $0x7800, v30;
	v1 =	vshll.u32 v1, $0x2  }
0x38f: {  	s28 =	simm.s32 $0x7;
	v24 =	vand.u32 $0x7800, v48;
	v43 =	vor.u32 v3, v26;
	v21 =	vor.u32 v19, v18;
	v42 =	vld.idx.msk [tilespmem:v2+s3+$0x0], $0xffff  }
0x390: {  	v29 =	vand.u32 $0x300, v29;
	v19 =	vmov s28;
	v27 =	vor.u32 v11, v21;
	v52 =	vld.idx.msk [tilespmem:v0+s3+$0x0], $0xffff  }
0x391: {  	v37 =	vshll.u32 v19, $0x8;
	v19 =	vshll.u32 v19, $0x7;
	v36 =	vld.idx.msk [tilespmem:v34+s3+$0x0], $0xffff;
	v40 =	vshll.u32 v20, $0x2  }
0x392: {  	v38 =	vor.u32 $0x1, v0;
	v19 =	vand.u32 $0x380, v19;
	v39 =	vld.idx.msk [tilespmem:v23+s3+$0x0], $0xffff;
	v20 =	vand.u32 $0x7800, v37  }
0x393: {  	v18 =	vand.u32 $0x280, v31;
	v53 =	vor.u32 $0x1, v34;
	v20 =	vor.u32 v19, v20;
	v45 =	vld.idx.msk [tilespmem:v1+s3+$0x0], $0xffff  }
0x394: {  	v44 =	vor.u32 $0x1, v23;
	v19 =	vor.u32 v18, v30;
	v30 =	vld.idx.msk [tilespmem:v32+s3+$0x0], $0xffff;
	v46 =	vor.u32 v3, v20  }
0x395: {  	v31 =	vld [tilespmem:s26+$0x40];
	v18 =	vor.u32 v29, v24;
	v29 =	vor.u32 $0x1, v1;
	v24 =	vor.u32 v3, v19;
	[tilespmem:v35+s18+$0x0] =	vst.idx.msk $0xffff, v52  }
0x396: {  	v47 =	vor.u32 $0x1, v2;
	[tilespmem:v27+s18+$0x0] =	vst.idx.msk $0xffff, v36;
	v27 =	vld.idx.msk [tilespmem:v40+s3+$0x0], $0xffff  }
0x397: {  	v54 =	vor.u32 $0x1, v32;
	v56 =	vor.u32 v3, v18;
	[tilespmem:v41+s18+$0x0] =	vst.idx.msk $0xffff, v39;
	v33 =	vld.idx.msk [tilespmem:v38+s3+$0x0], $0xffff  }
0x398: {  	v55 =	vor.u32 v50, v22;
	v58 =	vor.u32 $0x1, v40;
	v37 =	vld.idx.msk [tilespmem:v53+s3+$0x0], $0xffff;
	[tilespmem:v43+s18+$0x0] =	vst.idx.msk $0xffff, v45  }
0x399: {  	v57 =	vor.u32 $0x2, v0;
	v59 =	vor.u32 v50, v21;
	[tilespmem:v46+s18+$0x0] =	vst.idx.msk $0xffff, v42;
	v42 =	vld.idx.msk [tilespmem:v44+s3+$0x0], $0xffff  }
0x39a: {  	v31 =	vshll.u32 v31, $0x2;
	v29 =	vld.idx.msk [tilespmem:v29+s3+$0x0], $0xffff;
	[tilespmem:v24+s18+$0x0] =	vst.idx.msk $0xffff, v30;
	v30 =	vor.u32 v4, v26  }
0x39b: {  	v61 =	vor.u32 $0x2, v34;
	v24 =	vor.u32 v4, v20;
	v60 =	vld.idx.msk [tilespmem:v47+s3+$0x0], $0xffff  }
0x39c: {  	v48 =	vor.u32 v50, v16;
	v52 =	vor.u32 $0x2, v1;
	v35 =	vld.idx.msk [tilespmem:v54+s3+$0x0], $0xffff;
	[tilespmem:v56+s18+$0x0] =	vst.idx.msk $0xffff, v27  }
0x39d: {  	v62 =	vor.u32 $0x2, v2;
	v53 =	vor.u32 v4, v19;
	[tilespmem:v55+s18+$0x0] =	vst.idx.msk $0xffff, v33;
	v55 =	vld.idx.msk [tilespmem:v58+s3+$0x0], $0xffff  }
0x39e: {  	v54 =	vor.u32 $0x2, v32;
	v56 =	vor.u32 v13, v22;
	[tilespmem:v59+s18+$0x0] =	vst.idx.msk $0xffff, v37;
	v27 =	vld.idx.msk [tilespmem:v57+s3+$0x0], $0xffff  }
0x39f: {  	v0 =	vor.u32 $0x3, v0;
	v58 =	vld.idx.msk [tilespmem:v31+s3+$0x0], $0xffff;
	v57 =	vor.u32 v4, v18;
	[tilespmem:v30+s18+$0x0] =	vst.idx.msk $0xffff, v29  }
0x3a0: {  	v59 =	vor.u32 $0x2, v40;
	[tilespmem:v24+s18+$0x0] =	vst.idx.msk $0xffff, v60;
	v24 =	vld.idx.msk [tilespmem:v61+s3+$0x0], $0xffff;
	v60 =	vor.u32 v11, v17  }
0x3a1: {  	v46 =	vor.u32 v5, v26;
	[tilespmem:v48+s18+$0x0] =	vst.idx.msk $0xffff, v42;
	v61 =	vor.u32 $0x1, v31;
	v33 =	vld.idx.msk [tilespmem:v52+s3+$0x0], $0xffff  }
0x3a2: {  	v30 =	vor.u32 $0x2, v23;
	[tilespmem:v53+s18+$0x0] =	vst.idx.msk $0xffff, v35;
	v29 =	vld.idx.msk [tilespmem:v62+s3+$0x0], $0xffff;
	v62 =	vor.u32 v5, v20  }
0x3a3: {  	v2 =	vor.u32 $0x3, v2;
	v38 =	vld.idx.msk [tilespmem:v54+s3+$0x0], $0xffff;
	[tilespmem:v56+s18+$0x0] =	vst.idx.msk $0xffff, v27;
	v27 =	vor.u32 v5, v19  }
0x3a4: {  	v1 =	vor.u32 $0x3, v1;
	[tilespmem:v57+s18+$0x0] =	vst.idx.msk $0xffff, v55;
	v55 =	vor.u32 v13, v21;
	v0 =	vld.idx.msk [tilespmem:v0+s3+$0x0], $0xffff  }
0x3a5: {  	v32 =	vor.u32 $0x3, v32;
	v47 =	vor.u32 v63, v22;
	v37 =	vld.idx.msk [tilespmem:v59+s3+$0x0], $0xffff;
	[tilespmem:v60+s18+$0x0] =	vst.idx.msk $0xffff, v58  }
0x3a6: {  	v48 =	vor.u32 v5, v18;
	[tilespmem:v46+s18+$0x0] =	vst.idx.msk $0xffff, v33;
	v52 =	vld.idx.msk [tilespmem:v61+s3+$0x0], $0xffff  }
0x3a7: {  	v40 =	vor.u32 $0x3, v40;
	[tilespmem:v62+s18+$0x0] =	vst.idx.msk $0xffff, v29;
	v29 =	vld.idx.msk [tilespmem:v30+s3+$0x0], $0xffff;
	v30 =	vor.u32 v50, v17  }
0x3a8: {  	v34 =	vor.u32 $0x3, v34;
	v54 =	vor.u32 v6, v20;
	v2 =	vld.idx.msk [tilespmem:v2+s3+$0x0], $0xffff;
	[tilespmem:v27+s18+$0x0] =	vst.idx.msk $0xffff, v38  }
0x3a9: {  	v1 =	vld.idx.msk [tilespmem:v1+s3+$0x0], $0xffff;
	v27 =	vor.u32 v6, v26;
	[tilespmem:v55+s18+$0x0] =	vst.idx.msk $0xffff, v24  }
0x3aa: {  	s25 =	sor.u32 $0x70, s25;
	v53 =	vor.u32 $0x2, v31;
	v32 =	vld.idx.msk [tilespmem:v32+s3+$0x0], $0xffff;
	[tilespmem:v47+s18+$0x0] =	vst.idx.msk $0xffff, v0  }
0x3ab: {  	v0 =	vor.u32 v6, v19;
	[tilespmem:v48+s18+$0x0] =	vst.idx.msk $0xffff, v37;
	v56 =	vld [tilespmem:s25+$0x2400]  }
0x3ac: {  	v57 =	vld.idx.msk [tilespmem:v40+s3+$0x0], $0xffff;
	[tilespmem:v30+s18+$0x0] =	vst.idx.msk $0xffff, v52;
	v30 =	vor.u32 v6, v18;
	s25 =	simm.s32 $0x1C0  }
0x3ad: {  	v58 =	vld.idx.msk [tilespmem:v34+s3+$0x0], $0xffff;
	[tilespmem:v54+s18+$0x0] =	vst.idx.msk $0xffff, v2;
	s28 =	sor.u32 $0x50, s25;
	v2 =	vor.u32 v13, v16  }
0x3ae: {  	v23 =	vor.u32 $0x3, v23;
	[tilespmem:v27+s18+$0x0] =	vst.idx.msk $0xffff, v1;
	v1 =	vld [tilespmem:s28+$0x2400]  }
0x3af: {  	v59 =	vor.u32 v63, v21;
	v35 =	vld.idx.msk [tilespmem:v53+s3+$0x0], $0xffff  }
0x3b0: {  	v27 =	vld [tilespmem:s24+$0xFFFFFFB0];
	[tilespmem:v0+s18+$0x0] =	vst.idx.msk $0xffff, v32  }
0x3b1: {  	v0 =	vor.u32 v13, v17;
	v24 =	vshll.u32 v56, $0x2;
	v32 =	vld [tilespmem:s24+$0xFFFFFFF0];
	[tilespmem:v30+s18+$0x0] =	vst.idx.msk $0xffff, v57  }
0x3b2: {  	v31 =	vor.u32 $0x3, v31;
	v30 =	vld [tilespmem:s24+$0x30];
	[tilespmem:v2+s18+$0x0] =	vst.idx.msk $0xffff, v29  }
0x3b3: {  	v61 =	vor.u32 v63, v16;
	v2 =	vld.idx.msk [tilespmem:v23+s3+$0x0], $0xffff;
	v1 =	vshll.u32 v1, $0x2  }
0x3b4: {  	[tilespmem:v59+s18+$0x0] =	vst.idx.msk $0xffff, v58  }
0x3b5: {  	v34 =	vld [tilespmem:s26+$0xFFFFFFD0];
	v23 =	vshll.u32 v27, $0x2  }
0x3b6: {  	v29 =	vor.u32 v49, v22;
	[tilespmem:v0+s18+$0x0] =	vst.idx.msk $0xffff, v35;
	v0 =	vld.idx.msk [tilespmem:v24+s3+$0x0], $0xffff;
	v27 =	vshll.u32 v32, $0x2  }
0x3b7: {  	v9 =	vmov v12;
	v12 =	vmov v14;
	v60 =	vor.u32 $0x1, v24;
	v31 =	vld.idx.msk [tilespmem:v31+s3+$0x0], $0xffff  }
0x3b8: {  	v14 =	vmov v63;
	v62 =	vor.u32 v63, v17;
	v30 =	vshll.u32 v30, $0x2;
	[tilespmem:v61+s18+$0x0] =	vst.idx.msk $0xffff, v2;
	v63 =	vld.idx.msk [tilespmem:v1+s3+$0x0], $0xffff  }
0x3b9: {  	v50 =	vor.u32 v7, v20;
	v35 =	vld [tilespmem:s26+$0x10]  }
0x3ba: {  	v52 =	vor.u32 v7, v26;
	v54 =	vor.u32 $0x1, v1;
	v48 =	vld.idx.msk [tilespmem:v23+s3+$0x0], $0xffff  }
0x3bb: {  	v53 =	vld.idx.msk [tilespmem:v27+s3+$0x0], $0xffff;
	[tilespmem:v29+s18+$0x0] =	vst.idx.msk $0xffff, v0;
	v0 =	vor.u32 $0x1, v23;
	v29 =	vor.u32 v7, v19  }
0x3bc: {  	v55 =	vor.u32 $0x1, v27;
	v32 =	vld.idx.msk [tilespmem:v60+s3+$0x0], $0xffff  }
0x3bd: {  	v56 =	vor.u32 v15, v22;
	v34 =	vshll.u32 v34, $0x2;
	[tilespmem:v62+s18+$0x0] =	vst.idx.msk $0xffff, v31;
	v2 =	vld.idx.msk [tilespmem:v30+s3+$0x0], $0xffff  }
0x3be: {  	v57 =	vor.u32 $0x2, v24;
	v31 =	vor.u32 v7, v18;
	v59 =	vld [tilespmem:s26+$0x50];
	[tilespmem:v50+s18+$0x0] =	vst.idx.msk $0xffff, v63  }
0x3bf: {  	v58 =	vor.u32 $0x1, v30;
	v61 =	vor.u32 v8, v20;
	[tilespmem:v52+s18+$0x0] =	vst.idx.msk $0xffff, v48;
	v60 =	vld.idx.msk [tilespmem:v54+s3+$0x0], $0xffff  }
0x3c0: {  	v62 =	vor.u32 v8, v26;
	v0 =	vld.idx.msk [tilespmem:v0+s3+$0x0], $0xffff;
	[tilespmem:v29+s18+$0x0] =	vst.idx.msk $0xffff, v53;
	v29 =	vor.u32 $0x2, v1  }
0x3c1: {  	v35 =	vshll.u32 v35, $0x2;
	v48 =	vld.idx.msk [tilespmem:v55+s3+$0x0], $0xffff  }
0x3c2: {  	v63 =	vor.u32 $0x2, v23;
	v50 =	vor.u32 v8, v19;
	[tilespmem:v56+s18+$0x0] =	vst.idx.msk $0xffff, v32;
	v56 =	vld.idx.msk [tilespmem:v34+s3+$0x0], $0xffff  }
0x3c3: {  	v52 =	vor.u32 $0x2, v27;
	[tilespmem:v31+s18+$0x0] =	vst.idx.msk $0xffff, v2;
	v31 =	vor.u32 v12, v22;
	v2 =	vld.idx.msk [tilespmem:v57+s3+$0x0], $0xffff  }
0x3c4: {  	v53 =	vor.u32 v8, v18;
	v36 =	vshll.u32 v59, $0x2;
	v54 =	vld.idx.msk [tilespmem:v58+s3+$0x0], $0xffff;
	[tilespmem:v61+s18+$0x0] =	vst.idx.msk $0xffff, v60  }
0x3c5: {  	v55 =	vor.u32 $0x2, v30;
	v57 =	vor.u32 v49, v21;
	[tilespmem:v62+s18+$0x0] =	vst.idx.msk $0xffff, v0;
	v0 =	vld.idx.msk [tilespmem:v29+s3+$0x0], $0xffff  }
0x3c6: {  	v25 =	vor.u32 v28, v25;
	v24 =	vor.u32 $0x3, v24;
	v58 =	vor.u32 v51, v20;
	v62 =	vld.idx.msk [tilespmem:v35+s3+$0x0], $0xffff  }
0x3c7: {  	v59 =	vor.u32 v51, v26;
	v60 =	vor.u32 $0x1, v34;
	v29 =	vld.idx.msk [tilespmem:v63+s3+$0x0], $0xffff;
	[tilespmem:v50+s18+$0x0] =	vst.idx.msk $0xffff, v48  }
0x3c8: {  	v1 =	vor.u32 $0x3, v1;
	v32 =	vld.idx.msk [tilespmem:v52+s3+$0x0], $0xffff;
	[tilespmem:v31+s18+$0x0] =	vst.idx.msk $0xffff, v2;
	v2 =	vor.u32 $0x3, v23;
	v23 =	vor.u32 v51, v19  }
0x3c9: {  	v37 =	vor.u32 v15, v17;
	v63 =	vld.idx.msk [tilespmem:v36+s3+$0x0], $0xffff;
	[tilespmem:v53+s18+$0x0] =	vst.idx.msk $0xffff, v54;
	v54 =	vor.u32 v49, v17  }
0x3ca: {  	v27 =	vor.u32 $0x3, v27;
	v61 =	vor.u32 v51, v18;
	[tilespmem:v57+s18+$0x0] =	vst.idx.msk $0xffff, v56;
	v33 =	vld.idx.msk [tilespmem:v55+s3+$0x0], $0xffff  }
0x3cb: {  	v22 =	vor.u32 v9, v22;
	v30 =	vor.u32 $0x3, v30;
	v31 =	vld.idx.msk [tilespmem:v24+s3+$0x0], $0xffff;
	[tilespmem:v58+s18+$0x0] =	vst.idx.msk $0xffff, v0  }
0x3cc: {  	v26 =	vor.u32 v10, v26;
	v40 =	vld.idx.msk [tilespmem:v60+s3+$0x0], $0xffff;
	v0 =	vor.u32 v49, v16;
	[tilespmem:v59+s18+$0x0] =	vst.idx.msk $0xffff, v29  }
0x3cd: {  	v52 =	vor.u32 $0x2, v34;
	v53 =	vor.u32 $0x1, v35;
	v56 =	vor.u32 v10, v20;
	v1 =	vld.idx.msk [tilespmem:v1+s3+$0x0], $0xffff;
	[tilespmem:v23+s18+$0x0] =	vst.idx.msk $0xffff, v32  }
0x3ce: {  	v24 =	vor.u32 $0x3, v34;
	v55 =	vor.u32 $0x1, v36;
	v60 =	vor.u32 v10, v18;
	v2 =	vld.idx.msk [tilespmem:v2+s3+$0x0], $0xffff;
	[tilespmem:v54+s18+$0x0] =	vst.idx.msk $0xffff, v63  }
0x3cf: {  	v58 =	vor.u32 v10, v19;
	v29 =	vor.u32 $0x2, v35;
	v23 =	vor.u32 $0x3, v35;
	v57 =	vld.idx.msk [tilespmem:v27+s3+$0x0], $0xffff;
	[tilespmem:v61+s18+$0x0] =	vst.idx.msk $0xffff, v33  }
0x3d0: {  	s28 =	simm.s32 $0x8;
	s26 =	simm.s32 $0x2660;
	v35 =	vor.u32 v12, v21;
	[tilespmem:v22+s18+$0x0] =	vst.idx.msk $0xffff, v31;
	v59 =	vld.idx.msk [tilespmem:v30+s3+$0x0], $0xffff;
	v30 =	vor.u32 v15, v21  }
0x3d1: {  	v45 =	vld [tilespmem:s26+$0x60];
	v27 =	vor.u32 $0x2, v36;
	v31 =	vmov s28;
	v22 =	vor.u32 $0x3, v36;
	[tilespmem:v0+s18+$0x0] =	vst.idx.msk $0xffff, v62  }
0x3d2: {  	s31 =	simm.s32 $0x9;
	s30 =	simm.s32 $0xA;
	v32 =	vshll.u32 v31, $0x8;
	v0 =	vshll.u32 v31, $0x7;
	v48 =	vld.idx.msk [tilespmem:v53+s3+$0x0], $0xffff;
	[tilespmem:v56+s18+$0x0] =	vst.idx.msk $0xffff, v1;
	v1 =	vor.u32 v15, v16  }
0x3d3: {  	v36 =	vld.idx.msk [tilespmem:v55+s3+$0x0], $0xffff;
	v31 =	vmov s31;
	v61 =	vand.u32 $0x7800, v32;
	v62 =	vmov s30;
	s31 =	sor.u32 $0x60, s25;
	[tilespmem:v26+s18+$0x0] =	vst.idx.msk $0xffff, v2  }
0x3d4: {  	v33 =	vand.u32 $0x200, v0;
	v0 =	vshll.u32 v31, $0x8;
	v63 =	vshll.u32 v62, $0x8;
	v43 =	vld [tilespmem:s31+$0x2400];
	[tilespmem:v58+s18+$0x0] =	vst.idx.msk $0xffff, v57  }
0x3d5: {  	v39 =	vshll.u32 v62, $0x7;
	v2 =	vshll.u32 v31, $0x7;
	v26 =	vor.u32 v33, v61;
	v41 =	vld [tilespmem:s24+$0xFFFFFFC0];
	[tilespmem:v30+s18+$0x0] =	vst.idx.msk $0xffff, v40  }
0x3d6: {  	v31 =	vand.u32 $0x7800, v0;
	v44 =	vand.u32 $0x300, v39;
	v39 =	vor.u32 v11, v25;
	v42 =	vld [tilespmem:s24+$0x0];
	[tilespmem:v60+s18+$0x0] =	vst.idx.msk $0xffff, v59  }
0x3d7: {  	s29 =	simm.s32 $0xC;
	v38 =	vand.u32 $0x280, v2;
	v30 =	vand.u32 $0x7800, v63;
	v40 =	vor.u32 v3, v26;
	v34 =	vld.idx.msk [tilespmem:v52+s3+$0x0], $0xffff;
	[tilespmem:v1+s18+$0x0] =	vst.idx.msk $0xffff, v48  }
.LBB2_12:
0x3d8: {  	v0 =	vld [tilespmem:s26+$0xFFFFFFA0]  }
0x3d9: {  	v2 =	vld [tilespmem:s26+$0xFFFFFFE0]  }
0x3da: {  	v29 =	vld.idx.msk [tilespmem:v29+s3+$0x0], $0xffff;
	v61 =	vshll.u32 v41, $0x2  }
0x3db: {  	v38 =	vor.u32 v38, v31;
	v15 =	vld [tilespmem:$0x1FFA0];
	v1 =	vshll.u32 v43, $0x2;
	[tilespmem:v37+s18+$0x0] =	vst.idx.msk $0xffff, v36  }
0x3dc: {  	v31 =	vor.u32 v44, v30;
	v50 =	vor.u32 v11, v19;
	s30 =	sadd.s32 $0x3, s28;
	v42 =	vshll.u32 v42, $0x2;
	v62 =	vld [tilespmem:s26+$0x20]  }
0x3dd: {  	v53 =	vor.u32 v11, v20;
	v52 =	vmov s30;
	v45 =	vshll.u32 v45, $0x2;
	v49 =	vld [tilespmem:s24+$0x40]  }
0x3de: {  	v54 =	vshll.u32 v52, $0x8;
	v41 =	vor.u32 v12, v16;
	[tilespmem:v35+s18+$0x0] =	vst.idx.msk $0xffff, v34;
	v0 =	vshll.u32 v0, $0x2;
	v27 =	vld.idx.msk [tilespmem:v27+s3+$0x0], $0xffff  }
0x3df: {  	v52 =	vshll.u32 v52, $0x7;
	v63 =	vand.u32 $0x7800, v54;
	v2 =	vshll.u32 v2, $0x2;
	v37 =	vld.idx.msk [tilespmem:v61+s3+$0x0], $0xffff  }
0x3e0: {  	v52 =	vand.u32 $0x380, v52;
	v44 =	vor.u32 $0x1, v61;
	v47 =	vor.u32 $0x1, v42;
	v51 =	vld.idx.msk [tilespmem:v1+s3+$0x0], $0xffff  }
0x3e1: {  	v30 =	vmovc v33;
	v48 =	vor.u32 $0x2, v42;
	v33 =	vor.u32 $0x3, v42;
	v55 =	vor.u32 $0x1, v1;
	v42 =	vld.idx.msk [tilespmem:v42+s3+$0x0], $0xffff  }
0x3e2: {  	v28 =	vmovc v32;
	v43 =	vor.u32 v12, v17;
	v32 =	vor.u32 v52, v63;
	v58 =	vld.idx.msk [tilespmem:v45+s3+$0x0], $0xffff;
	v56 =	vshll.u32 v62, $0x2  }
0x3e3: {  	v46 =	vor.u32 $0x2, v61;
	v36 =	vor.u32 $0x3, v61;
	v61 =	vor.u32 v3, v32;
	[tilespmem:v41+s18+$0x0] =	vst.idx.msk $0xffff, v29;
	v52 =	vld.idx.msk [tilespmem:v0+s3+$0x0], $0xffff  }
0x3e4: {  	v63 =	vor.u32 $0x1, v45;
	v29 =	vld.idx.msk [tilespmem:v2+s3+$0x0], $0xffff;
	[tilespmem:v39+s18+$0x0] =	vst.idx.msk $0xffff, v37  }
0x3e5: {  	v34 =	vor.u32 v3, v38;
	v54 =	vor.u32 $0x1, v0;
	[tilespmem:v53+s18+$0x0] =	vst.idx.msk $0xffff, v51;
	v44 =	vld.idx.msk [tilespmem:v44+s3+$0x0], $0xffff  }
0x3e6: {  	v57 =	vor.u32 $0x1, v2;
	[tilespmem:v50+s18+$0x0] =	vst.idx.msk $0xffff, v42;
	v42 =	vshll.u32 v49, $0x2;
	v49 =	vor.u32 v15, v20;
	v37 =	vld.idx.msk [tilespmem:v55+s3+$0x0], $0xffff  }
0x3e7: {  	v35 =	vor.u32 v3, v31;
	v39 =	vld.idx.msk [tilespmem:v56+s3+$0x0], $0xffff;
	v55 =	vor.u32 $0x2, v1;
	[tilespmem:v43+s18+$0x0] =	vst.idx.msk $0xffff, v27  }
0x3e8: {  	v60 =	vor.u32 $0x1, v56;
	[tilespmem:v61+s18+$0x0] =	vst.idx.msk $0xffff, v58;
	v27 =	vor.u32 v15, v25;
	v43 =	vld.idx.msk [tilespmem:v47+s3+$0x0], $0xffff  }
0x3e9: {  	[tilespmem:v40+s18+$0x0] =	vst.idx.msk $0xffff, v52;
	v52 =	vor.u32 v15, v19;
	v40 =	vld.idx.msk [tilespmem:v63+s3+$0x0], $0xffff  }
0x3ea: {  	v62 =	vor.u32 $0x2, v56;
	[tilespmem:v34+s18+$0x0] =	vst.idx.msk $0xffff, v29;
	v29 =	vor.u32 v4, v32;
	v54 =	vld.idx.msk [tilespmem:v54+s3+$0x0], $0xffff  }
0x3eb: {  	v51 =	vor.u32 $0x3, v56;
	v34 =	vor.u32 v4, v26;
	v56 =	vld.idx.msk [tilespmem:v57+s3+$0x0], $0xffff;
	v57 =	vor.u32 $0x2, v45;
	[tilespmem:v49+s18+$0x0] =	vst.idx.msk $0xffff, v37  }
0x3ec: {  	v59 =	vor.u32 $0x2, v0;
	v58 =	vor.u32 v4, v38;
	[tilespmem:v35+s18+$0x0] =	vst.idx.msk $0xffff, v39;
	v61 =	vld.idx.msk [tilespmem:v55+s3+$0x0], $0xffff  }
0x3ed: {  	v41 =	vor.u32 $0x2, v2;
	v50 =	vor.u32 $0x1, v42;
	[tilespmem:v27+s18+$0x0] =	vst.idx.msk $0xffff, v44;
	v39 =	vld.idx.msk [tilespmem:v60+s3+$0x0], $0xffff  }
0x3ee: {  	v53 =	vor.u32 $0x2, v42;
	v47 =	vor.u32 $0x3, v42;
	v63 =	vor.u32 v4, v31;
	[tilespmem:v52+s18+$0x0] =	vst.idx.msk $0xffff, v43;
	v42 =	vld.idx.msk [tilespmem:v42+s3+$0x0], $0xffff  }
0x3ef: {  	v27 =	vor.u32 v13, v20;
	[tilespmem:v29+s18+$0x0] =	vst.idx.msk $0xffff, v40;
	v29 =	vld.idx.msk [tilespmem:v46+s3+$0x0], $0xffff  }
0x3f0: {  	v1 =	vor.u32 $0x3, v1;
	[tilespmem:v34+s18+$0x0] =	vst.idx.msk $0xffff, v54;
	v55 =	vor.u32 v13, v25;
	v54 =	vld.idx.msk [tilespmem:v57+s3+$0x0], $0xffff  }
0x3f1: {  	v52 =	vor.u32 v11, v18;
	[tilespmem:v58+s18+$0x0] =	vst.idx.msk $0xffff, v56;
	v57 =	vld.idx.msk [tilespmem:v59+s3+$0x0], $0xffff  }
0x3f2: {  	v58 =	vor.u32 v5, v32;
	v41 =	vld.idx.msk [tilespmem:v41+s3+$0x0], $0xffff  }
0x3f3: {  	v45 =	vor.u32 $0x3, v45;
	v59 =	vor.u32 v5, v26;
	[tilespmem:v63+s18+$0x0] =	vst.idx.msk $0xffff, v39;
	v63 =	vld.idx.msk [tilespmem:v48+s3+$0x0], $0xffff  }
0x3f4: {  	v0 =	vor.u32 $0x3, v0;
	[tilespmem:v27+s18+$0x0] =	vst.idx.msk $0xffff, v61;
	v27 =	vor.u32 v5, v38;
	v48 =	vor.u32 v15, v18;
	v15 =	vld [tilespmem:$0x1FFC0]  }
0x3f5: {  	v2 =	vor.u32 $0x3, v2;
	v61 =	vor.u32 v14, v20;
	[tilespmem:v55+s18+$0x0] =	vst.idx.msk $0xffff, v29;
	v1 =	vld.idx.msk [tilespmem:v1+s3+$0x0], $0xffff  }
0x3f6: {  	v60 =	vld.idx.msk [tilespmem:v62+s3+$0x0], $0xffff;
	[tilespmem:v52+s18+$0x0] =	vst.idx.msk $0xffff, v42;
	v62 =	vor.u32 v5, v31  }
0x3f7: {  	[tilespmem:v58+s18+$0x0] =	vst.idx.msk $0xffff, v54;
	v29 =	vld.idx.msk [tilespmem:v50+s3+$0x0], $0xffff  }
0x3f8: {  	[tilespmem:v59+s18+$0x0] =	vst.idx.msk $0xffff, v57;
	v49 =	vld.idx.msk [tilespmem:v45+s3+$0x0], $0xffff;
	v50 =	vor.u32 v13, v19  }
0x3f9: {  	v0 =	vld.idx.msk [tilespmem:v0+s3+$0x0], $0xffff;
	[tilespmem:v27+s18+$0x0] =	vst.idx.msk $0xffff, v41;
	v27 =	vor.u32 v6, v32  }
0x3fa: {  	s31 =	sor.u32 $0x70, s25;
	v52 =	vor.u32 v6, v26;
	v2 =	vld.idx.msk [tilespmem:v2+s3+$0x0], $0xffff;
	[tilespmem:v61+s18+$0x0] =	vst.idx.msk $0xffff, v1  }
0x3fb: {  	v1 =	vor.u32 v6, v38;
	[tilespmem:v62+s18+$0x0] =	vst.idx.msk $0xffff, v60;
	v54 =	vld [tilespmem:s31+$0x2400]  }
0x3fc: {  	v55 =	vld.idx.msk [tilespmem:v51+s3+$0x0], $0xffff;
	[tilespmem:v48+s18+$0x0] =	vst.idx.msk $0xffff, v29  }
0x3fd: {  	s25 =	sadd.s32 $0x100, s25;
	v29 =	vor.u32 v6, v31;
	[tilespmem:v50+s18+$0x0] =	vst.idx.msk $0xffff, v63;
	v56 =	vld.idx.msk [tilespmem:v53+s3+$0x0], $0xffff  }
0x3fe: {  	s31 =	sor.u32 $0x50, s25;
	[tilespmem:v27+s18+$0x0] =	vst.idx.msk $0xffff, v49;
	v27 =	vld.idx.msk [tilespmem:v36+s3+$0x0], $0xffff  }
0x3ff: {  	v57 =	vor.u32 v13, v18;
	[tilespmem:v52+s18+$0x0] =	vst.idx.msk $0xffff, v0;
	v0 =	vld [tilespmem:s31+$0x2400]  }
0x400: {  	v58 =	vor.u32 v14, v25;
	v59 =	vld [tilespmem:s26+$0xFFFFFFB0];
	[tilespmem:v1+s18+$0x0] =	vst.idx.msk $0xffff, v2  }
0x401: {  	v2 =	vld [tilespmem:s26+$0xFFFFFFF0]  }
0x402: {  	[tilespmem:v29+s18+$0x0] =	vst.idx.msk $0xffff, v55;
	v29 =	vld.idx.msk [tilespmem:v33+s3+$0x0], $0xffff  }
0x403: {  	v61 =	vor.u32 v14, v19;
	v1 =	vshll.u32 v54, $0x2;
	v60 =	vld [tilespmem:s26+$0x30]  }
0x404: {  	[tilespmem:v57+s18+$0x0] =	vst.idx.msk $0xffff, v56;
	v56 =	vld [tilespmem:$0x1FFB0]  }
0x405: {  	[tilespmem:v58+s18+$0x0] =	vst.idx.msk $0xffff, v27;
	v27 =	vld.idx.msk [tilespmem:v47+s3+$0x0], $0xffff;
	v62 =	vshll.u32 v59, $0x2  }
0x406: {  	v0 =	vshll.u32 v0, $0x2;
	v42 =	vld [tilespmem:s24+$0xFFFFFFD0]  }
0x407: {  	v40 =	vor.u32 v9, v16;
	v63 =	vor.u32 v14, v18;
	v46 =	vld.idx.msk [tilespmem:v24+s3+$0x0], $0xffff;
	v2 =	vshll.u32 v2, $0x2  }
0x408: {  	v36 =	vor.u32 v9, v21;
	v39 =	vld.idx.msk [tilespmem:v1+s3+$0x0], $0xffff;
	[tilespmem:v61+s18+$0x0] =	vst.idx.msk $0xffff, v29;
	v33 =	vshll.u32 v60, $0x2  }
0x409: {  	v21 =	vmov v25;
	v25 =	vor.u32 v7, v26;
	v58 =	vor.u32 v56, v20;
	v23 =	vld.idx.msk [tilespmem:v23+s3+$0x0], $0xffff  }
0x40a: {  	v16 =	vmovc v19;
	v19 =	vmovc v38;
	v59 =	vor.u32 $0x1, v1;
	v41 =	vor.u32 $0x1, v62;
	v38 =	vor.u32 $0x2, v62;
	v61 =	vld.idx.msk [tilespmem:v62+s3+$0x0], $0xffff  }
0x40b: {  	v47 =	vor.u32 $0x3, v62;
	v44 =	vor.u32 $0x1, v2;
	v60 =	vld.idx.msk [tilespmem:v0+s3+$0x0], $0xffff;
	v62 =	vor.u32 v7, v32  }
0x40c: {  	v48 =	vor.u32 $0x2, v2;
	v35 =	vor.u32 $0x3, v2;
	v29 =	vor.u32 $0x1, v33;
	[tilespmem:v63+s18+$0x0] =	vst.idx.msk $0xffff, v27;
	v2 =	vld.idx.msk [tilespmem:v2+s3+$0x0], $0xffff  }
0x40d: {  	v49 =	vor.u32 $0x2, v33;
	v52 =	vor.u32 $0x3, v33;
	v63 =	vor.u32 $0x1, v0;
	[tilespmem:v36+s18+$0x0] =	vst.idx.msk $0xffff, v46;
	v33 =	vld.idx.msk [tilespmem:v33+s3+$0x0], $0xffff  }
0x40e: {  	v27 =	vor.u32 v7, v19;
	v42 =	vshll.u32 v42, $0x2;
	[tilespmem:v58+s18+$0x0] =	vst.idx.msk $0xffff, v39;
	v58 =	vld [tilespmem:s24+$0x10]  }
0x40f: {  	v57 =	vor.u32 v7, v31;
	v43 =	vld.idx.msk [tilespmem:v59+s3+$0x0], $0xffff;
	[tilespmem:v25+s18+$0x0] =	vst.idx.msk $0xffff, v61  }
0x410: {  	[tilespmem:v62+s18+$0x0] =	vst.idx.msk $0xffff, v60;
	v61 =	vor.u32 v8, v26;
	v60 =	vld.idx.msk [tilespmem:v41+s3+$0x0], $0xffff  }
0x411: {  	v45 =	vor.u32 v15, v20;
	[tilespmem:v40+s18+$0x0] =	vst.idx.msk $0xffff, v23;
	v23 =	vld [tilespmem:s24+$0x50]  }
0x412: {  	v34 =	vor.u32 $0x2, v42;
	v59 =	vor.u32 $0x2, v1;
	v25 =	vld.idx.msk [tilespmem:v63+s3+$0x0], $0xffff  }
0x413: {  	v24 =	vor.u32 $0x3, v42;
	v39 =	vor.u32 $0x1, v42;
	[tilespmem:v27+s18+$0x0] =	vst.idx.msk $0xffff, v2;
	v2 =	vor.u32 v8, v32;
	v42 =	vld.idx.msk [tilespmem:v42+s3+$0x0], $0xffff  }
0x414: {  	v63 =	vor.u32 $0x2, v0;
	v44 =	vld.idx.msk [tilespmem:v44+s3+$0x0], $0xffff;
	[tilespmem:v57+s18+$0x0] =	vst.idx.msk $0xffff, v33  }
0x415: {  	v62 =	vor.u32 v8, v19;
	[tilespmem:v61+s18+$0x0] =	vst.idx.msk $0xffff, v60;
	v61 =	vld [tilespmem:$0x1FFD0]  }
0x416: {  	v37 =	vor.u32 v56, v21;
	[tilespmem:v45+s18+$0x0] =	vst.idx.msk $0xffff, v43;
	v57 =	vld.idx.msk [tilespmem:v29+s3+$0x0], $0xffff  }
0x417: {  	v33 =	vor.u32 v8, v31;
	v36 =	vshll.u32 v58, $0x2;
	v43 =	vld.idx.msk [tilespmem:v59+s3+$0x0], $0xffff  }
0x418: {  	v59 =	vor.u32 v12, v20;
	[tilespmem:v2+s18+$0x0] =	vst.idx.msk $0xffff, v25;
	v2 =	vld.idx.msk [tilespmem:v22+s3+$0x0], $0xffff  }
0x419: {  	v1 =	vor.u32 $0x3, v1;
	v58 =	vshll.u32 v23, $0x2;
	v60 =	vor.u32 v9, v17;
	v25 =	vld.idx.msk [tilespmem:v63+s3+$0x0], $0xffff  }
0x41a: {  	v17 =	vmov v18;
	v18 =	vmov v31;
	v31 =	vld.idx.msk [tilespmem:v38+s3+$0x0], $0xffff;
	[tilespmem:v62+s18+$0x0] =	vst.idx.msk $0xffff, v44;
	v62 =	vor.u32 v61, v32  }
0x41b: {  	v0 =	vor.u32 $0x3, v0;
	v46 =	vor.u32 $0x1, v36;
	[tilespmem:v37+s18+$0x0] =	vst.idx.msk $0xffff, v42;
	v44 =	vld.idx.msk [tilespmem:v48+s3+$0x0], $0xffff;
	v63 =	vor.u32 v61, v26  }
0x41c: {  	v29 =	vor.u32 $0x2, v36;
	v23 =	vor.u32 $0x3, v36;
	[tilespmem:v33+s18+$0x0] =	vst.idx.msk $0xffff, v57;
	v36 =	vld.idx.msk [tilespmem:v36+s3+$0x0], $0xffff;
	v48 =	vor.u32 v61, v19  }
0x41d: {  	[tilespmem:v59+s18+$0x0] =	vst.idx.msk $0xffff, v43;
	v33 =	vld.idx.msk [tilespmem:v49+s3+$0x0], $0xffff;
	v54 =	vor.u32 v61, v18  }
0x41e: {  	v51 =	vor.u32 v9, v20;
	v1 =	vld.idx.msk [tilespmem:v1+s3+$0x0], $0xffff;
	[tilespmem:v60+s18+$0x0] =	vst.idx.msk $0xffff, v2  }
0x41f: {  	v2 =	vor.u32 v56, v16;
	[tilespmem:v62+s18+$0x0] =	vst.idx.msk $0xffff, v25;
	v25 =	vld.idx.msk [tilespmem:v58+s3+$0x0], $0xffff  }
0x420: {  	v20 =	vmov v32;
	[tilespmem:v63+s18+$0x0] =	vst.idx.msk $0xffff, v31;
	v31 =	vor.u32 v56, v17;
	v0 =	vld.idx.msk [tilespmem:v0+s3+$0x0], $0xffff  }
0x421: {  	v55 =	vor.u32 $0x1, v58;
	v57 =	vor.u32 v10, v20;
	[tilespmem:v48+s18+$0x0] =	vst.idx.msk $0xffff, v44;
	v56 =	vld.idx.msk [tilespmem:v47+s3+$0x0], $0xffff  }
0x422: {  	v26 =	vor.u32 v10, v26;
	[tilespmem:v54+s18+$0x0] =	vst.idx.msk $0xffff, v33;
	v35 =	vld.idx.msk [tilespmem:v35+s3+$0x0], $0xffff  }
0x423: {  	v27 =	vor.u32 $0x2, v58;
	v22 =	vor.u32 $0x3, v58;
	v58 =	vor.u32 v10, v19;
	[tilespmem:v51+s18+$0x0] =	vst.idx.msk $0xffff, v1;
	v39 =	vld.idx.msk [tilespmem:v39+s3+$0x0], $0xffff  }
0x424: {  	s31 =	sadd.s32 $0x1, s29;
	v37 =	vor.u32 v15, v17;
	v60 =	vor.u32 v15, v21;
	v1 =	vmov s29;
	v59 =	vld.idx.msk [tilespmem:v52+s3+$0x0], $0xffff;
	[tilespmem:v2+s18+$0x0] =	vst.idx.msk $0xffff, v36  }
0x425: {  	v61 =	vor.u32 v10, v18;
	v2 =	vmov s31;
	s31 =	sadd.s32 $0x2, s29;
	v32 =	vshll.u32 v1, $0x8;
	v46 =	vld.idx.msk [tilespmem:v46+s3+$0x0], $0xffff;
	[tilespmem:v31+s18+$0x0] =	vst.idx.msk $0xffff, v25  }
0x426: {  	p1 =	slt.u32 s29, $0x7C;
	v1 =	vshll.u32 v1, $0x7;
	v31 =	vmov s31;
	s31 =	sor.u32 $0x60, s25;
	[tilespmem:v57+s18+$0x0] =	vst.idx.msk $0xffff, v0;
	v0 =	vor.u32 v15, v16;
	v36 =	vld.idx.msk [tilespmem:v55+s3+$0x0], $0xffff  }
.Ltmp9:
0x427: {  	v33 =	vand.u32 $0x200, v1;
	v1 =	vshll.u32 v2, $0x8;
	v2 =	vshll.u32 v2, $0x7;
	[tilespmem:v26+s18+$0x0] =	vst.idx.msk $0xffff, v56;
	v43 =	vld [tilespmem:s31+$0x2400];
	(pc) =	sbr.rel @p1 .LBB2_12-.Ltmp9, $4  }
0x428: {  	v38 =	vand.u32 $0x280, v2;
	v25 =	vand.u32 $0x7800, v32;
	v62 =	vshll.u32 v31, $0x8;
	[tilespmem:v58+s18+$0x0] =	vst.idx.msk $0xffff, v35;
	v41 =	vld [tilespmem:s26+$0xFFFFFFC0]  }
0x429: {  	v63 =	vshll.u32 v31, $0x7;
	v26 =	vor.u32 v33, v25;
	v25 =	vor.u32 v30, v28;
	v42 =	vld [tilespmem:s26+$0x0];
	[tilespmem:v60+s18+$0x0] =	vst.idx.msk $0xffff, v39  }
0x42a: {  	s24 =	smov.u32 s26;
	v31 =	vand.u32 $0x7800, v1;
	[tilespmem:v61+s18+$0x0] =	vst.idx.msk $0xffff, v59;
	v35 =	vor.u32 v12, v21;
	v30 =	vand.u32 $0x7800, v62;
	s26 =	sadd.s32 $0x100, s26;
	v34 =	vld.idx.msk [tilespmem:v34+s3+$0x0], $0xffff  }
0x42b: {  	s28 =	smov.u32 s29;
	s29 =	sadd.s32 $0x4, s29;
	v40 =	vor.u32 v3, v26;
	v44 =	vand.u32 $0x300, v63;
	v39 =	vor.u32 v11, v25;
	v45 =	vld [tilespmem:s26+$0x60];
	[tilespmem:v0+s18+$0x0] =	vst.idx.msk $0xffff, v46  }
0x42c: {  	_ =	sdelay $0x1  }
0x42d: {  	v2 =	vld [tilespmem:s26+$0xFFFFFFA0]  }
0x42e: {  	v46 =	vld [tilespmem:s26+$0x20]  }
0x42f: {  	s28 =	sadd.s32 $0x3, s28;
	v62 =	vld [tilespmem:s26+$0xFFFFFFE0];
	v0 =	vshll.u32 v45, $0x2  }
0x430: {  	v1 =	vmov s28  }
0x431: {  	v28 =	vshll.u32 v1, $0x8;
	v1 =	vshll.u32 v1, $0x7  }
0x432: {  	v28 =	vand.u32 $0x7800, v28;
	v1 =	vand.u32 $0x380, v1;
	v2 =	vshll.u32 v2, $0x2  }
0x433: {  	v28 =	vor.u32 v1, v28;
	v46 =	vshll.u32 v46, $0x2  }
0x434: {  	v47 =	vor.u32 v3, v28;
	v45 =	vshll.u32 v62, $0x2;
	v1 =	vld.idx.msk [tilespmem:v0+s3+$0x0], $0xffff  }
0x435: {  	v48 =	vor.u32 $0x1, v0;
	_ =	sdelay $0x1  }
0x436: {  	v30 =	vor.u32 v44, v30;
	v58 =	vld.idx.msk [tilespmem:v2+s3+$0x0], $0xffff  }
0x437: {  	v31 =	vor.u32 v38, v31;
	v51 =	vor.u32 v3, v30;
	v49 =	vor.u32 $0x1, v2;
	v53 =	vld.idx.msk [tilespmem:v46+s3+$0x0], $0xffff  }
0x438: {  	v59 =	vor.u32 v3, v31;
	v54 =	vor.u32 $0x1, v46;
	v50 =	vld.idx.msk [tilespmem:v45+s3+$0x0], $0xffff;
	[tilespmem:v47+s18+$0x0] =	vst.idx.msk $0xffff, v1  }
0x439: {  	v63 =	vor.u32 v4, v28;
	v52 =	vor.u32 $0x1, v45;
	v1 =	vld.idx.msk [tilespmem:v48+s3+$0x0], $0xffff  }
0x43a: {  	v57 =	vor.u32 $0x2, v0  }
0x43b: {  	[tilespmem:v40+s18+$0x0] =	vst.idx.msk $0xffff, v58  }
0x43c: {  	v61 =	vor.u32 v4, v26;
	[tilespmem:v51+s18+$0x0] =	vst.idx.msk $0xffff, v53;
	v38 =	vld.idx.msk [tilespmem:v49+s3+$0x0], $0xffff  }
0x43d: {  	[tilespmem:v59+s18+$0x0] =	vst.idx.msk $0xffff, v50;
	v58 =	vor.u32 v4, v30;
	v51 =	vld.idx.msk [tilespmem:v54+s3+$0x0], $0xffff  }
0x43e: {  	v56 =	vor.u32 v4, v31;
	v59 =	vor.u32 $0x2, v46;
	[tilespmem:v63+s18+$0x0] =	vst.idx.msk $0xffff, v1;
	v63 =	vld.idx.msk [tilespmem:v52+s3+$0x0], $0xffff  }
0x43f: {  	v60 =	vor.u32 v5, v28;
	v62 =	vor.u32 $0x2, v2;
	v1 =	vld.idx.msk [tilespmem:v57+s3+$0x0], $0xffff  }
0x440: {  	v57 =	vor.u32 $0x2, v45  }
0x441: {  	v0 =	vor.u32 $0x3, v0;
	[tilespmem:v61+s18+$0x0] =	vst.idx.msk $0xffff, v38  }
0x442: {  	[tilespmem:v58+s18+$0x0] =	vst.idx.msk $0xffff, v51  }
0x443: {  	v40 =	vshll.u32 v43, $0x2;
	v53 =	vor.u32 v5, v30;
	v52 =	vld.idx.msk [tilespmem:v59+s3+$0x0], $0xffff;
	[tilespmem:v56+s18+$0x0] =	vst.idx.msk $0xffff, v63  }
0x444: {  	v46 =	vor.u32 $0x3, v46;
	v61 =	vor.u32 v5, v26;
	[tilespmem:v60+s18+$0x0] =	vst.idx.msk $0xffff, v1;
	v60 =	vld.idx.msk [tilespmem:v62+s3+$0x0], $0xffff  }
0x445: {  	v2 =	vor.u32 $0x3, v2;
	v63 =	vor.u32 v5, v31;
	v62 =	vld.idx.msk [tilespmem:v57+s3+$0x0], $0xffff  }
0x446: {  	v45 =	vor.u32 $0x3, v45;
	v1 =	vor.u32 v6, v28;
	v0 =	vld.idx.msk [tilespmem:v0+s3+$0x0], $0xffff;
	_ =	sdelay $0x1  }
0x447: {  	v55 =	vor.u32 v11, v20;
	v54 =	vld.idx.msk [tilespmem:v40+s3+$0x0], $0xffff;
	[tilespmem:v53+s18+$0x0] =	vst.idx.msk $0xffff, v52  }
0x448: {  	v38 =	vshll.u32 v42, $0x2;
	v59 =	vor.u32 v6, v30;
	v46 =	vld.idx.msk [tilespmem:v46+s3+$0x0], $0xffff;
	[tilespmem:v61+s18+$0x0] =	vst.idx.msk $0xffff, v60  }
0x449: {  	v57 =	vor.u32 v6, v26;
	[tilespmem:v63+s18+$0x0] =	vst.idx.msk $0xffff, v62;
	v2 =	vld.idx.msk [tilespmem:v2+s3+$0x0], $0xffff  }
0x44a: {  	v58 =	vor.u32 v6, v31;
	[tilespmem:v1+s18+$0x0] =	vst.idx.msk $0xffff, v0;
	v1 =	vshll.u32 v41, $0x2;
	v45 =	vld.idx.msk [tilespmem:v45+s3+$0x0], $0xffff;
	_ =	sdelay $0x1  }
0x44b: {  	s30 =	sadd.s32 $0x100, s25;
	[tilespmem:v55+s18+$0x0] =	vst.idx.msk $0xffff, v54  }
0x44c: {  	s29 =	sor.u32 $0x50, s30;
	v61 =	vld.idx.msk [tilespmem:v38+s3+$0x0], $0xffff;
	[tilespmem:v59+s18+$0x0] =	vst.idx.msk $0xffff, v46  }
0x44d: {  	v0 =	vld [tilespmem:s29+$0x2400];
	[tilespmem:v57+s18+$0x0] =	vst.idx.msk $0xffff, v2  }
0x44e: {  	v56 =	vor.u32 $0x1, v40;
	v60 =	vld.idx.msk [tilespmem:v1+s3+$0x0], $0xffff;
	[tilespmem:v58+s18+$0x0] =	vst.idx.msk $0xffff, v45  }
0x44f: {  	v15 =	vld [tilespmem:$0x1FFA0]  }
0x450: {  	v2 =	vld [tilespmem:s26+$0xFFFFFFB0]  }
0x451: {  	v62 =	vor.u32 $0x1, v1;
	v54 =	vld [tilespmem:s26+$0xFFFFFFF0]  }
0x452: {  	v58 =	vld [tilespmem:s24+$0x40];
	v0 =	vshll.u32 v0, $0x2  }
0x453: {  	v63 =	vor.u32 v11, v19;
	v41 =	vld.idx.msk [tilespmem:v56+s3+$0x0], $0xffff  }
0x454: {  	v55 =	vor.u32 $0x1, v38;
	v57 =	vld [tilespmem:s26+$0x30];
	v56 =	vor.u32 v15, v20  }
0x455: {  	[tilespmem:v39+s18+$0x0] =	vst.idx.msk $0xffff, v60;
	v2 =	vshll.u32 v2, $0x2  }
0x456: {  	v39 =	vld.idx.msk [tilespmem:v62+s3+$0x0], $0xffff;
	v42 =	vshll.u32 v54, $0x2;
	v45 =	vor.u32 v15, v25  }
0x457: {  	v44 =	vshll.u32 v58, $0x2;
	v60 =	vor.u32 v7, v28;
	v48 =	vld.idx.msk [tilespmem:v0+s3+$0x0], $0xffff  }
0x458: {  	v59 =	vor.u32 $0x2, v40;
	[tilespmem:v63+s18+$0x0] =	vst.idx.msk $0xffff, v61  }
0x459: {  	v43 =	vld.idx.msk [tilespmem:v55+s3+$0x0], $0xffff;
	[tilespmem:v56+s18+$0x0] =	vst.idx.msk $0xffff, v41;
	v41 =	vshll.u32 v57, $0x2  }
0x45a: {  	v50 =	vor.u32 v7, v26;
	v62 =	vor.u32 $0x1, v0;
	v61 =	vld.idx.msk [tilespmem:v2+s3+$0x0], $0xffff  }
0x45b: {  	v55 =	vor.u32 v7, v31;
	v53 =	vor.u32 $0x1, v2;
	v63 =	vld.idx.msk [tilespmem:v42+s3+$0x0], $0xffff;
	[tilespmem:v45+s18+$0x0] =	vst.idx.msk $0xffff, v39  }
0x45c: {  	v45 =	vld.idx.msk [tilespmem:v44+s3+$0x0], $0xffff;
	[tilespmem:v60+s18+$0x0] =	vst.idx.msk $0xffff, v48;
	v60 =	vor.u32 v11, v18  }
0x45d: {  	v39 =	vor.u32 v13, v20;
	v46 =	vld.idx.msk [tilespmem:v59+s3+$0x0], $0xffff  }
0x45e: {  	v58 =	vor.u32 v7, v30;
	v57 =	vld.idx.msk [tilespmem:v41+s3+$0x0], $0xffff  }
0x45f: {  	[tilespmem:v50+s18+$0x0] =	vst.idx.msk $0xffff, v61;
	v61 =	vld.idx.msk [tilespmem:v62+s3+$0x0], $0xffff;
	v62 =	vor.u32 v8, v28  }
0x460: {  	v59 =	vor.u32 $0x1, v41;
	[tilespmem:v55+s18+$0x0] =	vst.idx.msk $0xffff, v63;
	v52 =	vld.idx.msk [tilespmem:v53+s3+$0x0], $0xffff;
	v53 =	vor.u32 v8, v26  }
0x461: {  	[tilespmem:v60+s18+$0x0] =	vst.idx.msk $0xffff, v45  }
0x462: {  	v56 =	vor.u32 $0x1, v42;
	[tilespmem:v39+s18+$0x0] =	vst.idx.msk $0xffff, v46  }
0x463: {  	v40 =	vor.u32 $0x3, v40;
	[tilespmem:v58+s18+$0x0] =	vst.idx.msk $0xffff, v57  }
0x464: {  	[tilespmem:v62+s18+$0x0] =	vst.idx.msk $0xffff, v61  }
0x465: {  	v49 =	vor.u32 $0x1, v44;
	v58 =	vld.idx.msk [tilespmem:v59+s3+$0x0], $0xffff;
	[tilespmem:v53+s18+$0x0] =	vst.idx.msk $0xffff, v52  }
0x466: {  	v63 =	vor.u32 $0x2, v0;
	v45 =	vor.u32 v15, v19;
	v59 =	vld [tilespmem:$0x1FFD0]  }
0x467: {  	v56 =	vld.idx.msk [tilespmem:v56+s3+$0x0], $0xffff;
	v57 =	vor.u32 v8, v31;
	v61 =	vor.u32 $0x2, v38  }
0x468: {  	v55 =	vor.u32 $0x2, v2;
	v40 =	vld.idx.msk [tilespmem:v40+s3+$0x0], $0xffff;
	v62 =	vor.u32 v14, v20  }
0x469: {  	v39 =	vor.u32 $0x2, v42;
	v46 =	vor.u32 v8, v30  }
0x46a: {  	v60 =	vor.u32 $0x2, v41;
	v49 =	vld.idx.msk [tilespmem:v49+s3+$0x0], $0xffff  }
0x46b: {  	v47 =	vor.u32 $0x2, v1;
	v52 =	vld.idx.msk [tilespmem:v63+s3+$0x0], $0xffff;
	[tilespmem:v45+s18+$0x0] =	vst.idx.msk $0xffff, v43;
	v63 =	vor.u32 v59, v28  }
0x46c: {  	v0 =	vor.u32 $0x3, v0;
	[tilespmem:v57+s18+$0x0] =	vst.idx.msk $0xffff, v56;
	v48 =	vld.idx.msk [tilespmem:v61+s3+$0x0], $0xffff;
	v61 =	vor.u32 v15, v18  }
0x46d: {  	v54 =	vld.idx.msk [tilespmem:v55+s3+$0x0], $0xffff;
	[tilespmem:v62+s18+$0x0] =	vst.idx.msk $0xffff, v40;
	v62 =	vor.u32 $0x2, v44;
	v55 =	vor.u32 v59, v26  }
0x46e: {  	v2 =	vor.u32 $0x3, v2;
	[tilespmem:v46+s18+$0x0] =	vst.idx.msk $0xffff, v58;
	v39 =	vld.idx.msk [tilespmem:v39+s3+$0x0], $0xffff;
	v57 =	vor.u32 v59, v31  }
0x46f: {  	v42 =	vor.u32 $0x3, v42;
	[tilespmem:v37+s18+$0x0] =	vst.idx.msk $0xffff, v36;
	v58 =	vld.idx.msk [tilespmem:v60+s3+$0x0], $0xffff;
	v60 =	vor.u32 v59, v30  }
0x470: {  	v47 =	vld.idx.msk [tilespmem:v47+s3+$0x0], $0xffff;
	v41 =	vor.u32 $0x3, v41;
	[tilespmem:v63+s18+$0x0] =	vst.idx.msk $0xffff, v52;
	v63 =	vor.u32 v13, v25  }
0x471: {  	v56 =	vor.u32 v10, v28;
	[tilespmem:v61+s18+$0x0] =	vst.idx.msk $0xffff, v49;
	v0 =	vld.idx.msk [tilespmem:v0+s3+$0x0], $0xffff  }
0x472: {  	v1 =	vor.u32 $0x3, v1;
	v49 =	vor.u32 v13, v18;
	v62 =	vld.idx.msk [tilespmem:v62+s3+$0x0], $0xffff;
	[tilespmem:v55+s18+$0x0] =	vst.idx.msk $0xffff, v54  }
0x473: {  	v51 =	vor.u32 $0x3, v44;
	[tilespmem:v57+s18+$0x0] =	vst.idx.msk $0xffff, v39;
	v57 =	vor.u32 v10, v26;
	v2 =	vld.idx.msk [tilespmem:v2+s3+$0x0], $0xffff  }
0x474: {  	[tilespmem:v60+s18+$0x0] =	vst.idx.msk $0xffff, v58;
	v58 =	vor.u32 v10, v31;
	v39 =	vld.idx.msk [tilespmem:v42+s3+$0x0], $0xffff  }
0x475: {  	s31 =	sor.u32 $0x70, s25;
	v61 =	vor.u32 v10, v30;
	v60 =	vld.idx.msk [tilespmem:v41+s3+$0x0], $0xffff;
	[tilespmem:v63+s18+$0x0] =	vst.idx.msk $0xffff, v47  }
0x476: {  	v52 =	vld [tilespmem:s31+$0x2400];
	[tilespmem:v56+s18+$0x0] =	vst.idx.msk $0xffff, v0;
	v0 =	vor.u32 v13, v19  }
0x477: {  	v53 =	vor.u32 v14, v25;
	[tilespmem:v49+s18+$0x0] =	vst.idx.msk $0xffff, v62;
	v1 =	vld.idx.msk [tilespmem:v1+s3+$0x0], $0xffff  }
0x478: {  	s29 =	sor.u32 $0x60, s30;
	v37 =	vld.idx.msk [tilespmem:v51+s3+$0x0], $0xffff;
	[tilespmem:v57+s18+$0x0] =	vst.idx.msk $0xffff, v2  }
0x479: {  	[tilespmem:v58+s18+$0x0] =	vst.idx.msk $0xffff, v39;
	v2 =	vld [tilespmem:s29+$0x2400]  }
0x47a: {  	[tilespmem:v61+s18+$0x0] =	vst.idx.msk $0xffff, v60;
	v50 =	vld [tilespmem:s26+$0xFFFFFFC0]  }
0x47b: {  	v42 =	vld [tilespmem:s26+$0x0];
	[tilespmem:v0+s18+$0x0] =	vst.idx.msk $0xffff, v48  }
0x47c: {  	v41 =	vshll.u32 v52, $0x2;
	v54 =	vld [tilespmem:s26+$0x40];
	[tilespmem:v53+s18+$0x0] =	vst.idx.msk $0xffff, v1  }
0x47d: {  	v63 =	vor.u32 $0x3, v38;
	v51 =	vld [tilespmem:$0x1FFB0]  }
0x47e: {  	v0 =	vshll.u32 v2, $0x2  }
0x47f: {  	v36 =	vshll.u32 v50, $0x2  }
0x480: {  	v29 =	vld.idx.msk [tilespmem:v29+s3+$0x0], $0xffff;
	v38 =	vshll.u32 v42, $0x2  }
0x481: {  	v1 =	vld.idx.msk [tilespmem:v41+s3+$0x0], $0xffff;
	v39 =	vshll.u32 v54, $0x2  }
0x482: {  	v2 =	vld.idx.msk [tilespmem:v63+s3+$0x0], $0xffff;
	v55 =	vor.u32 v51, v20  }
0x483: {  	v26 =	vor.u32 v33, v32;
	v57 =	vor.u32 v11, v28;
	v56 =	vld.idx.msk [tilespmem:v0+s3+$0x0], $0xffff  }
0x484: {  	v43 =	vor.u32 $0x1, v41;
	v58 =	vor.u32 v11, v26;
	v45 =	vld.idx.msk [tilespmem:v36+s3+$0x0], $0xffff  }
0x485: {  	v62 =	vor.u32 v11, v31;
	v60 =	vor.u32 $0x1, v0;
	v63 =	vld.idx.msk [tilespmem:v38+s3+$0x0], $0xffff  }
0x486: {  	[tilespmem:v35+s18+$0x0] =	vst.idx.msk $0xffff, v34;
	v54 =	vor.u32 v11, v30;
	v61 =	vor.u32 $0x1, v36;
	v53 =	vld.idx.msk [tilespmem:v39+s3+$0x0], $0xffff  }
0x487: {  	v27 =	vld.idx.msk [tilespmem:v27+s3+$0x0], $0xffff;
	v52 =	vor.u32 $0x1, v38;
	[tilespmem:v55+s18+$0x0] =	vst.idx.msk $0xffff, v1;
	v1 =	vor.u32 v14, v19  }
0x488: {  	v40 =	vld [tilespmem:s24+$0xFFFFFFD0];
	v55 =	vor.u32 $0x1, v39;
	[tilespmem:v57+s18+$0x0] =	vst.idx.msk $0xffff, v56;
	v56 =	vor.u32 v14, v18  }
0x489: {  	[tilespmem:v58+s18+$0x0] =	vst.idx.msk $0xffff, v45;
	v33 =	vld.idx.msk [tilespmem:v43+s3+$0x0], $0xffff  }
0x48a: {  	v58 =	vor.u32 v15, v28;
	[tilespmem:v62+s18+$0x0] =	vst.idx.msk $0xffff, v63;
	v57 =	vld.idx.msk [tilespmem:v60+s3+$0x0], $0xffff  }
0x48b: {  	[tilespmem:v54+s18+$0x0] =	vst.idx.msk $0xffff, v53;
	v45 =	vld.idx.msk [tilespmem:v61+s3+$0x0], $0xffff;
	v60 =	vor.u32 $0x2, v0;
	v61 =	vor.u32 v15, v26  }
0x48c: {  	v62 =	vor.u32 $0x2, v36;
	v63 =	vor.u32 v15, v31;
	v34 =	vld.idx.msk [tilespmem:v52+s3+$0x0], $0xffff;
	[tilespmem:v1+s18+$0x0] =	vst.idx.msk $0xffff, v2  }
0x48d: {  	v52 =	vor.u32 v15, v30;
	v1 =	vor.u32 $0x2, v38;
	v2 =	vld.idx.msk [tilespmem:v55+s3+$0x0], $0xffff;
	[tilespmem:v56+s18+$0x0] =	vst.idx.msk $0xffff, v37  }
0x48e: {  	v15 =	vld [tilespmem:$0x1FFC0]  }
0x48f: {  	v54 =	vld [tilespmem:s24+$0x10];
	[tilespmem:v58+s18+$0x0] =	vst.idx.msk $0xffff, v57  }
0x490: {  	v55 =	vor.u32 $0x2, v39;
	[tilespmem:v61+s18+$0x0] =	vst.idx.msk $0xffff, v45;
	v58 =	vld.idx.msk [tilespmem:v60+s3+$0x0], $0xffff;
	v60 =	vor.u32 v13, v28  }
0x491: {  	v0 =	vor.u32 $0x3, v0;
	[tilespmem:v63+s18+$0x0] =	vst.idx.msk $0xffff, v34;
	v61 =	vld.idx.msk [tilespmem:v62+s3+$0x0], $0xffff;
	v62 =	vor.u32 v13, v26  }
0x492: {  	v63 =	vor.u32 v13, v31;
	[tilespmem:v52+s18+$0x0] =	vst.idx.msk $0xffff, v2;
	v2 =	vor.u32 $0x3, v36;
	v1 =	vld.idx.msk [tilespmem:v1+s3+$0x0], $0xffff  }
0x493: {  	v40 =	vshll.u32 v40, $0x2;
	v57 =	vld [tilespmem:s24+$0x50];
	v53 =	vor.u32 v15, v20  }
0x494: {  	v24 =	vld.idx.msk [tilespmem:v24+s3+$0x0], $0xffff;
	v48 =	vor.u32 $0x3, v38  }
0x495: {  	v50 =	vor.u32 v13, v30;
	v56 =	vor.u32 $0x2, v41;
	v49 =	vld.idx.msk [tilespmem:v55+s3+$0x0], $0xffff;
	[tilespmem:v60+s18+$0x0] =	vst.idx.msk $0xffff, v58  }
0x496: {  	v39 =	vor.u32 $0x3, v39;
	[tilespmem:v62+s18+$0x0] =	vst.idx.msk $0xffff, v61;
	v0 =	vld.idx.msk [tilespmem:v0+s3+$0x0], $0xffff  }
0x497: {  	v52 =	vor.u32 v12, v16;
	v37 =	vshll.u32 v54, $0x2;
	[tilespmem:v63+s18+$0x0] =	vst.idx.msk $0xffff, v1;
	v1 =	vld.idx.msk [tilespmem:v2+s3+$0x0], $0xffff  }
0x498: {  	v34 =	vshll.u32 v57, $0x2;
	v54 =	vor.u32 v14, v28;
	[tilespmem:v53+s18+$0x0] =	vst.idx.msk $0xffff, v33;
	v53 =	vld.idx.msk [tilespmem:v40+s3+$0x0], $0xffff  }
0x499: {  	v2 =	vor.u32 v14, v26;
	v32 =	vld.idx.msk [tilespmem:v48+s3+$0x0], $0xffff  }
0x49a: {  	v55 =	vor.u32 v14, v31;
	[tilespmem:v50+s18+$0x0] =	vst.idx.msk $0xffff, v49;
	v42 =	vld.idx.msk [tilespmem:v56+s3+$0x0], $0xffff  }
0x49b: {  	v33 =	vld.idx.msk [tilespmem:v39+s3+$0x0], $0xffff;
	v56 =	vor.u32 v14, v30  }
0x49c: {  	v57 =	vor.u32 v12, v17;
	[tilespmem:v52+s18+$0x0] =	vst.idx.msk $0xffff, v29;
	v58 =	vld.idx.msk [tilespmem:v37+s3+$0x0], $0xffff  }
0x49d: {  	s30 =	sor.u32 $0x70, s30;
	v63 =	vor.u32 v51, v19;
	v60 =	vld.idx.msk [tilespmem:v34+s3+$0x0], $0xffff;
	[tilespmem:v54+s18+$0x0] =	vst.idx.msk $0xffff, v0  }
0x49e: {  	v0 =	vor.u32 v12, v20;
	v35 =	vld [tilespmem:s30+$0x2400];
	[tilespmem:v2+s18+$0x0] =	vst.idx.msk $0xffff, v1  }
0x49f: {  	v1 =	vor.u32 v51, v25;
	v2 =	vor.u32 $0x3, v41;
	v61 =	vld [tilespmem:s26+$0xFFFFFFD0];
	[tilespmem:v55+s18+$0x0] =	vst.idx.msk $0xffff, v32  }
0x4a0: {  	v21 =	vor.u32 v9, v21;
	v46 =	vor.u32 $0x1, v37;
	[tilespmem:v56+s18+$0x0] =	vst.idx.msk $0xffff, v33;
	v44 =	vld [tilespmem:s26+$0x10]  }
0x4a1: {  	v47 =	vor.u32 v51, v18;
	v62 =	vor.u32 $0x1, v40;
	[tilespmem:v57+s18+$0x0] =	vst.idx.msk $0xffff, v27;
	v48 =	vld [tilespmem:s26+$0x50]  }
0x4a2: {  	v16 =	vor.u32 v9, v16;
	v49 =	vld.idx.msk [tilespmem:v23+s3+$0x0], $0xffff;
	v50 =	vor.u32 $0x1, v34;
	[tilespmem:v63+s18+$0x0] =	vst.idx.msk $0xffff, v58  }
0x4a3: {  	v17 =	vor.u32 v9, v17;
	[tilespmem:v0+s18+$0x0] =	vst.idx.msk $0xffff, v42;
	v0 =	vld.idx.msk [tilespmem:v22+s3+$0x0], $0xffff;
	v22 =	vshll.u32 v35, $0x2  }
0x4a4: {  	v2 =	vld.idx.msk [tilespmem:v2+s3+$0x0], $0xffff;
	[tilespmem:v1+s18+$0x0] =	vst.idx.msk $0xffff, v53;
	v1 =	vor.u32 v9, v20;
	v20 =	vshll.u32 v61, $0x2  }
0x4a5: {  	[tilespmem:v21+s18+$0x0] =	vst.idx.msk $0xffff, v24;
	v54 =	vor.u32 v15, v19;
	v27 =	vld.idx.msk [tilespmem:v46+s3+$0x0], $0xffff;
	v29 =	vshll.u32 v44, $0x2  }
0x4a6: {  	[tilespmem:v47+s18+$0x0] =	vst.idx.msk $0xffff, v60;
	v53 =	vor.u32 v15, v25;
	v52 =	vld.idx.msk [tilespmem:v62+s3+$0x0], $0xffff;
	v35 =	vshll.u32 v48, $0x2  }
0x4a7: {  	v55 =	vor.u32 $0x2, v40;
	[tilespmem:v16+s18+$0x0] =	vst.idx.msk $0xffff, v49;
	v16 =	vld.idx.msk [tilespmem:v50+s3+$0x0], $0xffff;
	v56 =	vor.u32 v15, v18  }
0x4a8: {  	v57 =	vor.u32 $0x2, v37;
	[tilespmem:v17+s18+$0x0] =	vst.idx.msk $0xffff, v0;
	v17 =	vor.u32 v51, v28;
	v0 =	vld.idx.msk [tilespmem:v22+s3+$0x0], $0xffff  }
0x4a9: {  	[tilespmem:v1+s18+$0x0] =	vst.idx.msk $0xffff, v2;
	v1 =	vor.u32 $0x1, v22;
	v2 =	vor.u32 v51, v26;
	v58 =	vld.idx.msk [tilespmem:v20+s3+$0x0], $0xffff  }
0x4aa: {  	v62 =	vor.u32 v51, v31;
	v60 =	vor.u32 $0x1, v20;
	[tilespmem:v54+s18+$0x0] =	vst.idx.msk $0xffff, v27;
	v61 =	vld.idx.msk [tilespmem:v29+s3+$0x0], $0xffff  }
0x4ab: {  	v45 =	vor.u32 v51, v30;
	v63 =	vor.u32 $0x1, v29;
	[tilespmem:v53+s18+$0x0] =	vst.idx.msk $0xffff, v52;
	v44 =	vld.idx.msk [tilespmem:v35+s3+$0x0], $0xffff  }
0x4ac: {  	[tilespmem:v56+s18+$0x0] =	vst.idx.msk $0xffff, v16;
	v16 =	vor.u32 v12, v25;
	v46 =	vor.u32 $0x1, v35;
	v36 =	vld.idx.msk [tilespmem:v55+s3+$0x0], $0xffff  }
0x4ad: {  	v23 =	vld.idx.msk [tilespmem:v57+s3+$0x0], $0xffff;
	[tilespmem:v17+s18+$0x0] =	vst.idx.msk $0xffff, v0;
	v0 =	vor.u32 $0x2, v34;
	v17 =	vor.u32 v12, v19  }
0x4ae: {  	v47 =	vor.u32 v15, v28;
	v1 =	vld.idx.msk [tilespmem:v1+s3+$0x0], $0xffff;
	[tilespmem:v2+s18+$0x0] =	vst.idx.msk $0xffff, v58;
	v2 =	vor.u32 $0x3, v40  }
0x4af: {  	v49 =	vor.u32 v15, v26;
	v48 =	vor.u32 $0x2, v22;
	[tilespmem:v62+s18+$0x0] =	vst.idx.msk $0xffff, v61;
	v24 =	vld.idx.msk [tilespmem:v60+s3+$0x0], $0xffff  }
0x4b0: {  	v50 =	vor.u32 $0x2, v20;
	v51 =	vor.u32 v15, v31;
	[tilespmem:v45+s18+$0x0] =	vst.idx.msk $0xffff, v44;
	v27 =	vld.idx.msk [tilespmem:v63+s3+$0x0], $0xffff  }
0x4b1: {  	v52 =	vor.u32 v15, v30;
	[tilespmem:v16+s18+$0x0] =	vst.idx.msk $0xffff, v36;
	v16 =	vor.u32 $0x2, v29;
	v21 =	vld.idx.msk [tilespmem:v46+s3+$0x0], $0xffff  }
0x4b2: {  	v53 =	vor.u32 $0x2, v35;
	[tilespmem:v17+s18+$0x0] =	vst.idx.msk $0xffff, v23;
	v17 =	vor.u32 v12, v18;
	v0 =	vld.idx.msk [tilespmem:v0+s3+$0x0], $0xffff  }
0x4b3: {  	v54 =	vor.u32 v9, v25;
	[tilespmem:v47+s18+$0x0] =	vst.idx.msk $0xffff, v1;
	v1 =	vor.u32 $0x3, v37;
	v2 =	vld.idx.msk [tilespmem:v2+s3+$0x0], $0xffff  }
0x4b4: {  	v56 =	vor.u32 v12, v28;
	v55 =	vor.u32 $0x3, v34;
	v32 =	vld.idx.msk [tilespmem:v48+s3+$0x0], $0xffff;
	[tilespmem:v49+s18+$0x0] =	vst.idx.msk $0xffff, v24  }
0x4b5: {  	v22 =	vor.u32 $0x3, v22;
	v58 =	vor.u32 v12, v26;
	[tilespmem:v51+s18+$0x0] =	vst.idx.msk $0xffff, v27;
	v57 =	vld.idx.msk [tilespmem:v50+s3+$0x0], $0xffff  }
0x4b6: {  	v20 =	vor.u32 $0x3, v20;
	v60 =	vor.u32 v12, v31;
	[tilespmem:v52+s18+$0x0] =	vst.idx.msk $0xffff, v21;
	v16 =	vld.idx.msk [tilespmem:v16+s3+$0x0], $0xffff  }
0x4b7: {  	[tilespmem:v17+s18+$0x0] =	vst.idx.msk $0xffff, v0;
	v0 =	vor.u32 $0x3, v29;
	v17 =	vor.u32 v12, v30;
	v23 =	vld.idx.msk [tilespmem:v53+s3+$0x0], $0xffff  }
0x4b8: {  	v61 =	vor.u32 $0x3, v35;
	v1 =	vld.idx.msk [tilespmem:v1+s3+$0x0], $0xffff;
	[tilespmem:v54+s18+$0x0] =	vst.idx.msk $0xffff, v2;
	v2 =	vor.u32 v9, v19  }
0x4b9: {  	v62 =	vor.u32 v9, v18;
	v24 =	vld.idx.msk [tilespmem:v55+s3+$0x0], $0xffff;
	[tilespmem:v56+s18+$0x0] =	vst.idx.msk $0xffff, v32  }
0x4ba: {  	v63 =	vor.u32 v9, v28;
	v22 =	vld.idx.msk [tilespmem:v22+s3+$0x0], $0xffff;
	[tilespmem:v58+s18+$0x0] =	vst.idx.msk $0xffff, v57  }
0x4bb: {  	[tilespmem:v60+s18+$0x0] =	vst.idx.msk $0xffff, v16;
	v16 =	vor.u32 v9, v26;
	v20 =	vld.idx.msk [tilespmem:v20+s3+$0x0], $0xffff  }
0x4bc: {  	[tilespmem:v17+s18+$0x0] =	vst.idx.msk $0xffff, v23;
	v17 =	vor.u32 v9, v31;
	v0 =	vld.idx.msk [tilespmem:v0+s3+$0x0], $0xffff  }
0x4bd: {  	[tilespmem:v2+s18+$0x0] =	vst.idx.msk $0xffff, v1;
	v1 =	vld.idx.msk [tilespmem:v61+s3+$0x0], $0xffff;
	v2 =	vor.u32 v9, v30  }
0x4be: {  	[tilespmem:v62+s18+$0x0] =	vst.idx.msk $0xffff, v24  }
0x4bf: {  	[tilespmem:v63+s18+$0x0] =	vst.idx.msk $0xffff, v22  }
0x4c0: {  	[tilespmem:v16+s18+$0x0] =	vst.idx.msk $0xffff, v20  }
.Ltmp10:
0x4c1: {  	p1 =	sgt.u32 s23, $0x2CC;
	s31 =	sshll.u32 s23, $0xC;
	[tilespmem:v17+s18+$0x0] =	vst.idx.msk $0xffff, v0;
	(pc) =	sbr.rel .LBB2_14-.Ltmp10, $4  }
0x4c2: {  	s23 =	sshll.u32 @!p1 s23, $0xA;
	s24 =	sadd.s32 s2, s31;
	[tilespmem:v2+s18+$0x0] =	vst.idx.msk $0xffff, v1  }
0x4c3: {  	v63 =	vmov v14;
	v14 =	vmov v12;
	[hbm4b:s24+s3] =	stream.linear.scatter [tilespmem:s18], [sflag:$0x4], $0x8000, $0x38;
	[tilespmem:$0x14400] =	vst v63  }
0x4c4: {  	s25 =	simm.s32 @!p1 $0x2400;
	s23 =	sadd.s32 @!p1 s23, s10;
	v12 =	vmovc v9;
	v0 =	vmovc v3;
	v3 =	vmov v6;
	v6 =	vmov v59;
	v1 =	vmov v4;
	s24 =	simm.s32 @!p1 $0x0  }
0x4c5: {  	v2 =	vmovc v5;
	v4 =	vmovc v7;
	v5 =	vmov v8;
	v7 =	vmov v10;
	v10 =	vmov v13;
	[tilespmem:s25], [sflag:$0x2] =	stream.linear.gather @!p1 [hbm4b:s23+s24], $0x2000, $0x38;
	[tilespmem:$0x14400] =	vst v63  }
.LBB2_16:
0x4c6: {  	_ =	sfence.sel $0x180000  }
0x4c7: {  	[bflag:$0x0] =	sbarrier.arrive $0xFFFF  }
0x4c8: {  	p0 =	sne.s32 s1, $0x0;
	_ =	strace $0x90000047  }
0x4c9: {  	s0 =	sadd.s32 @!p0 $0x100000, s0;
	[bflag:$0x2] =	sbarrier.arrive $0xFFFF  }
0x4ca: {  	[sflag:s0] =	ssyncadd.tile.s32 @!p0 $0x1;
	_ =	shalt  }
.Lfunc_end2:
_tile_overlayer_lowered:
.L_overlay_start_2:
0x4cb: {  	(tag) =	ssettag $0x2  }
0x4cc: {  	s0 =	rddreg [dreg:$0x0];
	s2 =	stileid.u32  }
0x4cd: {  	s1 =	rddreg [dreg:$0x1];
	p0 =	sne.s32 s2, $0x0  }
0x4ce: {  	s3 =	rddreg [dreg:$0x2];
	[bflag:$0x3] =	sbarrier.arrive $0xFFFF;
	s2 =	simm.s32 @!p0 $0x1C05  }
0x4cf: {  	[timem:s3], [sflag:s2] =	dma.local @!p0 [hbm:s0], s1  }
0x4d0: {  	s0 =	simm.s32 @!p0 $0x5  }
0x4d1: {  	_ =	swait.ge @!p0 [sflag:s0], s1  }
0x4d2: {  	s1 =	ssub.s32 @!p0 $0x0, s1;
	[sflag:s0] =	ssyncset.done @!p0 $0x0  }
0x4d3: {  	[sflag:s0] =	ssyncadd.s32 @!p0 s1  }
0x4d4: {  	[bflag:$0x3] =	sbarrier.arrive $0xFFFF  }
0x4d5: {  	_ =	shalt  }

</sc_bundles>
